<compile_context>
chip_gen: v7x
topology: tpu7x:2x2x1
jax: 0.10.2.dev20260603
libtpu: 0.0.44.dev20260713+nightly
codegen_flags: <defaults>
</compile_context>

<pallas_src>
import functools

import jax
import jax.numpy as jnp
from jax import lax
from jax.experimental import pallas as pl
from jax.experimental.pallas import tpu as pltpu
from jax.experimental.pallas import tpu_sc as plsc

D = 1024
E = 8
N = 8192
BLK = 512
G = N // BLK + E
P = G * BLK

NC = 2
NS = 16
NW = NC * NS
CHUNK = 32


def _make_sc_row_gather(n_rows_table, n_rows_out):
    b_per_w = n_rows_out // NW
    assert b_per_w % CHUNK == 0 and b_per_w % 8 == 0
    nchunks = b_per_w // CHUNK
    mesh = plsc.VectorSubcoreMesh(core_axis_name="c", subcore_axis_name="s")

    @functools.partial(
        pl.kernel,
        mesh=mesh,
        out_type=jax.ShapeDtypeStruct((n_rows_out, D), jnp.float32),
        scratch_types=[
            pltpu.VMEM((b_per_w,), jnp.int32),
            pltpu.VMEM((3, CHUNK, D), jnp.float32),
            pltpu.SemaphoreType.DMA,
            pltpu.SemaphoreType.DMA,
            pltpu.SemaphoreType.DMA,
        ],
    )
    def gather_kernel(table_hbm, idx_hbm, out_hbm, idx_v, buf_v,
                      sem0, sem1, sem2):
        wid = lax.axis_index("s") * NC + lax.axis_index("c")
        base = wid * b_per_w
        pltpu.sync_copy(idx_hbm.at[pl.ds(base, b_per_w)], idx_v)
        sems = (sem0, sem1, sem2)
        nbuf = 3

        def start(c):
            return pltpu.async_copy(
                table_hbm.at[idx_v.at[pl.ds(c * CHUNK, CHUNK)]],
                buf_v.at[c % nbuf], sems[c % nbuf])

        copies = [None] * nbuf
        for c0 in range(min(nbuf - 1, nchunks)):
            copies[c0 % nbuf] = start(c0)
        for c in range(nchunks):
            nxt = c + nbuf - 1
            if nxt < nchunks:
                copies[nxt % nbuf] = start(nxt)
            copies[c % nbuf].wait()
            pltpu.sync_copy(buf_v.at[c % nbuf],
                            out_hbm.at[pl.ds(base + c * CHUNK, CHUNK)])

    return gather_kernel


_gather_out = _make_sc_row_gather(P, N)

_SC_B = N // NW
_SC_NCH = _SC_B // CHUNK

_scatter_mesh = plsc.VectorSubcoreMesh(core_axis_name="c", subcore_axis_name="s")


@functools.partial(
    pl.kernel,
    mesh=_scatter_mesh,
    out_type=[
        jax.ShapeDtypeStruct((P, D), jnp.float32),
        jax.ShapeDtypeStruct((NW, _SC_NCH, CHUNK), jnp.int32),
    ],
    scratch_types=[
        pltpu.VMEM((_SC_NCH, CHUNK), jnp.int32),
        pltpu.VMEM((_SC_B,), jnp.int32),
        pltpu.VMEM((_SC_B,), jnp.int32),
        pltpu.VMEM((16,), jnp.int32),
        pltpu.VMEM((2, CHUNK, D), jnp.float32),
        pltpu.SemaphoreType.DMA,
        pltpu.SemaphoreType.DMA,
        pltpu.SemaphoreType.DMA,
        pltpu.SemaphoreType.DMA,
    ],
)
def _scatter_tokens(tokens_hbm, top1_hbm, grank_hbm, rowoff_hbm, xs_hbm,
                    dst_hbm, idx_v, t1_v, gr_v, ro_v, buf_v,
                    rsem0, rsem1, wsem0, wsem1):
    wid = lax.axis_index("s") * NC + lax.axis_index("c")
    base = wid * _SC_B
    rsems = (rsem0, rsem1)
    prime_rd = pltpu.async_copy(
        tokens_hbm.at[pl.ds(base, CHUNK)], buf_v.at[0], rsems[0])
    pltpu.sync_copy(top1_hbm.at[pl.ds(base, _SC_B)], t1_v)
    pltpu.sync_copy(grank_hbm.at[pl.ds(base, _SC_B)], gr_v)
    pltpu.sync_copy(rowoff_hbm, ro_v)
    ro_vec = ro_v[pl.ds(0, 16)]
    dnums = lax.GatherDimensionNumbers(
        offset_dims=(), collapsed_slice_dims=(0,), start_index_map=(0,))
    for c in range(_SC_NCH):
        for g in range(CHUNK // 16):
            o = c * CHUNK + g * 16
            ro = lax.gather(ro_vec, t1_v[pl.ds(o, 16)][:, None],
                            dimension_numbers=dnums, slice_sizes=(1,),
                            mode=lax.GatherScatterMode.PROMISE_IN_BOUNDS)
            idx_v[c, pl.ds(g * 16, 16)] = ro + gr_v[pl.ds(o, 16)]
    pltpu.sync_copy(idx_v, dst_hbm.at[wid])
    wsems = (wsem0, wsem1)
    pending = [None, None]
    prev_rd = prime_rd
    for c in range(_SC_NCH):
        cur = c % 2
        nxt = (c + 1) % 2
        if c + 1 < _SC_NCH:
            if pending[nxt] is not None:
                pending[nxt].wait()
                pending[nxt] = None
            next_rd = pltpu.async_copy(
                tokens_hbm.at[pl.ds(base + (c + 1) * CHUNK, CHUNK)],
                buf_v.at[nxt], rsems[nxt])
        prev_rd.wait()
        pending[cur] = pltpu.async_copy(
            buf_v.at[cur], xs_hbm.at[idx_v.at[c]], wsems[cur])
        if c + 1 < _SC_NCH:
            prev_rd = next_rd
    for b in range(2):
        if pending[b] is not None:
            pending[b].wait()


TB = 2048
NGB = N // TB


def _gate_body(tok_ref, gw_ref, top1_ref, grank_ref, counts_ref, cnt_ref):
    k = pl.program_id(0)

    @pl.when(k == 0)
    def _():
        cnt_ref[...] = jnp.zeros((1, E), jnp.int32)

    logits = jnp.dot(tok_ref[...], gw_ref[...],
                     preferred_element_type=jnp.float32)
    m = jnp.max(logits, axis=1, keepdims=True)
    iota = lax.broadcasted_iota(jnp.int32, (TB, E), 1)
    t1 = jnp.min(jnp.where(logits == m, iota, E), axis=1)
    oh = (iota == t1[:, None]).astype(jnp.int32)
    incl = oh
    s = 1
    while s < TB:
        incl = incl + jnp.pad(incl, ((s, 0), (0, 0)))[:TB]
        s *= 2
    base = cnt_ref[...]
    g = jnp.sum(oh * (incl - oh + base), axis=1)
    top1_ref[...] = t1.reshape(1, TB // 128, 128)
    grank_ref[...] = g.reshape(1, TB // 128, 128)
    newcnt = base + incl[-1:, :]
    cnt_ref[...] = newcnt

    @pl.when(k == NGB - 1)
    def _():
        counts_ref[...] = newcnt


_gate_call = pl.pallas_call(
    _gate_body,
    grid=(NGB,),
    in_specs=[
        pl.BlockSpec((TB, D), lambda k: (k, 0)),
        pl.BlockSpec((D, E), lambda k: (0, 0)),
    ],
    out_specs=[
        pl.BlockSpec((1, TB // 128, 128), lambda k: (k, 0, 0)),
        pl.BlockSpec((1, TB // 128, 128), lambda k: (k, 0, 0)),
        pl.BlockSpec((1, E), lambda k: (0, 0)),
    ],
    out_shape=[
        jax.ShapeDtypeStruct((NGB, TB // 128, 128), jnp.int32),
        jax.ShapeDtypeStruct((NGB, TB // 128, 128), jnp.int32),
        jax.ShapeDtypeStruct((1, E), jnp.int32),
    ],
    scratch_shapes=[pltpu.VMEM((1, E), jnp.int32)],
)


def _mlp_body(meta_ref, xs_ref, w1_ref, b1_ref, w2_ref, b2_ref, ys_ref):
    k = pl.program_id(0)

    @pl.when(meta_ref[2, k] == 1)
    def _():
        x = xs_ref[...]
        h = jnp.dot(x, w1_ref[0], preferred_element_type=jnp.float32)
        h = jnp.maximum(h + b1_ref[0], 0.0)
        y = jnp.dot(h, w2_ref[0], preferred_element_type=jnp.float32)
        ys_ref[...] = y + b2_ref[0]


_mlp_call = pl.pallas_call(
    _mlp_body,
    grid_spec=pltpu.PrefetchScalarGridSpec(
        num_scalar_prefetch=1,
        grid=(G,),
        in_specs=[
            pl.BlockSpec((BLK, D), lambda k, m: (m[0, k], 0)),
            pl.BlockSpec((1, D, D), lambda k, m: (m[1, k], 0, 0)),
            pl.BlockSpec((1, 1, D), lambda k, m: (m[1, k], 0, 0)),
            pl.BlockSpec((1, D, D), lambda k, m: (m[1, k], 0, 0)),
            pl.BlockSpec((1, 1, D), lambda k, m: (m[1, k], 0, 0)),
        ],
        out_specs=pl.BlockSpec((BLK, D), lambda k, m: (m[0, k], 0)),
    ),
    out_shape=jax.ShapeDtypeStruct((P, D), jnp.float32),
)


def kernel(tokens, gate_w, W1, b1, W2, b2):
    o_top1, o_grank, o_counts = _gate_call(tokens, gate_w)
    top1 = o_top1.reshape(N)
    grank = o_grank.reshape(N)
    counts = o_counts.reshape(E)

    nblk = (counts + BLK - 1) // BLK
    ends = jnp.cumsum(nblk)
    blk_off = ends - nblk
    row_off = jnp.concatenate(
        [(blk_off * BLK).astype(jnp.int32),
         jnp.zeros((16 - E,), jnp.int32)])
    used = ends[-1]
    karr = jnp.arange(G, dtype=jnp.int32)
    valid = (karr < used).astype(jnp.int32)
    xs_idx = jnp.where(valid == 1, karr, used - 1)
    blk_exp = jnp.minimum(
        jnp.sum((karr[:, None] >= ends[None, :]).astype(jnp.int32), axis=1),
        E - 1)
    w_idx = blk_exp[xs_idx]
    meta = jnp.stack([xs_idx, w_idx, valid])

    xs, dst3 = _scatter_tokens(tokens, top1, grank, row_off)
    ys = _mlp_call(meta, xs, W1, b1.reshape(E, 1, D), W2,
                   b2.reshape(E, 1, D))
    return _gather_out(ys, dst3.reshape(N))

# --- scband reference (transcript-rebuilt; emitter-appended) ---
"""Pipeline reference for scband-toy-gated-mo-e-78632261255538 (READ-ONLY COPY).

The authoritative reference and input builder live on the scoring server;
editing this copy changes nothing except your own understanding.
"""

import jax, jax.numpy as jnp
import numpy as np

HIDDEN = 1024
NUM_EXPERTS = 8
N_TOKENS = 8192


def setup_inputs(seed: int = 0) -> dict:
    key = jax.random.key(seed)
    ks = jax.random.split(key, 6)
    tokens = jax.random.normal(ks[0], (N_TOKENS, HIDDEN), dtype=jnp.float32)
    gate_w = jax.random.normal(ks[1], (HIDDEN, NUM_EXPERTS), dtype=jnp.float32) * 0.02
    W1 = jax.random.normal(ks[2], (NUM_EXPERTS, HIDDEN, HIDDEN), dtype=jnp.float32) * 0.02
    b1 = jnp.zeros((NUM_EXPERTS, HIDDEN), dtype=jnp.float32)
    W2 = jax.random.normal(ks[3], (NUM_EXPERTS, HIDDEN, HIDDEN), dtype=jnp.float32) * 0.02
    b2 = jnp.zeros((NUM_EXPERTS, HIDDEN), dtype=jnp.float32)
    return {"tokens": tokens, "gate_w": gate_w, "W1": W1, "b1": b1, "W2": W2, "b2": b2}


def reference(tokens, gate_w, W1, b1, W2, b2):
    # gate: nn.Linear(hidden, num_experts, bias=False)
    logits = tokens @ gate_w                      # [N, E]
    weights = jax.nn.softmax(logits, axis=-1)     # [N, E]
    top1 = jnp.argmax(weights, axis=-1)           # [N]
    outputs = jnp.zeros_like(tokens)
    for e in range(NUM_EXPERTS):
        mask = (top1 == e)[:, None]               # [N, 1]
        h = jax.nn.relu(tokens @ W1[e] + b1[e])   # expert MLP layer 1
        y = h @ W2[e] + b2[e]                     # expert MLP layer 2
        outputs = jnp.where(mask, y, outputs)     # dispatch: overwrite selected rows
    return outputs

if __name__ == "__main__":
    import jax
    _d = setup_inputs()
    print(jax.jit(kernel)(*tuple(_d.values())))

</pallas_src>

<mosaic_0001>
#map = affine_map<(d0, d1) -> (0, 0)>
#map1 = affine_map<(d0, d1) -> (0)>
module attributes {stable_mosaic.version = 14 : i64} {
  func.func @gather_kernel(%arg0: i32, %arg1: i32, %arg2: memref<12288x1024xf32, #tpu.memory_space<hbm>>, %arg3: memref<8192xi32, #tpu.memory_space<hbm>>, %arg4: memref<8192x1024xf32, #tpu.memory_space<hbm>>, %arg5: memref<256xi32, #tpu.memory_space<vmem>>, %arg6: memref<3x32x1024xf32, #tpu.memory_space<vmem>>, %arg7: memref<!tpu.dma_semaphore, #tpu.memory_space<semaphore_mem>>, %arg8: memref<!tpu.dma_semaphore, #tpu.memory_space<semaphore_mem>>, %arg9: memref<!tpu.dma_semaphore, #tpu.memory_space<semaphore_mem>>) attributes {dimension_semantics = [#tpu.dimension_semantics<core_parallel>, #tpu.dimension_semantics<subcore_parallel>], iteration_bounds = array<i64: 2, 16>, scalar_prefetch = 0 : i64, scratch_operands = 5 : i64, tpu.core_type = #tpu.core_type<sc_vector_subcore>, window_params = [{transform_indices = #map}, {transform_indices = #map1}, {transform_indices = #map}]} {
    %mul3A = arith.constant 2 : i32
    %mul3A_0 = arith.muli %arg1, %mul3A : i32
    %add3A = arith.addi %mul3A_0, %arg0 : i32
    %mul3A_1 = arith.constant 256 : i32
    %mul3A_2 = arith.muli %add3A, %mul3A_1 : i32
    "tpu.region"() ({
      %run_scoped3A_184 = tpu.sem_alloc : memref<!tpu.dma_semaphore, #tpu.memory_space<semaphore_mem>>
      %dma_start3A_185 = tpu.memref_slice %arg3[%mul3A_2] : memref<8192xi32, #tpu.memory_space<hbm>> -> memref<256xi32, #tpu.memory_space<hbm>>
      %dma_start3A_186 = tpu.memref_slice %arg3[%mul3A_2] : memref<8192xi32, #tpu.memory_space<hbm>> -> memref<256xi32, #tpu.memory_space<hbm>>
      tpu.enqueue_dma source(%dma_start3A_186 : memref<256xi32, #tpu.memory_space<hbm>>) target(%arg5 : memref<256xi32, #tpu.memory_space<vmem>>) target_semaphore(%run_scoped3A_184 : memref<!tpu.dma_semaphore, #tpu.memory_space<semaphore_mem>>)
      %dma_wait3A_187 = tpu.memref_slice %arg3[%mul3A_2] : memref<8192xi32, #tpu.memory_space<hbm>> -> memref<256xi32, #tpu.memory_space<hbm>>
      %dma_wait3A_188 = tpu.memref_slice %arg3[%mul3A_2] : memref<8192xi32, #tpu.memory_space<hbm>> -> memref<256xi32, #tpu.memory_space<hbm>>
      tpu.wait_dma2 semaphore(%run_scoped3A_184 : memref<!tpu.dma_semaphore, #tpu.memory_space<semaphore_mem>>) src(%dma_wait3A_188 : memref<256xi32, #tpu.memory_space<hbm>>) dst(%arg5 : memref<256xi32, #tpu.memory_space<vmem>>)
      tpu.yield
    }) : () -> ()
    %dma_start3A = arith.constant 0 : i32
    %dma_start3A_3 = arith.constant 0 : i32
    %dma_start3A_4 = arith.constant 0 : i32
    %dma_start3A_5 = tpu.memref_slice %arg6[%dma_start3A, %dma_start3A_3, %dma_start3A_4] : memref<3x32x1024xf32, #tpu.memory_space<vmem>> -> memref<1x32x1024xf32, #tpu.memory_space<vmem>>
    %dma_start3A_6 = tpu.memref_squeeze %dma_start3A_5 : memref<1x32x1024xf32, #tpu.memory_space<vmem>> -> memref<32x1024xf32, #tpu.memory_space<vmem>>
    %dma_start3A_7 = arith.constant 0 : i32
    %dma_start3A_8 = tpu.memref_slice %arg5[%dma_start3A_7] : memref<256xi32, #tpu.memory_space<vmem>> -> memref<32xi32, #tpu.memory_space<vmem>>
    %dma_start3A_9 = arith.constant 0 : i32
    %dma_start3A_10 = arith.constant 0 : i32
    %dma_start3A_11 = tpu.memref_slice %arg2[%dma_start3A_9, %dma_start3A_10] : memref<12288x1024xf32, #tpu.memory_space<hbm>> -> memref<12288x1024xf32, #tpu.memory_space<hbm>>
    tpu.enqueue_indirect_dma source(%dma_start3A_11 : memref<12288x1024xf32, #tpu.memory_space<hbm>>) target(%dma_start3A_6 : memref<32x1024xf32, #tpu.memory_space<vmem>>) offsets(%dma_start3A_8 : memref<32xi32, #tpu.memory_space<vmem>>) semaphore(%arg7 : memref<!tpu.dma_semaphore, #tpu.memory_space<semaphore_mem>>)
    %dma_start3A_12 = arith.constant 1 : i32
    %dma_start3A_13 = arith.constant 0 : i32
    %dma_start3A_14 = arith.constant 0 : i32
    %dma_start3A_15 = tpu.memref_slice %arg6[%dma_start3A_12, %dma_start3A_13, %dma_start3A_14] : memref<3x32x1024xf32, #tpu.memory_space<vmem>> -> memref<1x32x1024xf32, #tpu.memory_space<vmem>>
    %dma_start3A_16 = tpu.memref_squeeze %dma_start3A_15 : memref<1x32x1024xf32, #tpu.memory_space<vmem>> -> memref<32x1024xf32, #tpu.memory_space<vmem>>
    %dma_start3A_17 = arith.constant 32 : i32
    %dma_start3A_18 = tpu.memref_slice %arg5[%dma_start3A_17] : memref<256xi32, #tpu.memory_space<vmem>> -> memref<32xi32, #tpu.memory_space<vmem>>
    %dma_start3A_19 = arith.constant 0 : i32
    %dma_start3A_20 = arith.constant 0 : i32
    %dma_start3A_21 = tpu.memref_slice %arg2[%dma_start3A_19, %dma_start3A_20] : memref<12288x1024xf32, #tpu.memory_space<hbm>> -> memref<12288x1024xf32, #tpu.memory_space<hbm>>
    tpu.enqueue_indirect_dma source(%dma_start3A_21 : memref<12288x1024xf32, #tpu.memory_space<hbm>>) target(%dma_start3A_16 : memref<32x1024xf32, #tpu.memory_space<vmem>>) offsets(%dma_start3A_18 : memref<32xi32, #tpu.memory_space<vmem>>) semaphore(%arg8 : memref<!tpu.dma_semaphore, #tpu.memory_space<semaphore_mem>>)
    %dma_start3A_22 = arith.constant 2 : i32
    %dma_start3A_23 = arith.constant 0 : i32
    %dma_start3A_24 = arith.constant 0 : i32
    %dma_start3A_25 = tpu.memref_slice %arg6[%dma_start3A_22, %dma_start3A_23, %dma_start3A_24] : memref<3x32x1024xf32, #tpu.memory_space<vmem>> -> memref<1x32x1024xf32, #tpu.memory_space<vmem>>
    %dma_start3A_26 = tpu.memref_squeeze %dma_start3A_25 : memref<1x32x1024xf32, #tpu.memory_space<vmem>> -> memref<32x1024xf32, #tpu.memory_space<vmem>>
    %dma_start3A_27 = arith.constant 64 : i32
    %dma_start3A_28 = tpu.memref_slice %arg5[%dma_start3A_27] : memref<256xi32, #tpu.memory_space<vmem>> -> memref<32xi32, #tpu.memory_space<vmem>>
    %dma_start3A_29 = arith.constant 0 : i32
    %dma_start3A_30 = arith.constant 0 : i32
    %dma_start3A_31 = tpu.memref_slice %arg2[%dma_start3A_29, %dma_start3A_30] : memref<12288x1024xf32, #tpu.memory_space<hbm>> -> memref<12288x1024xf32, #tpu.memory_space<hbm>>
    tpu.enqueue_indirect_dma source(%dma_start3A_31 : memref<12288x1024xf32, #tpu.memory_space<hbm>>) target(%dma_start3A_26 : memref<32x1024xf32, #tpu.memory_space<vmem>>) offsets(%dma_start3A_28 : memref<32xi32, #tpu.memory_space<vmem>>) semaphore(%arg9 : memref<!tpu.dma_semaphore, #tpu.memory_space<semaphore_mem>>)
    %dma_wait3A = arith.constant 0 : i32
    %dma_wait3A_32 = arith.constant 0 : i32
    %dma_wait3A_33 = arith.constant 0 : i32
    %dma_wait3A_34 = tpu.memref_slice %arg6[%dma_wait3A, %dma_wait3A_32, %dma_wait3A_33] : memref<3x32x1024xf32, #tpu.memory_space<vmem>> -> memref<1x32x1024xf32, #tpu.memory_space<vmem>>
    %dma_wait3A_35 = tpu.memref_squeeze %dma_wait3A_34 : memref<1x32x1024xf32, #tpu.memory_space<vmem>> -> memref<32x1024xf32, #tpu.memory_space<vmem>>
    %dma_wait3A_36 = arith.constant 0 : i32
    %dma_wait3A_37 = tpu.memref_slice %arg5[%dma_wait3A_36] : memref<256xi32, #tpu.memory_space<vmem>> -> memref<32xi32, #tpu.memory_space<vmem>>
    %dma_wait3A_38 = arith.constant 0 : i32
    %dma_wait3A_39 = arith.constant 0 : i32
    %dma_wait3A_40 = tpu.memref_slice %arg2[%dma_wait3A_38, %dma_wait3A_39] : memref<12288x1024xf32, #tpu.memory_space<hbm>> -> memref<12288x1024xf32, #tpu.memory_space<hbm>>
    tpu.wait_indirect_dma semaphore(%arg7 : memref<!tpu.dma_semaphore, #tpu.memory_space<semaphore_mem>>) src(%dma_wait3A_40 : memref<12288x1024xf32, #tpu.memory_space<hbm>>) dst(%dma_wait3A_35 : memref<32x1024xf32, #tpu.memory_space<vmem>>)
    %add3A_41 = arith.constant 0 : i32
    %add3A_42 = arith.addi %mul3A_2, %add3A_41 : i32
    %run_scoped3A = arith.constant 0 : i32
    "tpu.region"() ({
      %run_scoped3A_184 = tpu.sem_alloc : memref<!tpu.dma_semaphore, #tpu.memory_space<semaphore_mem>>
      %dma_start3A_185 = arith.constant 0 : i32
      %dma_start3A_186 = arith.constant 0 : i32
      %dma_start3A_187 = tpu.memref_slice %arg6[%run_scoped3A, %dma_start3A_185, %dma_start3A_186] : memref<3x32x1024xf32, #tpu.memory_space<vmem>> -> memref<1x32x1024xf32, #tpu.memory_space<vmem>>
      %dma_start3A_188 = tpu.memref_squeeze %dma_start3A_187 : memref<1x32x1024xf32, #tpu.memory_space<vmem>> -> memref<32x1024xf32, #tpu.memory_space<vmem>>
      %dma_start3A_189 = arith.constant 0 : i32
      %dma_start3A_190 = tpu.memref_slice %arg4[%add3A_42, %dma_start3A_189] : memref<8192x1024xf32, #tpu.memory_space<hbm>> -> memref<32x1024xf32, #tpu.memory_space<hbm>>
      %dma_start3A_191 = arith.constant 0 : i32
      %dma_start3A_192 = tpu.memref_slice %arg4[%add3A_42, %dma_start3A_191] : memref<8192x1024xf32, #tpu.memory_space<hbm>> -> memref<32x1024xf32, #tpu.memory_space<hbm>>
      %dma_start3A_193 = arith.constant 0 : i32
      %dma_start3A_194 = arith.constant 0 : i32
      %dma_start3A_195 = tpu.memref_slice %arg6[%run_scoped3A, %dma_start3A_193, %dma_start3A_194] : memref<3x32x1024xf32, #tpu.memory_space<vmem>> -> memref<1x32x1024xf32, #tpu.memory_space<vmem>>
      %dma_start3A_196 = tpu.memref_squeeze %dma_start3A_195 : memref<1x32x1024xf32, #tpu.memory_space<vmem>> -> memref<32x1024xf32, #tpu.memory_space<vmem>>
      tpu.enqueue_dma source(%dma_start3A_196 : memref<32x1024xf32, #tpu.memory_space<vmem>>) target(%dma_start3A_192 : memref<32x1024xf32, #tpu.memory_space<hbm>>) target_semaphore(%run_scoped3A_184 : memref<!tpu.dma_semaphore, #tpu.memory_space<semaphore_mem>>)
      %dma_wait3A_197 = arith.constant 0 : i32
      %dma_wait3A_198 = arith.constant 0 : i32
      %dma_wait3A_199 = tpu.memref_slice %arg6[%run_scoped3A, %dma_wait3A_197, %dma_wait3A_198] : memref<3x32x1024xf32, #tpu.memory_space<vmem>> -> memref<1x32x1024xf32, #tpu.memory_space<vmem>>
      %dma_wait3A_200 = tpu.memref_squeeze %dma_wait3A_199 : memref<1x32x1024xf32, #tpu.memory_space<vmem>> -> memref<32x1024xf32, #tpu.memory_space<vmem>>
      %dma_wait3A_201 = arith.constant 0 : i32
      %dma_wait3A_202 = tpu.memref_slice %arg4[%add3A_42, %dma_wait3A_201] : memref<8192x1024xf32, #tpu.memory_space<hbm>> -> memref<32x1024xf32, #tpu.memory_space<hbm>>
      %dma_wait3A_203 = arith.constant 0 : i32
      %dma_wait3A_204 = tpu.memref_slice %arg4[%add3A_42, %dma_wait3A_203] : memref<8192x1024xf32, #tpu.memory_space<hbm>> -> memref<32x1024xf32, #tpu.memory_space<hbm>>
      %dma_wait3A_205 = arith.constant 0 : i32
      %dma_wait3A_206 = arith.constant 0 : i32
      %dma_wait3A_207 = tpu.memref_slice %arg6[%run_scoped3A, %dma_wait3A_205, %dma_wait3A_206] : memref<3x32x1024xf32, #tpu.memory_space<vmem>> -> memref<1x32x1024xf32, #tpu.memory_space<vmem>>
      %dma_wait3A_208 = tpu.memref_squeeze %dma_wait3A_207 : memref<1x32x1024xf32, #tpu.memory_space<vmem>> -> memref<32x1024xf32, #tpu.memory_space<vmem>>
      tpu.wait_dma2 semaphore(%run_scoped3A_184 : memref<!tpu.dma_semaphore, #tpu.memory_space<semaphore_mem>>) src(%dma_wait3A_208 : memref<32x1024xf32, #tpu.memory_space<vmem>>) dst(%dma_wait3A_204 : memref<32x1024xf32, #tpu.memory_space<hbm>>)
      tpu.yield
    }) : () -> ()
    %dma_start3A_43 = arith.constant 0 : i32
    %dma_start3A_44 = arith.constant 0 : i32
    %dma_start3A_45 = arith.constant 0 : i32
    %dma_start3A_46 = tpu.memref_slice %arg6[%dma_start3A_43, %dma_start3A_44, %dma_start3A_45] : memref<3x32x1024xf32, #tpu.memory_space<vmem>> -> memref<1x32x1024xf32, #tpu.memory_space<vmem>>
    %dma_start3A_47 = tpu.memref_squeeze %dma_start3A_46 : memref<1x32x1024xf32, #tpu.memory_space<vmem>> -> memref<32x1024xf32, #tpu.memory_space<vmem>>
    %dma_start3A_48 = arith.constant 96 : i32
    %dma_start3A_49 = tpu.memref_slice %arg5[%dma_start3A_48] : memref<256xi32, #tpu.memory_space<vmem>> -> memref<32xi32, #tpu.memory_space<vmem>>
    %dma_start3A_50 = arith.constant 0 : i32
    %dma_start3A_51 = arith.constant 0 : i32
    %dma_start3A_52 = tpu.memref_slice %arg2[%dma_start3A_50, %dma_start3A_51] : memref<12288x1024xf32, #tpu.memory_space<hbm>> -> memref<12288x1024xf32, #tpu.memory_space<hbm>>
    tpu.enqueue_indirect_dma source(%dma_start3A_52 : memref<12288x1024xf32, #tpu.memory_space<hbm>>) target(%dma_start3A_47 : memref<32x1024xf32, #tpu.memory_space<vmem>>) offsets(%dma_start3A_49 : memref<32xi32, #tpu.memory_space<vmem>>) semaphore(%arg7 : memref<!tpu.dma_semaphore, #tpu.memory_space<semaphore_mem>>)
    %dma_wait3A_53 = arith.constant 1 : i32
    %dma_wait3A_54 = arith.constant 0 : i32
    %dma_wait3A_55 = arith.constant 0 : i32
    %dma_wait3A_56 = tpu.memref_slice %arg6[%dma_wait3A_53, %dma_wait3A_54, %dma_wait3A_55] : memref<3x32x1024xf32, #tpu.memory_space<vmem>> -> memref<1x32x1024xf32, #tpu.memory_space<vmem>>
    %dma_wait3A_57 = tpu.memref_squeeze %dma_wait3A_56 : memref<1x32x1024xf32, #tpu.memory_space<vmem>> -> memref<32x1024xf32, #tpu.memory_space<vmem>>
    %dma_wait3A_58 = arith.constant 32 : i32
    %dma_wait3A_59 = tpu.memref_slice %arg5[%dma_wait3A_58] : memref<256xi32, #tpu.memory_space<vmem>> -> memref<32xi32, #tpu.memory_space<vmem>>
    %dma_wait3A_60 = arith.constant 0 : i32
    %dma_wait3A_61 = arith.constant 0 : i32
    %dma_wait3A_62 = tpu.memref_slice %arg2[%dma_wait3A_60, %dma_wait3A_61] : memref<12288x1024xf32, #tpu.memory_space<hbm>> -> memref<12288x1024xf32, #tpu.memory_space<hbm>>
    tpu.wait_indirect_dma semaphore(%arg8 : memref<!tpu.dma_semaphore, #tpu.memory_space<semaphore_mem>>) src(%dma_wait3A_62 : memref<12288x1024xf32, #tpu.memory_space<hbm>>) dst(%dma_wait3A_57 : memref<32x1024xf32, #tpu.memory_space<vmem>>)
    %add3A_63 = arith.constant 32 : i32
    %add3A_64 = arith.addi %mul3A_2, %add3A_63 : i32
    %run_scoped3A_65 = arith.constant 1 : i32
    "tpu.region"() ({
      %run_scoped3A_184 = tpu.sem_alloc : memref<!tpu.dma_semaphore, #tpu.memory_space<semaphore_mem>>
      %dma_start3A_185 = arith.constant 0 : i32
      %dma_start3A_186 = arith.constant 0 : i32
      %dma_start3A_187 = tpu.memref_slice %arg6[%run_scoped3A_65, %dma_start3A_185, %dma_start3A_186] : memref<3x32x1024xf32, #tpu.memory_space<vmem>> -> memref<1x32x1024xf32, #tpu.memory_space<vmem>>
      %dma_start3A_188 = tpu.memref_squeeze %dma_start3A_187 : memref<1x32x1024xf32, #tpu.memory_space<vmem>> -> memref<32x1024xf32, #tpu.memory_space<vmem>>
      %dma_start3A_189 = arith.constant 0 : i32
      %dma_start3A_190 = tpu.memref_slice %arg4[%add3A_64, %dma_start3A_189] : memref<8192x1024xf32, #tpu.memory_space<hbm>> -> memref<32x1024xf32, #tpu.memory_space<hbm>>
      %dma_start3A_191 = arith.constant 0 : i32
      %dma_start3A_192 = tpu.memref_slice %arg4[%add3A_64, %dma_start3A_191] : memref<8192x1024xf32, #tpu.memory_space<hbm>> -> memref<32x1024xf32, #tpu.memory_space<hbm>>
      %dma_start3A_193 = arith.constant 0 : i32
      %dma_start3A_194 = arith.constant 0 : i32
      %dma_start3A_195 = tpu.memref_slice %arg6[%run_scoped3A_65, %dma_start3A_193, %dma_start3A_194] : memref<3x32x1024xf32, #tpu.memory_space<vmem>> -> memref<1x32x1024xf32, #tpu.memory_space<vmem>>
      %dma_start3A_196 = tpu.memref_squeeze %dma_start3A_195 : memref<1x32x1024xf32, #tpu.memory_space<vmem>> -> memref<32x1024xf32, #tpu.memory_space<vmem>>
      tpu.enqueue_dma source(%dma_start3A_196 : memref<32x1024xf32, #tpu.memory_space<vmem>>) target(%dma_start3A_192 : memref<32x1024xf32, #tpu.memory_space<hbm>>) target_semaphore(%run_scoped3A_184 : memref<!tpu.dma_semaphore, #tpu.memory_space<semaphore_mem>>)
      %dma_wait3A_197 = arith.constant 0 : i32
      %dma_wait3A_198 = arith.constant 0 : i32
      %dma_wait3A_199 = tpu.memref_slice %arg6[%run_scoped3A_65, %dma_wait3A_197, %dma_wait3A_198] : memref<3x32x1024xf32, #tpu.memory_space<vmem>> -> memref<1x32x1024xf32, #tpu.memory_space<vmem>>
      %dma_wait3A_200 = tpu.memref_squeeze %dma_wait3A_199 : memref<1x32x1024xf32, #tpu.memory_space<vmem>> -> memref<32x1024xf32, #tpu.memory_space<vmem>>
      %dma_wait3A_201 = arith.constant 0 : i32
      %dma_wait3A_202 = tpu.memref_slice %arg4[%add3A_64, %dma_wait3A_201] : memref<8192x1024xf32, #tpu.memory_space<hbm>> -> memref<32x1024xf32, #tpu.memory_space<hbm>>
      %dma_wait3A_203 = arith.constant 0 : i32
      %dma_wait3A_204 = tpu.memref_slice %arg4[%add3A_64, %dma_wait3A_203] : memref<8192x1024xf32, #tpu.memory_space<hbm>> -> memref<32x1024xf32, #tpu.memory_space<hbm>>
      %dma_wait3A_205 = arith.constant 0 : i32
      %dma_wait3A_206 = arith.constant 0 : i32
      %dma_wait3A_207 = tpu.memref_slice %arg6[%run_scoped3A_65, %dma_wait3A_205, %dma_wait3A_206] : memref<3x32x1024xf32, #tpu.memory_space<vmem>> -> memref<1x32x1024xf32, #tpu.memory_space<vmem>>
      %dma_wait3A_208 = tpu.memref_squeeze %dma_wait3A_207 : memref<1x32x1024xf32, #tpu.memory_space<vmem>> -> memref<32x1024xf32, #tpu.memory_space<vmem>>
      tpu.wait_dma2 semaphore(%run_scoped3A_184 : memref<!tpu.dma_semaphore, #tpu.memory_space<semaphore_mem>>) src(%dma_wait3A_208 : memref<32x1024xf32, #tpu.memory_space<vmem>>) dst(%dma_wait3A_204 : memref<32x1024xf32, #tpu.memory_space<hbm>>)
      tpu.yield
    }) : () -> ()
    %dma_start3A_66 = arith.constant 1 : i32
    %dma_start3A_67 = arith.constant 0 : i32
    %dma_start3A_68 = arith.constant 0 : i32
    %dma_start3A_69 = tpu.memref_slice %arg6[%dma_start3A_66, %dma_start3A_67, %dma_start3A_68] : memref<3x32x1024xf32, #tpu.memory_space<vmem>> -> memref<1x32x1024xf32, #tpu.memory_space<vmem>>
    %dma_start3A_70 = tpu.memref_squeeze %dma_start3A_69 : memref<1x32x1024xf32, #tpu.memory_space<vmem>> -> memref<32x1024xf32, #tpu.memory_space<vmem>>
    %dma_start3A_71 = arith.constant 128 : i32
    %dma_start3A_72 = tpu.memref_slice %arg5[%dma_start3A_71] : memref<256xi32, #tpu.memory_space<vmem>> -> memref<32xi32, #tpu.memory_space<vmem>>
    %dma_start3A_73 = arith.constant 0 : i32
    %dma_start3A_74 = arith.constant 0 : i32
    %dma_start3A_75 = tpu.memref_slice %arg2[%dma_start3A_73, %dma_start3A_74] : memref<12288x1024xf32, #tpu.memory_space<hbm>> -> memref<12288x1024xf32, #tpu.memory_space<hbm>>
    tpu.enqueue_indirect_dma source(%dma_start3A_75 : memref<12288x1024xf32, #tpu.memory_space<hbm>>) target(%dma_start3A_70 : memref<32x1024xf32, #tpu.memory_space<vmem>>) offsets(%dma_start3A_72 : memref<32xi32, #tpu.memory_space<vmem>>) semaphore(%arg8 : memref<!tpu.dma_semaphore, #tpu.memory_space<semaphore_mem>>)
    %dma_wait3A_76 = arith.constant 2 : i32
    %dma_wait3A_77 = arith.constant 0 : i32
    %dma_wait3A_78 = arith.constant 0 : i32
    %dma_wait3A_79 = tpu.memref_slice %arg6[%dma_wait3A_76, %dma_wait3A_77, %dma_wait3A_78] : memref<3x32x1024xf32, #tpu.memory_space<vmem>> -> memref<1x32x1024xf32, #tpu.memory_space<vmem>>
    %dma_wait3A_80 = tpu.memref_squeeze %dma_wait3A_79 : memref<1x32x1024xf32, #tpu.memory_space<vmem>> -> memref<32x1024xf32, #tpu.memory_space<vmem>>
    %dma_wait3A_81 = arith.constant 64 : i32
    %dma_wait3A_82 = tpu.memref_slice %arg5[%dma_wait3A_81] : memref<256xi32, #tpu.memory_space<vmem>> -> memref<32xi32, #tpu.memory_space<vmem>>
    %dma_wait3A_83 = arith.constant 0 : i32
    %dma_wait3A_84 = arith.constant 0 : i32
    %dma_wait3A_85 = tpu.memref_slice %arg2[%dma_wait3A_83, %dma_wait3A_84] : memref<12288x1024xf32, #tpu.memory_space<hbm>> -> memref<12288x1024xf32, #tpu.memory_space<hbm>>
    tpu.wait_indirect_dma semaphore(%arg9 : memref<!tpu.dma_semaphore, #tpu.memory_space<semaphore_mem>>) src(%dma_wait3A_85 : memref<12288x1024xf32, #tpu.memory_space<hbm>>) dst(%dma_wait3A_80 : memref<32x1024xf32, #tpu.memory_space<vmem>>)
    %add3A_86 = arith.constant 64 : i32
    %add3A_87 = arith.addi %mul3A_2, %add3A_86 : i32
    %run_scoped3A_88 = arith.constant 2 : i32
    "tpu.region"() ({
      %run_scoped3A_184 = tpu.sem_alloc : memref<!tpu.dma_semaphore, #tpu.memory_space<semaphore_mem>>
      %dma_start3A_185 = arith.constant 0 : i32
      %dma_start3A_186 = arith.constant 0 : i32
      %dma_start3A_187 = tpu.memref_slice %arg6[%run_scoped3A_88, %dma_start3A_185, %dma_start3A_186] : memref<3x32x1024xf32, #tpu.memory_space<vmem>> -> memref<1x32x1024xf32, #tpu.memory_space<vmem>>
      %dma_start3A_188 = tpu.memref_squeeze %dma_start3A_187 : memref<1x32x1024xf32, #tpu.memory_space<vmem>> -> memref<32x1024xf32, #tpu.memory_space<vmem>>
      %dma_start3A_189 = arith.constant 0 : i32
      %dma_start3A_190 = tpu.memref_slice %arg4[%add3A_87, %dma_start3A_189] : memref<8192x1024xf32, #tpu.memory_space<hbm>> -> memref<32x1024xf32, #tpu.memory_space<hbm>>
      %dma_start3A_191 = arith.constant 0 : i32
      %dma_start3A_192 = tpu.memref_slice %arg4[%add3A_87, %dma_start3A_191] : memref<8192x1024xf32, #tpu.memory_space<hbm>> -> memref<32x1024xf32, #tpu.memory_space<hbm>>
      %dma_start3A_193 = arith.constant 0 : i32
      %dma_start3A_194 = arith.constant 0 : i32
      %dma_start3A_195 = tpu.memref_slice %arg6[%run_scoped3A_88, %dma_start3A_193, %dma_start3A_194] : memref<3x32x1024xf32, #tpu.memory_space<vmem>> -> memref<1x32x1024xf32, #tpu.memory_space<vmem>>
      %dma_start3A_196 = tpu.memref_squeeze %dma_start3A_195 : memref<1x32x1024xf32, #tpu.memory_space<vmem>> -> memref<32x1024xf32, #tpu.memory_space<vmem>>
      tpu.enqueue_dma source(%dma_start3A_196 : memref<32x1024xf32, #tpu.memory_space<vmem>>) target(%dma_start3A_192 : memref<32x1024xf32, #tpu.memory_space<hbm>>) target_semaphore(%run_scoped3A_184 : memref<!tpu.dma_semaphore, #tpu.memory_space<semaphore_mem>>)
      %dma_wait3A_197 = arith.constant 0 : i32
      %dma_wait3A_198 = arith.constant 0 : i32
      %dma_wait3A_199 = tpu.memref_slice %arg6[%run_scoped3A_88, %dma_wait3A_197, %dma_wait3A_198] : memref<3x32x1024xf32, #tpu.memory_space<vmem>> -> memref<1x32x1024xf32, #tpu.memory_space<vmem>>
      %dma_wait3A_200 = tpu.memref_squeeze %dma_wait3A_199 : memref<1x32x1024xf32, #tpu.memory_space<vmem>> -> memref<32x1024xf32, #tpu.memory_space<vmem>>
      %dma_wait3A_201 = arith.constant 0 : i32
      %dma_wait3A_202 = tpu.memref_slice %arg4[%add3A_87, %dma_wait3A_201] : memref<8192x1024xf32, #tpu.memory_space<hbm>> -> memref<32x1024xf32, #tpu.memory_space<hbm>>
      %dma_wait3A_203 = arith.constant 0 : i32
      %dma_wait3A_204 = tpu.memref_slice %arg4[%add3A_87, %dma_wait3A_203] : memref<8192x1024xf32, #tpu.memory_space<hbm>> -> memref<32x1024xf32, #tpu.memory_space<hbm>>
      %dma_wait3A_205 = arith.constant 0 : i32
      %dma_wait3A_206 = arith.constant 0 : i32
      %dma_wait3A_207 = tpu.memref_slice %arg6[%run_scoped3A_88, %dma_wait3A_205, %dma_wait3A_206] : memref<3x32x1024xf32, #tpu.memory_space<vmem>> -> memref<1x32x1024xf32, #tpu.memory_space<vmem>>
      %dma_wait3A_208 = tpu.memref_squeeze %dma_wait3A_207 : memref<1x32x1024xf32, #tpu.memory_space<vmem>> -> memref<32x1024xf32, #tpu.memory_space<vmem>>
      tpu.wait_dma2 semaphore(%run_scoped3A_184 : memref<!tpu.dma_semaphore, #tpu.memory_space<semaphore_mem>>) src(%dma_wait3A_208 : memref<32x1024xf32, #tpu.memory_space<vmem>>) dst(%dma_wait3A_204 : memref<32x1024xf32, #tpu.memory_space<hbm>>)
      tpu.yield
    }) : () -> ()
    %dma_start3A_89 = arith.constant 2 : i32
    %dma_start3A_90 = arith.constant 0 : i32
    %dma_start3A_91 = arith.constant 0 : i32
    %dma_start3A_92 = tpu.memref_slice %arg6[%dma_start3A_89, %dma_start3A_90, %dma_start3A_91] : memref<3x32x1024xf32, #tpu.memory_space<vmem>> -> memref<1x32x1024xf32, #tpu.memory_space<vmem>>
    %dma_start3A_93 = tpu.memref_squeeze %dma_start3A_92 : memref<1x32x1024xf32, #tpu.memory_space<vmem>> -> memref<32x1024xf32, #tpu.memory_space<vmem>>
    %dma_start3A_94 = arith.constant 160 : i32
    %dma_start3A_95 = tpu.memref_slice %arg5[%dma_start3A_94] : memref<256xi32, #tpu.memory_space<vmem>> -> memref<32xi32, #tpu.memory_space<vmem>>
    %dma_start3A_96 = arith.constant 0 : i32
    %dma_start3A_97 = arith.constant 0 : i32
    %dma_start3A_98 = tpu.memref_slice %arg2[%dma_start3A_96, %dma_start3A_97] : memref<12288x1024xf32, #tpu.memory_space<hbm>> -> memref<12288x1024xf32, #tpu.memory_space<hbm>>
    tpu.enqueue_indirect_dma source(%dma_start3A_98 : memref<12288x1024xf32, #tpu.memory_space<hbm>>) target(%dma_start3A_93 : memref<32x1024xf32, #tpu.memory_space<vmem>>) offsets(%dma_start3A_95 : memref<32xi32, #tpu.memory_space<vmem>>) semaphore(%arg9 : memref<!tpu.dma_semaphore, #tpu.memory_space<semaphore_mem>>)
    %dma_wait3A_99 = arith.constant 0 : i32
    %dma_wait3A_100 = arith.constant 0 : i32
    %dma_wait3A_101 = arith.constant 0 : i32
    %dma_wait3A_102 = tpu.memref_slice %arg6[%dma_wait3A_99, %dma_wait3A_100, %dma_wait3A_101] : memref<3x32x1024xf32, #tpu.memory_space<vmem>> -> memref<1x32x1024xf32, #tpu.memory_space<vmem>>
    %dma_wait3A_103 = tpu.memref_squeeze %dma_wait3A_102 : memref<1x32x1024xf32, #tpu.memory_space<vmem>> -> memref<32x1024xf32, #tpu.memory_space<vmem>>
    %dma_wait3A_104 = arith.constant 96 : i32
    %dma_wait3A_105 = tpu.memref_slice %arg5[%dma_wait3A_104] : memref<256xi32, #tpu.memory_space<vmem>> -> memref<32xi32, #tpu.memory_space<vmem>>
    %dma_wait3A_106 = arith.constant 0 : i32
    %dma_wait3A_107 = arith.constant 0 : i32
    %dma_wait3A_108 = tpu.memref_slice %arg2[%dma_wait3A_106, %dma_wait3A_107] : memref<12288x1024xf32, #tpu.memory_space<hbm>> -> memref<12288x1024xf32, #tpu.memory_space<hbm>>
    tpu.wait_indirect_dma semaphore(%arg7 : memref<!tpu.dma_semaphore, #tpu.memory_space<semaphore_mem>>) src(%dma_wait3A_108 : memref<12288x1024xf32, #tpu.memory_space<hbm>>) dst(%dma_wait3A_103 : memref<32x1024xf32, #tpu.memory_space<vmem>>)
    %add3A_109 = arith.constant 96 : i32
    %add3A_110 = arith.addi %mul3A_2, %add3A_109 : i32
    %run_scoped3A_111 = arith.constant 0 : i32
    "tpu.region"() ({
      %run_scoped3A_184 = tpu.sem_alloc : memref<!tpu.dma_semaphore, #tpu.memory_space<semaphore_mem>>
      %dma_start3A_185 = arith.constant 0 : i32
      %dma_start3A_186 = arith.constant 0 : i32
      %dma_start3A_187 = tpu.memref_slice %arg6[%run_scoped3A_111, %dma_start3A_185, %dma_start3A_186] : memref<3x32x1024xf32, #tpu.memory_space<vmem>> -> memref<1x32x1024xf32, #tpu.memory_space<vmem>>
      %dma_start3A_188 = tpu.memref_squeeze %dma_start3A_187 : memref<1x32x1024xf32, #tpu.memory_space<vmem>> -> memref<32x1024xf32, #tpu.memory_space<vmem>>
      %dma_start3A_189 = arith.constant 0 : i32
      %dma_start3A_190 = tpu.memref_slice %arg4[%add3A_110, %dma_start3A_189] : memref<8192x1024xf32, #tpu.memory_space<hbm>> -> memref<32x1024xf32, #tpu.memory_space<hbm>>
      %dma_start3A_191 = arith.constant 0 : i32
      %dma_start3A_192 = tpu.memref_slice %arg4[%add3A_110, %dma_start3A_191] : memref<8192x1024xf32, #tpu.memory_space<hbm>> -> memref<32x1024xf32, #tpu.memory_space<hbm>>
      %dma_start3A_193 = arith.constant 0 : i32
      %dma_start3A_194 = arith.constant 0 : i32
      %dma_start3A_195 = tpu.memref_slice %arg6[%run_scoped3A_111, %dma_start3A_193, %dma_start3A_194] : memref<3x32x1024xf32, #tpu.memory_space<vmem>> -> memref<1x32x1024xf32, #tpu.memory_space<vmem>>
      %dma_start3A_196 = tpu.memref_squeeze %dma_start3A_195 : memref<1x32x1024xf32, #tpu.memory_space<vmem>> -> memref<32x1024xf32, #tpu.memory_space<vmem>>
      tpu.enqueue_dma source(%dma_start3A_196 : memref<32x1024xf32, #tpu.memory_space<vmem>>) target(%dma_start3A_192 : memref<32x1024xf32, #tpu.memory_space<hbm>>) target_semaphore(%run_scoped3A_184 : memref<!tpu.dma_semaphore, #tpu.memory_space<semaphore_mem>>)
      %dma_wait3A_197 = arith.constant 0 : i32
      %dma_wait3A_198 = arith.constant 0 : i32
      %dma_wait3A_199 = tpu.memref_slice %arg6[%run_scoped3A_111, %dma_wait3A_197, %dma_wait3A_198] : memref<3x32x1024xf32, #tpu.memory_space<vmem>> -> memref<1x32x1024xf32, #tpu.memory_space<vmem>>
      %dma_wait3A_200 = tpu.memref_squeeze %dma_wait3A_199 : memref<1x32x1024xf32, #tpu.memory_space<vmem>> -> memref<32x1024xf32, #tpu.memory_space<vmem>>
      %dma_wait3A_201 = arith.constant 0 : i32
      %dma_wait3A_202 = tpu.memref_slice %arg4[%add3A_110, %dma_wait3A_201] : memref<8192x1024xf32, #tpu.memory_space<hbm>> -> memref<32x1024xf32, #tpu.memory_space<hbm>>
      %dma_wait3A_203 = arith.constant 0 : i32
      %dma_wait3A_204 = tpu.memref_slice %arg4[%add3A_110, %dma_wait3A_203] : memref<8192x1024xf32, #tpu.memory_space<hbm>> -> memref<32x1024xf32, #tpu.memory_space<hbm>>
      %dma_wait3A_205 = arith.constant 0 : i32
      %dma_wait3A_206 = arith.constant 0 : i32
      %dma_wait3A_207 = tpu.memref_slice %arg6[%run_scoped3A_111, %dma_wait3A_205, %dma_wait3A_206] : memref<3x32x1024xf32, #tpu.memory_space<vmem>> -> memref<1x32x1024xf32, #tpu.memory_space<vmem>>
      %dma_wait3A_208 = tpu.memref_squeeze %dma_wait3A_207 : memref<1x32x1024xf32, #tpu.memory_space<vmem>> -> memref<32x1024xf32, #tpu.memory_space<vmem>>
      tpu.wait_dma2 semaphore(%run_scoped3A_184 : memref<!tpu.dma_semaphore, #tpu.memory_space<semaphore_mem>>) src(%dma_wait3A_208 : memref<32x1024xf32, #tpu.memory_space<vmem>>) dst(%dma_wait3A_204 : memref<32x1024xf32, #tpu.memory_space<hbm>>)
      tpu.yield
    }) : () -> ()
    %dma_start3A_112 = arith.constant 0 : i32
    %dma_start3A_113 = arith.constant 0 : i32
    %dma_start3A_114 = arith.constant 0 : i32
    %dma_start3A_115 = tpu.memref_slice %arg6[%dma_start3A_112, %dma_start3A_113, %dma_start3A_114] : memref<3x32x1024xf32, #tpu.memory_space<vmem>> -> memref<1x32x1024xf32, #tpu.memory_space<vmem>>
    %dma_start3A_116 = tpu.memref_squeeze %dma_start3A_115 : memref<1x32x1024xf32, #tpu.memory_space<vmem>> -> memref<32x1024xf32, #tpu.memory_space<vmem>>
    %dma_start3A_117 = arith.constant 192 : i32
    %dma_start3A_118 = tpu.memref_slice %arg5[%dma_start3A_117] : memref<256xi32, #tpu.memory_space<vmem>> -> memref<32xi32, #tpu.memory_space<vmem>>
    %dma_start3A_119 = arith.constant 0 : i32
    %dma_start3A_120 = arith.constant 0 : i32
    %dma_start3A_121 = tpu.memref_slice %arg2[%dma_start3A_119, %dma_start3A_120] : memref<12288x1024xf32, #tpu.memory_space<hbm>> -> memref<12288x1024xf32, #tpu.memory_space<hbm>>
    tpu.enqueue_indirect_dma source(%dma_start3A_121 : memref<12288x1024xf32, #tpu.memory_space<hbm>>) target(%dma_start3A_116 : memref<32x1024xf32, #tpu.memory_space<vmem>>) offsets(%dma_start3A_118 : memref<32xi32, #tpu.memory_space<vmem>>) semaphore(%arg7 : memref<!tpu.dma_semaphore, #tpu.memory_space<semaphore_mem>>)
    %dma_wait3A_122 = arith.constant 1 : i32
    %dma_wait3A_123 = arith.constant 0 : i32
    %dma_wait3A_124 = arith.constant 0 : i32
    %dma_wait3A_125 = tpu.memref_slice %arg6[%dma_wait3A_122, %dma_wait3A_123, %dma_wait3A_124] : memref<3x32x1024xf32, #tpu.memory_space<vmem>> -> memref<1x32x1024xf32, #tpu.memory_space<vmem>>
    %dma_wait3A_126 = tpu.memref_squeeze %dma_wait3A_125 : memref<1x32x1024xf32, #tpu.memory_space<vmem>> -> memref<32x1024xf32, #tpu.memory_space<vmem>>
    %dma_wait3A_127 = arith.constant 128 : i32
    %dma_wait3A_128 = tpu.memref_slice %arg5[%dma_wait3A_127] : memref<256xi32, #tpu.memory_space<vmem>> -> memref<32xi32, #tpu.memory_space<vmem>>
    %dma_wait3A_129 = arith.constant 0 : i32
    %dma_wait3A_130 = arith.constant 0 : i32
    %dma_wait3A_131 = tpu.memref_slice %arg2[%dma_wait3A_129, %dma_wait3A_130] : memref<12288x1024xf32, #tpu.memory_space<hbm>> -> memref<12288x1024xf32, #tpu.memory_space<hbm>>
    tpu.wait_indirect_dma semaphore(%arg8 : memref<!tpu.dma_semaphore, #tpu.memory_space<semaphore_mem>>) src(%dma_wait3A_131 : memref<12288x1024xf32, #tpu.memory_space<hbm>>) dst(%dma_wait3A_126 : memref<32x1024xf32, #tpu.memory_space<vmem>>)
    %add3A_132 = arith.constant 128 : i32
    %add3A_133 = arith.addi %mul3A_2, %add3A_132 : i32
    %run_scoped3A_134 = arith.constant 1 : i32
    "tpu.region"() ({
      %run_scoped3A_184 = tpu.sem_alloc : memref<!tpu.dma_semaphore, #tpu.memory_space<semaphore_mem>>
      %dma_start3A_185 = arith.constant 0 : i32
      %dma_start3A_186 = arith.constant 0 : i32
      %dma_start3A_187 = tpu.memref_slice %arg6[%run_scoped3A_134, %dma_start3A_185, %dma_start3A_186] : memref<3x32x1024xf32, #tpu.memory_space<vmem>> -> memref<1x32x1024xf32, #tpu.memory_space<vmem>>
      %dma_start3A_188 = tpu.memref_squeeze %dma_start3A_187 : memref<1x32x1024xf32, #tpu.memory_space<vmem>> -> memref<32x1024xf32, #tpu.memory_space<vmem>>
      %dma_start3A_189 = arith.constant 0 : i32
      %dma_start3A_190 = tpu.memref_slice %arg4[%add3A_133, %dma_start3A_189] : memref<8192x1024xf32, #tpu.memory_space<hbm>> -> memref<32x1024xf32, #tpu.memory_space<hbm>>
      %dma_start3A_191 = arith.constant 0 : i32
      %dma_start3A_192 = tpu.memref_slice %arg4[%add3A_133, %dma_start3A_191] : memref<8192x1024xf32, #tpu.memory_space<hbm>> -> memref<32x1024xf32, #tpu.memory_space<hbm>>
      %dma_start3A_193 = arith.constant 0 : i32
      %dma_start3A_194 = arith.constant 0 : i32
      %dma_start3A_195 = tpu.memref_slice %arg6[%run_scoped3A_134, %dma_start3A_193, %dma_start3A_194] : memref<3x32x1024xf32, #tpu.memory_space<vmem>> -> memref<1x32x1024xf32, #tpu.memory_space<vmem>>
      %dma_start3A_196 = tpu.memref_squeeze %dma_start3A_195 : memref<1x32x1024xf32, #tpu.memory_space<vmem>> -> memref<32x1024xf32, #tpu.memory_space<vmem>>
      tpu.enqueue_dma source(%dma_start3A_196 : memref<32x1024xf32, #tpu.memory_space<vmem>>) target(%dma_start3A_192 : memref<32x1024xf32, #tpu.memory_space<hbm>>) target_semaphore(%run_scoped3A_184 : memref<!tpu.dma_semaphore, #tpu.memory_space<semaphore_mem>>)
      %dma_wait3A_197 = arith.constant 0 : i32
      %dma_wait3A_198 = arith.constant 0 : i32
      %dma_wait3A_199 = tpu.memref_slice %arg6[%run_scoped3A_134, %dma_wait3A_197, %dma_wait3A_198] : memref<3x32x1024xf32, #tpu.memory_space<vmem>> -> memref<1x32x1024xf32, #tpu.memory_space<vmem>>
      %dma_wait3A_200 = tpu.memref_squeeze %dma_wait3A_199 : memref<1x32x1024xf32, #tpu.memory_space<vmem>> -> memref<32x1024xf32, #tpu.memory_space<vmem>>
      %dma_wait3A_201 = arith.constant 0 : i32
      %dma_wait3A_202 = tpu.memref_slice %arg4[%add3A_133, %dma_wait3A_201] : memref<8192x1024xf32, #tpu.memory_space<hbm>> -> memref<32x1024xf32, #tpu.memory_space<hbm>>
      %dma_wait3A_203 = arith.constant 0 : i32
      %dma_wait3A_204 = tpu.memref_slice %arg4[%add3A_133, %dma_wait3A_203] : memref<8192x1024xf32, #tpu.memory_space<hbm>> -> memref<32x1024xf32, #tpu.memory_space<hbm>>
      %dma_wait3A_205 = arith.constant 0 : i32
      %dma_wait3A_206 = arith.constant 0 : i32
      %dma_wait3A_207 = tpu.memref_slice %arg6[%run_scoped3A_134, %dma_wait3A_205, %dma_wait3A_206] : memref<3x32x1024xf32, #tpu.memory_space<vmem>> -> memref<1x32x1024xf32, #tpu.memory_space<vmem>>
      %dma_wait3A_208 = tpu.memref_squeeze %dma_wait3A_207 : memref<1x32x1024xf32, #tpu.memory_space<vmem>> -> memref<32x1024xf32, #tpu.memory_space<vmem>>
      tpu.wait_dma2 semaphore(%run_scoped3A_184 : memref<!tpu.dma_semaphore, #tpu.memory_space<semaphore_mem>>) src(%dma_wait3A_208 : memref<32x1024xf32, #tpu.memory_space<vmem>>) dst(%dma_wait3A_204 : memref<32x1024xf32, #tpu.memory_space<hbm>>)
      tpu.yield
    }) : () -> ()
    %dma_start3A_135 = arith.constant 1 : i32
    %dma_start3A_136 = arith.constant 0 : i32
    %dma_start3A_137 = arith.constant 0 : i32
    %dma_start3A_138 = tpu.memref_slice %arg6[%dma_start3A_135, %dma_start3A_136, %dma_start3A_137] : memref<3x32x1024xf32, #tpu.memory_space<vmem>> -> memref<1x32x1024xf32, #tpu.memory_space<vmem>>
    %dma_start3A_139 = tpu.memref_squeeze %dma_start3A_138 : memref<1x32x1024xf32, #tpu.memory_space<vmem>> -> memref<32x1024xf32, #tpu.memory_space<vmem>>
    %dma_start3A_140 = arith.constant 224 : i32
    %dma_start3A_141 = tpu.memref_slice %arg5[%dma_start3A_140] : memref<256xi32, #tpu.memory_space<vmem>> -> memref<32xi32, #tpu.memory_space<vmem>>
    %dma_start3A_142 = arith.constant 0 : i32
    %dma_start3A_143 = arith.constant 0 : i32
    %dma_start3A_144 = tpu.memref_slice %arg2[%dma_start3A_142, %dma_start3A_143] : memref<12288x1024xf32, #tpu.memory_space<hbm>> -> memref<12288x1024xf32, #tpu.memory_space<hbm>>
    tpu.enqueue_indirect_dma source(%dma_start3A_144 : memref<12288x1024xf32, #tpu.memory_space<hbm>>) target(%dma_start3A_139 : memref<32x1024xf32, #tpu.memory_space<vmem>>) offsets(%dma_start3A_141 : memref<32xi32, #tpu.memory_space<vmem>>) semaphore(%arg8 : memref<!tpu.dma_semaphore, #tpu.memory_space<semaphore_mem>>)
    %dma_wait3A_145 = arith.constant 2 : i32
    %dma_wait3A_146 = arith.constant 0 : i32
    %dma_wait3A_147 = arith.constant 0 : i32
    %dma_wait3A_148 = tpu.memref_slice %arg6[%dma_wait3A_145, %dma_wait3A_146, %dma_wait3A_147] : memref<3x32x1024xf32, #tpu.memory_space<vmem>> -> memref<1x32x1024xf32, #tpu.memory_space<vmem>>
    %dma_wait3A_149 = tpu.memref_squeeze %dma_wait3A_148 : memref<1x32x1024xf32, #tpu.memory_space<vmem>> -> memref<32x1024xf32, #tpu.memory_space<vmem>>
    %dma_wait3A_150 = arith.constant 160 : i32
    %dma_wait3A_151 = tpu.memref_slice %arg5[%dma_wait3A_150] : memref<256xi32, #tpu.memory_space<vmem>> -> memref<32xi32, #tpu.memory_space<vmem>>
    %dma_wait3A_152 = arith.constant 0 : i32
    %dma_wait3A_153 = arith.constant 0 : i32
    %dma_wait3A_154 = tpu.memref_slice %arg2[%dma_wait3A_152, %dma_wait3A_153] : memref<12288x1024xf32, #tpu.memory_space<hbm>> -> memref<12288x1024xf32, #tpu.memory_space<hbm>>
    tpu.wait_indirect_dma semaphore(%arg9 : memref<!tpu.dma_semaphore, #tpu.memory_space<semaphore_mem>>) src(%dma_wait3A_154 : memref<12288x1024xf32, #tpu.memory_space<hbm>>) dst(%dma_wait3A_149 : memref<32x1024xf32, #tpu.memory_space<vmem>>)
    %add3A_155 = arith.constant 160 : i32
    %add3A_156 = arith.addi %mul3A_2, %add3A_155 : i32
    %run_scoped3A_157 = arith.constant 2 : i32
    "tpu.region"() ({
      %run_scoped3A_184 = tpu.sem_alloc : memref<!tpu.dma_semaphore, #tpu.memory_space<semaphore_mem>>
      %dma_start3A_185 = arith.constant 0 : i32
      %dma_start3A_186 = arith.constant 0 : i32
      %dma_start3A_187 = tpu.memref_slice %arg6[%run_scoped3A_157, %dma_start3A_185, %dma_start3A_186] : memref<3x32x1024xf32, #tpu.memory_space<vmem>> -> memref<1x32x1024xf32, #tpu.memory_space<vmem>>
      %dma_start3A_188 = tpu.memref_squeeze %dma_start3A_187 : memref<1x32x1024xf32, #tpu.memory_space<vmem>> -> memref<32x1024xf32, #tpu.memory_space<vmem>>
      %dma_start3A_189 = arith.constant 0 : i32
      %dma_start3A_190 = tpu.memref_slice %arg4[%add3A_156, %dma_start3A_189] : memref<8192x1024xf32, #tpu.memory_space<hbm>> -> memref<32x1024xf32, #tpu.memory_space<hbm>>
      %dma_start3A_191 = arith.constant 0 : i32
      %dma_start3A_192 = tpu.memref_slice %arg4[%add3A_156, %dma_start3A_191] : memref<8192x1024xf32, #tpu.memory_space<hbm>> -> memref<32x1024xf32, #tpu.memory_space<hbm>>
      %dma_start3A_193 = arith.constant 0 : i32
      %dma_start3A_194 = arith.constant 0 : i32
      %dma_start3A_195 = tpu.memref_slice %arg6[%run_scoped3A_157, %dma_start3A_193, %dma_start3A_194] : memref<3x32x1024xf32, #tpu.memory_space<vmem>> -> memref<1x32x1024xf32, #tpu.memory_space<vmem>>
      %dma_start3A_196 = tpu.memref_squeeze %dma_start3A_195 : memref<1x32x1024xf32, #tpu.memory_space<vmem>> -> memref<32x1024xf32, #tpu.memory_space<vmem>>
      tpu.enqueue_dma source(%dma_start3A_196 : memref<32x1024xf32, #tpu.memory_space<vmem>>) target(%dma_start3A_192 : memref<32x1024xf32, #tpu.memory_space<hbm>>) target_semaphore(%run_scoped3A_184 : memref<!tpu.dma_semaphore, #tpu.memory_space<semaphore_mem>>)
      %dma_wait3A_197 = arith.constant 0 : i32
      %dma_wait3A_198 = arith.constant 0 : i32
      %dma_wait3A_199 = tpu.memref_slice %arg6[%run_scoped3A_157, %dma_wait3A_197, %dma_wait3A_198] : memref<3x32x1024xf32, #tpu.memory_space<vmem>> -> memref<1x32x1024xf32, #tpu.memory_space<vmem>>
      %dma_wait3A_200 = tpu.memref_squeeze %dma_wait3A_199 : memref<1x32x1024xf32, #tpu.memory_space<vmem>> -> memref<32x1024xf32, #tpu.memory_space<vmem>>
      %dma_wait3A_201 = arith.constant 0 : i32
      %dma_wait3A_202 = tpu.memref_slice %arg4[%add3A_156, %dma_wait3A_201] : memref<8192x1024xf32, #tpu.memory_space<hbm>> -> memref<32x1024xf32, #tpu.memory_space<hbm>>
      %dma_wait3A_203 = arith.constant 0 : i32
      %dma_wait3A_204 = tpu.memref_slice %arg4[%add3A_156, %dma_wait3A_203] : memref<8192x1024xf32, #tpu.memory_space<hbm>> -> memref<32x1024xf32, #tpu.memory_space<hbm>>
      %dma_wait3A_205 = arith.constant 0 : i32
      %dma_wait3A_206 = arith.constant 0 : i32
      %dma_wait3A_207 = tpu.memref_slice %arg6[%run_scoped3A_157, %dma_wait3A_205, %dma_wait3A_206] : memref<3x32x1024xf32, #tpu.memory_space<vmem>> -> memref<1x32x1024xf32, #tpu.memory_space<vmem>>
      %dma_wait3A_208 = tpu.memref_squeeze %dma_wait3A_207 : memref<1x32x1024xf32, #tpu.memory_space<vmem>> -> memref<32x1024xf32, #tpu.memory_space<vmem>>
      tpu.wait_dma2 semaphore(%run_scoped3A_184 : memref<!tpu.dma_semaphore, #tpu.memory_space<semaphore_mem>>) src(%dma_wait3A_208 : memref<32x1024xf32, #tpu.memory_space<vmem>>) dst(%dma_wait3A_204 : memref<32x1024xf32, #tpu.memory_space<hbm>>)
      tpu.yield
    }) : () -> ()
    %dma_wait3A_158 = arith.constant 0 : i32
    %dma_wait3A_159 = arith.constant 0 : i32
    %dma_wait3A_160 = arith.constant 0 : i32
    %dma_wait3A_161 = tpu.memref_slice %arg6[%dma_wait3A_158, %dma_wait3A_159, %dma_wait3A_160] : memref<3x32x1024xf32, #tpu.memory_space<vmem>> -> memref<1x32x1024xf32, #tpu.memory_space<vmem>>
    %dma_wait3A_162 = tpu.memref_squeeze %dma_wait3A_161 : memref<1x32x1024xf32, #tpu.memory_space<vmem>> -> memref<32x1024xf32, #tpu.memory_space<vmem>>
    %dma_wait3A_163 = arith.constant 192 : i32
    %dma_wait3A_164 = tpu.memref_slice %arg5[%dma_wait3A_163] : memref<256xi32, #tpu.memory_space<vmem>> -> memref<32xi32, #tpu.memory_space<vmem>>
    %dma_wait3A_165 = arith.constant 0 : i32
    %dma_wait3A_166 = arith.constant 0 : i32
    %dma_wait3A_167 = tpu.memref_slice %arg2[%dma_wait3A_165, %dma_wait3A_166] : memref<12288x1024xf32, #tpu.memory_space<hbm>> -> memref<12288x1024xf32, #tpu.memory_space<hbm>>
    tpu.wait_indirect_dma semaphore(%arg7 : memref<!tpu.dma_semaphore, #tpu.memory_space<semaphore_mem>>) src(%dma_wait3A_167 : memref<12288x1024xf32, #tpu.memory_space<hbm>>) dst(%dma_wait3A_162 : memref<32x1024xf32, #tpu.memory_space<vmem>>)
    %add3A_168 = arith.constant 192 : i32
    %add3A_169 = arith.addi %mul3A_2, %add3A_168 : i32
    %run_scoped3A_170 = arith.constant 0 : i32
    "tpu.region"() ({
      %run_scoped3A_184 = tpu.sem_alloc : memref<!tpu.dma_semaphore, #tpu.memory_space<semaphore_mem>>
      %dma_start3A_185 = arith.constant 0 : i32
      %dma_start3A_186 = arith.constant 0 : i32
      %dma_start3A_187 = tpu.memref_slice %arg6[%run_scoped3A_170, %dma_start3A_185, %dma_start3A_186] : memref<3x32x1024xf32, #tpu.memory_space<vmem>> -> memref<1x32x1024xf32, #tpu.memory_space<vmem>>
      %dma_start3A_188 = tpu.memref_squeeze %dma_start3A_187 : memref<1x32x1024xf32, #tpu.memory_space<vmem>> -> memref<32x1024xf32, #tpu.memory_space<vmem>>
      %dma_start3A_189 = arith.constant 0 : i32
      %dma_start3A_190 = tpu.memref_slice %arg4[%add3A_169, %dma_start3A_189] : memref<8192x1024xf32, #tpu.memory_space<hbm>> -> memref<32x1024xf32, #tpu.memory_space<hbm>>
      %dma_start3A_191 = arith.constant 0 : i32
      %dma_start3A_192 = tpu.memref_slice %arg4[%add3A_169, %dma_start3A_191] : memref<8192x1024xf32, #tpu.memory_space<hbm>> -> memref<32x1024xf32, #tpu.memory_space<hbm>>
      %dma_start3A_193 = arith.constant 0 : i32
      %dma_start3A_194 = arith.constant 0 : i32
      %dma_start3A_195 = tpu.memref_slice %arg6[%run_scoped3A_170, %dma_start3A_193, %dma_start3A_194] : memref<3x32x1024xf32, #tpu.memory_space<vmem>> -> memref<1x32x1024xf32, #tpu.memory_space<vmem>>
      %dma_start3A_196 = tpu.memref_squeeze %dma_start3A_195 : memref<1x32x1024xf32, #tpu.memory_space<vmem>> -> memref<32x1024xf32, #tpu.memory_space<vmem>>
      tpu.enqueue_dma source(%dma_start3A_196 : memref<32x1024xf32, #tpu.memory_space<vmem>>) target(%dma_start3A_192 : memref<32x1024xf32, #tpu.memory_space<hbm>>) target_semaphore(%run_scoped3A_184 : memref<!tpu.dma_semaphore, #tpu.memory_space<semaphore_mem>>)
      %dma_wait3A_197 = arith.constant 0 : i32
      %dma_wait3A_198 = arith.constant 0 : i32
      %dma_wait3A_199 = tpu.memref_slice %arg6[%run_scoped3A_170, %dma_wait3A_197, %dma_wait3A_198] : memref<3x32x1024xf32, #tpu.memory_space<vmem>> -> memref<1x32x1024xf32, #tpu.memory_space<vmem>>
      %dma_wait3A_200 = tpu.memref_squeeze %dma_wait3A_199 : memref<1x32x1024xf32, #tpu.memory_space<vmem>> -> memref<32x1024xf32, #tpu.memory_space<vmem>>
      %dma_wait3A_201 = arith.constant 0 : i32
      %dma_wait3A_202 = tpu.memref_slice %arg4[%add3A_169, %dma_wait3A_201] : memref<8192x1024xf32, #tpu.memory_space<hbm>> -> memref<32x1024xf32, #tpu.memory_space<hbm>>
      %dma_wait3A_203 = arith.constant 0 : i32
      %dma_wait3A_204 = tpu.memref_slice %arg4[%add3A_169, %dma_wait3A_203] : memref<8192x1024xf32, #tpu.memory_space<hbm>> -> memref<32x1024xf32, #tpu.memory_space<hbm>>
      %dma_wait3A_205 = arith.constant 0 : i32
      %dma_wait3A_206 = arith.constant 0 : i32
      %dma_wait3A_207 = tpu.memref_slice %arg6[%run_scoped3A_170, %dma_wait3A_205, %dma_wait3A_206] : memref<3x32x1024xf32, #tpu.memory_space<vmem>> -> memref<1x32x1024xf32, #tpu.memory_space<vmem>>
      %dma_wait3A_208 = tpu.memref_squeeze %dma_wait3A_207 : memref<1x32x1024xf32, #tpu.memory_space<vmem>> -> memref<32x1024xf32, #tpu.memory_space<vmem>>
      tpu.wait_dma2 semaphore(%run_scoped3A_184 : memref<!tpu.dma_semaphore, #tpu.memory_space<semaphore_mem>>) src(%dma_wait3A_208 : memref<32x1024xf32, #tpu.memory_space<vmem>>) dst(%dma_wait3A_204 : memref<32x1024xf32, #tpu.memory_space<hbm>>)
      tpu.yield
    }) : () -> ()
    %dma_wait3A_171 = arith.constant 1 : i32
    %dma_wait3A_172 = arith.constant 0 : i32
    %dma_wait3A_173 = arith.constant 0 : i32
    %dma_wait3A_174 = tpu.memref_slice %arg6[%dma_wait3A_171, %dma_wait3A_172, %dma_wait3A_173] : memref<3x32x1024xf32, #tpu.memory_space<vmem>> -> memref<1x32x1024xf32, #tpu.memory_space<vmem>>
    %dma_wait3A_175 = tpu.memref_squeeze %dma_wait3A_174 : memref<1x32x1024xf32, #tpu.memory_space<vmem>> -> memref<32x1024xf32, #tpu.memory_space<vmem>>
    %dma_wait3A_176 = arith.constant 224 : i32
    %dma_wait3A_177 = tpu.memref_slice %arg5[%dma_wait3A_176] : memref<256xi32, #tpu.memory_space<vmem>> -> memref<32xi32, #tpu.memory_space<vmem>>
    %dma_wait3A_178 = arith.constant 0 : i32
    %dma_wait3A_179 = arith.constant 0 : i32
    %dma_wait3A_180 = tpu.memref_slice %arg2[%dma_wait3A_178, %dma_wait3A_179] : memref<12288x1024xf32, #tpu.memory_space<hbm>> -> memref<12288x1024xf32, #tpu.memory_space<hbm>>
    tpu.wait_indirect_dma semaphore(%arg8 : memref<!tpu.dma_semaphore, #tpu.memory_space<semaphore_mem>>) src(%dma_wait3A_180 : memref<12288x1024xf32, #tpu.memory_space<hbm>>) dst(%dma_wait3A_175 : memref<32x1024xf32, #tpu.memory_space<vmem>>)
    %add3A_181 = arith.constant 224 : i32
    %add3A_182 = arith.addi %mul3A_2, %add3A_181 : i32
    %run_scoped3A_183 = arith.constant 1 : i32
    "tpu.region"() ({
      %run_scoped3A_184 = tpu.sem_alloc : memref<!tpu.dma_semaphore, #tpu.memory_space<semaphore_mem>>
      %dma_start3A_185 = arith.constant 0 : i32
      %dma_start3A_186 = arith.constant 0 : i32
      %dma_start3A_187 = tpu.memref_slice %arg6[%run_scoped3A_183, %dma_start3A_185, %dma_start3A_186] : memref<3x32x1024xf32, #tpu.memory_space<vmem>> -> memref<1x32x1024xf32, #tpu.memory_space<vmem>>
      %dma_start3A_188 = tpu.memref_squeeze %dma_start3A_187 : memref<1x32x1024xf32, #tpu.memory_space<vmem>> -> memref<32x1024xf32, #tpu.memory_space<vmem>>
      %dma_start3A_189 = arith.constant 0 : i32
      %dma_start3A_190 = tpu.memref_slice %arg4[%add3A_182, %dma_start3A_189] : memref<8192x1024xf32, #tpu.memory_space<hbm>> -> memref<32x1024xf32, #tpu.memory_space<hbm>>
      %dma_start3A_191 = arith.constant 0 : i32
      %dma_start3A_192 = tpu.memref_slice %arg4[%add3A_182, %dma_start3A_191] : memref<8192x1024xf32, #tpu.memory_space<hbm>> -> memref<32x1024xf32, #tpu.memory_space<hbm>>
      %dma_start3A_193 = arith.constant 0 : i32
      %dma_start3A_194 = arith.constant 0 : i32
      %dma_start3A_195 = tpu.memref_slice %arg6[%run_scoped3A_183, %dma_start3A_193, %dma_start3A_194] : memref<3x32x1024xf32, #tpu.memory_space<vmem>> -> memref<1x32x1024xf32, #tpu.memory_space<vmem>>
      %dma_start3A_196 = tpu.memref_squeeze %dma_start3A_195 : memref<1x32x1024xf32, #tpu.memory_space<vmem>> -> memref<32x1024xf32, #tpu.memory_space<vmem>>
      tpu.enqueue_dma source(%dma_start3A_196 : memref<32x1024xf32, #tpu.memory_space<vmem>>) target(%dma_start3A_192 : memref<32x1024xf32, #tpu.memory_space<hbm>>) target_semaphore(%run_scoped3A_184 : memref<!tpu.dma_semaphore, #tpu.memory_space<semaphore_mem>>)
      %dma_wait3A_197 = arith.constant 0 : i32
      %dma_wait3A_198 = arith.constant 0 : i32
      %dma_wait3A_199 = tpu.memref_slice %arg6[%run_scoped3A_183, %dma_wait3A_197, %dma_wait3A_198] : memref<3x32x1024xf32, #tpu.memory_space<vmem>> -> memref<1x32x1024xf32, #tpu.memory_space<vmem>>
      %dma_wait3A_200 = tpu.memref_squeeze %dma_wait3A_199 : memref<1x32x1024xf32, #tpu.memory_space<vmem>> -> memref<32x1024xf32, #tpu.memory_space<vmem>>
      %dma_wait3A_201 = arith.constant 0 : i32
      %dma_wait3A_202 = tpu.memref_slice %arg4[%add3A_182, %dma_wait3A_201] : memref<8192x1024xf32, #tpu.memory_space<hbm>> -> memref<32x1024xf32, #tpu.memory_space<hbm>>
      %dma_wait3A_203 = arith.constant 0 : i32
      %dma_wait3A_204 = tpu.memref_slice %arg4[%add3A_182, %dma_wait3A_203] : memref<8192x1024xf32, #tpu.memory_space<hbm>> -> memref<32x1024xf32, #tpu.memory_space<hbm>>
      %dma_wait3A_205 = arith.constant 0 : i32
      %dma_wait3A_206 = arith.constant 0 : i32
      %dma_wait3A_207 = tpu.memref_slice %arg6[%run_scoped3A_183, %dma_wait3A_205, %dma_wait3A_206] : memref<3x32x1024xf32, #tpu.memory_space<vmem>> -> memref<1x32x1024xf32, #tpu.memory_space<vmem>>
      %dma_wait3A_208 = tpu.memref_squeeze %dma_wait3A_207 : memref<1x32x1024xf32, #tpu.memory_space<vmem>> -> memref<32x1024xf32, #tpu.memory_space<vmem>>
      tpu.wait_dma2 semaphore(%run_scoped3A_184 : memref<!tpu.dma_semaphore, #tpu.memory_space<semaphore_mem>>) src(%dma_wait3A_208 : memref<32x1024xf32, #tpu.memory_space<vmem>>) dst(%dma_wait3A_204 : memref<32x1024xf32, #tpu.memory_space<hbm>>)
      tpu.yield
    }) : () -> ()
    return
  }
}

#map = affine_map<(d0, d1) -> (0, 0)>
#map1 = affine_map<(d0, d1) -> (0)>
#map2 = affine_map<(d0, d1) -> (0, 0, 0)>
module attributes {stable_mosaic.version = 14 : i64} {
  func.func @_scatter_tokens(%arg0: i32, %arg1: i32, %arg2: memref<8192x1024xf32, #tpu.memory_space<hbm>>, %arg3: memref<8192xi32, #tpu.memory_space<hbm>>, %arg4: memref<8192xi32, #tpu.memory_space<hbm>>, %arg5: memref<16xi32, #tpu.memory_space<hbm>>, %arg6: memref<12288x1024xf32, #tpu.memory_space<hbm>>, %arg7: memref<32x8x32xi32, #tpu.memory_space<hbm>>, %arg8: memref<8x32xi32, #tpu.memory_space<vmem>>, %arg9: memref<256xi32, #tpu.memory_space<vmem>>, %arg10: memref<256xi32, #tpu.memory_space<vmem>>, %arg11: memref<16xi32, #tpu.memory_space<vmem>>, %arg12: memref<2x32x1024xf32, #tpu.memory_space<vmem>>, %arg13: memref<!tpu.dma_semaphore, #tpu.memory_space<semaphore_mem>>, %arg14: memref<!tpu.dma_semaphore, #tpu.memory_space<semaphore_mem>>, %arg15: memref<!tpu.dma_semaphore, #tpu.memory_space<semaphore_mem>>, %arg16: memref<!tpu.dma_semaphore, #tpu.memory_space<semaphore_mem>>) attributes {dimension_semantics = [#tpu.dimension_semantics<core_parallel>, #tpu.dimension_semantics<subcore_parallel>], iteration_bounds = array<i64: 2, 16>, scalar_prefetch = 0 : i64, scratch_operands = 9 : i64, tpu.core_type = #tpu.core_type<sc_vector_subcore>, window_params = [{transform_indices = #map}, {transform_indices = #map1}, {transform_indices = #map1}, {transform_indices = #map1}, {transform_indices = #map}, {transform_indices = #map2}]} {
    %mul3A = arith.constant 2 : i32
    %mul3A_0 = arith.muli %arg1, %mul3A : i32
    %add3A = arith.addi %mul3A_0, %arg0 : i32
    %mul3A_1 = arith.constant 256 : i32
    %mul3A_2 = arith.muli %add3A, %mul3A_1 : i32
    %dma_start3A = arith.constant 0 : i32
    %dma_start3A_3 = arith.constant 0 : i32
    %dma_start3A_4 = arith.constant 0 : i32
    %dma_start3A_5 = tpu.memref_slice %arg12[%dma_start3A, %dma_start3A_3, %dma_start3A_4] : memref<2x32x1024xf32, #tpu.memory_space<vmem>> -> memref<1x32x1024xf32, #tpu.memory_space<vmem>>
    %dma_start3A_6 = tpu.memref_squeeze %dma_start3A_5 : memref<1x32x1024xf32, #tpu.memory_space<vmem>> -> memref<32x1024xf32, #tpu.memory_space<vmem>>
    %dma_start3A_7 = arith.constant 0 : i32
    %dma_start3A_8 = tpu.memref_slice %arg2[%mul3A_2, %dma_start3A_7] : memref<8192x1024xf32, #tpu.memory_space<hbm>> -> memref<32x1024xf32, #tpu.memory_space<hbm>>
    %dma_start3A_9 = arith.constant 0 : i32
    %dma_start3A_10 = arith.constant 0 : i32
    %dma_start3A_11 = tpu.memref_slice %arg12[%dma_start3A, %dma_start3A_9, %dma_start3A_10] : memref<2x32x1024xf32, #tpu.memory_space<vmem>> -> memref<1x32x1024xf32, #tpu.memory_space<vmem>>
    %dma_start3A_12 = tpu.memref_squeeze %dma_start3A_11 : memref<1x32x1024xf32, #tpu.memory_space<vmem>> -> memref<32x1024xf32, #tpu.memory_space<vmem>>
    %dma_start3A_13 = arith.constant 0 : i32
    %dma_start3A_14 = tpu.memref_slice %arg2[%mul3A_2, %dma_start3A_13] : memref<8192x1024xf32, #tpu.memory_space<hbm>> -> memref<32x1024xf32, #tpu.memory_space<hbm>>
    tpu.enqueue_dma source(%dma_start3A_14 : memref<32x1024xf32, #tpu.memory_space<hbm>>) target(%dma_start3A_12 : memref<32x1024xf32, #tpu.memory_space<vmem>>) target_semaphore(%arg13 : memref<!tpu.dma_semaphore, #tpu.memory_space<semaphore_mem>>)
    "tpu.region"() ({
      %run_scoped3A = tpu.sem_alloc : memref<!tpu.dma_semaphore, #tpu.memory_space<semaphore_mem>>
      %dma_start3A_670 = tpu.memref_slice %arg3[%mul3A_2] : memref<8192xi32, #tpu.memory_space<hbm>> -> memref<256xi32, #tpu.memory_space<hbm>>
      %dma_start3A_671 = tpu.memref_slice %arg3[%mul3A_2] : memref<8192xi32, #tpu.memory_space<hbm>> -> memref<256xi32, #tpu.memory_space<hbm>>
      tpu.enqueue_dma source(%dma_start3A_671 : memref<256xi32, #tpu.memory_space<hbm>>) target(%arg9 : memref<256xi32, #tpu.memory_space<vmem>>) target_semaphore(%run_scoped3A : memref<!tpu.dma_semaphore, #tpu.memory_space<semaphore_mem>>)
      %dma_wait3A_672 = tpu.memref_slice %arg3[%mul3A_2] : memref<8192xi32, #tpu.memory_space<hbm>> -> memref<256xi32, #tpu.memory_space<hbm>>
      %dma_wait3A_673 = tpu.memref_slice %arg3[%mul3A_2] : memref<8192xi32, #tpu.memory_space<hbm>> -> memref<256xi32, #tpu.memory_space<hbm>>
      tpu.wait_dma2 semaphore(%run_scoped3A : memref<!tpu.dma_semaphore, #tpu.memory_space<semaphore_mem>>) src(%dma_wait3A_673 : memref<256xi32, #tpu.memory_space<hbm>>) dst(%arg9 : memref<256xi32, #tpu.memory_space<vmem>>)
      tpu.yield
    }) : () -> ()
    "tpu.region"() ({
      %run_scoped3A = tpu.sem_alloc : memref<!tpu.dma_semaphore, #tpu.memory_space<semaphore_mem>>
      %dma_start3A_670 = tpu.memref_slice %arg4[%mul3A_2] : memref<8192xi32, #tpu.memory_space<hbm>> -> memref<256xi32, #tpu.memory_space<hbm>>
      %dma_start3A_671 = tpu.memref_slice %arg4[%mul3A_2] : memref<8192xi32, #tpu.memory_space<hbm>> -> memref<256xi32, #tpu.memory_space<hbm>>
      tpu.enqueue_dma source(%dma_start3A_671 : memref<256xi32, #tpu.memory_space<hbm>>) target(%arg10 : memref<256xi32, #tpu.memory_space<vmem>>) target_semaphore(%run_scoped3A : memref<!tpu.dma_semaphore, #tpu.memory_space<semaphore_mem>>)
      %dma_wait3A_672 = tpu.memref_slice %arg4[%mul3A_2] : memref<8192xi32, #tpu.memory_space<hbm>> -> memref<256xi32, #tpu.memory_space<hbm>>
      %dma_wait3A_673 = tpu.memref_slice %arg4[%mul3A_2] : memref<8192xi32, #tpu.memory_space<hbm>> -> memref<256xi32, #tpu.memory_space<hbm>>
      tpu.wait_dma2 semaphore(%run_scoped3A : memref<!tpu.dma_semaphore, #tpu.memory_space<semaphore_mem>>) src(%dma_wait3A_673 : memref<256xi32, #tpu.memory_space<hbm>>) dst(%arg10 : memref<256xi32, #tpu.memory_space<vmem>>)
      tpu.yield
    }) : () -> ()
    "tpu.region"() ({
      %run_scoped3A = tpu.sem_alloc : memref<!tpu.dma_semaphore, #tpu.memory_space<semaphore_mem>>
      tpu.enqueue_dma source(%arg5 : memref<16xi32, #tpu.memory_space<hbm>>) target(%arg11 : memref<16xi32, #tpu.memory_space<vmem>>) target_semaphore(%run_scoped3A : memref<!tpu.dma_semaphore, #tpu.memory_space<semaphore_mem>>)
      tpu.wait_dma2 semaphore(%run_scoped3A : memref<!tpu.dma_semaphore, #tpu.memory_space<semaphore_mem>>) src(%arg5 : memref<16xi32, #tpu.memory_space<hbm>>) dst(%arg11 : memref<16xi32, #tpu.memory_space<vmem>>)
      tpu.yield
    }) : () -> ()
    %get3A = arith.constant 0 : index
    %get3A_15 = tpu.vector_load %arg11[%get3A] {strides = array<i32>} : memref<16xi32, #tpu.memory_space<vmem>>, vector<16xi32>,
    %get3A_16 = vector.shape_cast %get3A_15 : vector<16xi32> to vector<16xi32>
    %get3A_17 = arith.constant 0 : index
    %get3A_18 = tpu.vector_load %arg9[%get3A_17] {strides = array<i32>} : memref<256xi32, #tpu.memory_space<vmem>>, vector<16xi32>,
    %get3A_19 = vector.shape_cast %get3A_18 : vector<16xi32> to vector<16xi32>
    %broadcast_in_dim3A = vector.shape_cast %get3A_19 : vector<16xi32> to vector<16x1xi32>
    %gather3A = vector.shape_cast %broadcast_in_dim3A : vector<16x1xi32> to vector<16xi32>
    %gather3A_20 = tpu.dynamic_gather %get3A_16[%gather3A] in [0] : vector<16xi32>, vector<16xi32> -> vector<16xi32>
    %get3A_21 = arith.constant 0 : index
    %get3A_22 = tpu.vector_load %arg10[%get3A_21] {strides = array<i32>} : memref<256xi32, #tpu.memory_space<vmem>>, vector<16xi32>,
    %get3A_23 = vector.shape_cast %get3A_22 : vector<16xi32> to vector<16xi32>
    %add3A_24 = arith.addi %gather3A_20, %get3A_23 : vector<16xi32>
    %swap3A = arith.constant 0 : i32
    %swap3A_25 = arith.index_cast %swap3A : i32 to index
    %swap3A_26 = arith.constant 0 : index
    %swap3A_27 = tpu.vector_load %arg8[%swap3A_25, %swap3A_26] {strides = array<i32>} : memref<8x32xi32, #tpu.memory_space<vmem>>, vector<1x16xi32>,
    %swap3A_28 = vector.shape_cast %swap3A_27 : vector<1x16xi32> to vector<16xi32>
    %swap3A_29 = vector.shape_cast %add3A_24 : vector<16xi32> to vector<1x16xi32>
    tpu.vector_store %arg8[%swap3A_25, %swap3A_26], %swap3A_29 {strides = array<i32>} : memref<8x32xi32, #tpu.memory_space<vmem>>, vector<1x16xi32>,
    %get3A_30 = arith.constant 16 : index
    %get3A_31 = tpu.vector_load %arg9[%get3A_30] {strides = array<i32>} : memref<256xi32, #tpu.memory_space<vmem>>, vector<16xi32>,
    %get3A_32 = vector.shape_cast %get3A_31 : vector<16xi32> to vector<16xi32>
    %broadcast_in_dim3A_33 = vector.shape_cast %get3A_32 : vector<16xi32> to vector<16x1xi32>
    %gather3A_34 = vector.shape_cast %broadcast_in_dim3A_33 : vector<16x1xi32> to vector<16xi32>
    %gather3A_35 = tpu.dynamic_gather %get3A_16[%gather3A_34] in [0] : vector<16xi32>, vector<16xi32> -> vector<16xi32>
    %get3A_36 = arith.constant 16 : index
    %get3A_37 = tpu.vector_load %arg10[%get3A_36] {strides = array<i32>} : memref<256xi32, #tpu.memory_space<vmem>>, vector<16xi32>,
    %get3A_38 = vector.shape_cast %get3A_37 : vector<16xi32> to vector<16xi32>
    %add3A_39 = arith.addi %gather3A_35, %get3A_38 : vector<16xi32>
    %swap3A_40 = arith.constant 0 : i32
    %swap3A_41 = arith.index_cast %swap3A_40 : i32 to index
    %swap3A_42 = arith.constant 16 : index
    %swap3A_43 = tpu.vector_load %arg8[%swap3A_41, %swap3A_42] {strides = array<i32>} : memref<8x32xi32, #tpu.memory_space<vmem>>, vector<1x16xi32>,
    %swap3A_44 = vector.shape_cast %swap3A_43 : vector<1x16xi32> to vector<16xi32>
    %swap3A_45 = vector.shape_cast %add3A_39 : vector<16xi32> to vector<1x16xi32>
    tpu.vector_store %arg8[%swap3A_41, %swap3A_42], %swap3A_45 {strides = array<i32>} : memref<8x32xi32, #tpu.memory_space<vmem>>, vector<1x16xi32>,
    %get3A_46 = arith.constant 32 : index
    %get3A_47 = tpu.vector_load %arg9[%get3A_46] {strides = array<i32>} : memref<256xi32, #tpu.memory_space<vmem>>, vector<16xi32>,
    %get3A_48 = vector.shape_cast %get3A_47 : vector<16xi32> to vector<16xi32>
    %broadcast_in_dim3A_49 = vector.shape_cast %get3A_48 : vector<16xi32> to vector<16x1xi32>
    %gather3A_50 = vector.shape_cast %broadcast_in_dim3A_49 : vector<16x1xi32> to vector<16xi32>
    %gather3A_51 = tpu.dynamic_gather %get3A_16[%gather3A_50] in [0] : vector<16xi32>, vector<16xi32> -> vector<16xi32>
    %get3A_52 = arith.constant 32 : index
    %get3A_53 = tpu.vector_load %arg10[%get3A_52] {strides = array<i32>} : memref<256xi32, #tpu.memory_space<vmem>>, vector<16xi32>,
    %get3A_54 = vector.shape_cast %get3A_53 : vector<16xi32> to vector<16xi32>
    %add3A_55 = arith.addi %gather3A_51, %get3A_54 : vector<16xi32>
    %swap3A_56 = arith.constant 1 : i32
    %swap3A_57 = arith.index_cast %swap3A_56 : i32 to index
    %swap3A_58 = arith.constant 0 : index
    %swap3A_59 = tpu.vector_load %arg8[%swap3A_57, %swap3A_58] {strides = array<i32>} : memref<8x32xi32, #tpu.memory_space<vmem>>, vector<1x16xi32>,
    %swap3A_60 = vector.shape_cast %swap3A_59 : vector<1x16xi32> to vector<16xi32>
    %swap3A_61 = vector.shape_cast %add3A_55 : vector<16xi32> to vector<1x16xi32>
    tpu.vector_store %arg8[%swap3A_57, %swap3A_58], %swap3A_61 {strides = array<i32>} : memref<8x32xi32, #tpu.memory_space<vmem>>, vector<1x16xi32>,
    %get3A_62 = arith.constant 48 : index
    %get3A_63 = tpu.vector_load %arg9[%get3A_62] {strides = array<i32>} : memref<256xi32, #tpu.memory_space<vmem>>, vector<16xi32>,
    %get3A_64 = vector.shape_cast %get3A_63 : vector<16xi32> to vector<16xi32>
    %broadcast_in_dim3A_65 = vector.shape_cast %get3A_64 : vector<16xi32> to vector<16x1xi32>
    %gather3A_66 = vector.shape_cast %broadcast_in_dim3A_65 : vector<16x1xi32> to vector<16xi32>
    %gather3A_67 = tpu.dynamic_gather %get3A_16[%gather3A_66] in [0] : vector<16xi32>, vector<16xi32> -> vector<16xi32>
    %get3A_68 = arith.constant 48 : index
    %get3A_69 = tpu.vector_load %arg10[%get3A_68] {strides = array<i32>} : memref<256xi32, #tpu.memory_space<vmem>>, vector<16xi32>,
    %get3A_70 = vector.shape_cast %get3A_69 : vector<16xi32> to vector<16xi32>
    %add3A_71 = arith.addi %gather3A_67, %get3A_70 : vector<16xi32>
    %swap3A_72 = arith.constant 1 : i32
    %swap3A_73 = arith.index_cast %swap3A_72 : i32 to index
    %swap3A_74 = arith.constant 16 : index
    %swap3A_75 = tpu.vector_load %arg8[%swap3A_73, %swap3A_74] {strides = array<i32>} : memref<8x32xi32, #tpu.memory_space<vmem>>, vector<1x16xi32>,
    %swap3A_76 = vector.shape_cast %swap3A_75 : vector<1x16xi32> to vector<16xi32>
    %swap3A_77 = vector.shape_cast %add3A_71 : vector<16xi32> to vector<1x16xi32>
    tpu.vector_store %arg8[%swap3A_73, %swap3A_74], %swap3A_77 {strides = array<i32>} : memref<8x32xi32, #tpu.memory_space<vmem>>, vector<1x16xi32>,
    %get3A_78 = arith.constant 64 : index
    %get3A_79 = tpu.vector_load %arg9[%get3A_78] {strides = array<i32>} : memref<256xi32, #tpu.memory_space<vmem>>, vector<16xi32>,
    %get3A_80 = vector.shape_cast %get3A_79 : vector<16xi32> to vector<16xi32>
    %broadcast_in_dim3A_81 = vector.shape_cast %get3A_80 : vector<16xi32> to vector<16x1xi32>
    %gather3A_82 = vector.shape_cast %broadcast_in_dim3A_81 : vector<16x1xi32> to vector<16xi32>
    %gather3A_83 = tpu.dynamic_gather %get3A_16[%gather3A_82] in [0] : vector<16xi32>, vector<16xi32> -> vector<16xi32>
    %get3A_84 = arith.constant 64 : index
    %get3A_85 = tpu.vector_load %arg10[%get3A_84] {strides = array<i32>} : memref<256xi32, #tpu.memory_space<vmem>>, vector<16xi32>,
    %get3A_86 = vector.shape_cast %get3A_85 : vector<16xi32> to vector<16xi32>
    %add3A_87 = arith.addi %gather3A_83, %get3A_86 : vector<16xi32>
    %swap3A_88 = arith.constant 2 : i32
    %swap3A_89 = arith.index_cast %swap3A_88 : i32 to index
    %swap3A_90 = arith.constant 0 : index
    %swap3A_91 = tpu.vector_load %arg8[%swap3A_89, %swap3A_90] {strides = array<i32>} : memref<8x32xi32, #tpu.memory_space<vmem>>, vector<1x16xi32>,
    %swap3A_92 = vector.shape_cast %swap3A_91 : vector<1x16xi32> to vector<16xi32>
    %swap3A_93 = vector.shape_cast %add3A_87 : vector<16xi32> to vector<1x16xi32>
    tpu.vector_store %arg8[%swap3A_89, %swap3A_90], %swap3A_93 {strides = array<i32>} : memref<8x32xi32, #tpu.memory_space<vmem>>, vector<1x16xi32>,
    %get3A_94 = arith.constant 80 : index
    %get3A_95 = tpu.vector_load %arg9[%get3A_94] {strides = array<i32>} : memref<256xi32, #tpu.memory_space<vmem>>, vector<16xi32>,
    %get3A_96 = vector.shape_cast %get3A_95 : vector<16xi32> to vector<16xi32>
    %broadcast_in_dim3A_97 = vector.shape_cast %get3A_96 : vector<16xi32> to vector<16x1xi32>
    %gather3A_98 = vector.shape_cast %broadcast_in_dim3A_97 : vector<16x1xi32> to vector<16xi32>
    %gather3A_99 = tpu.dynamic_gather %get3A_16[%gather3A_98] in [0] : vector<16xi32>, vector<16xi32> -> vector<16xi32>
    %get3A_100 = arith.constant 80 : index
    %get3A_101 = tpu.vector_load %arg10[%get3A_100] {strides = array<i32>} : memref<256xi32, #tpu.memory_space<vmem>>, vector<16xi32>,
    %get3A_102 = vector.shape_cast %get3A_101 : vector<16xi32> to vector<16xi32>
    %add3A_103 = arith.addi %gather3A_99, %get3A_102 : vector<16xi32>
    %swap3A_104 = arith.constant 2 : i32
    %swap3A_105 = arith.index_cast %swap3A_104 : i32 to index
    %swap3A_106 = arith.constant 16 : index
    %swap3A_107 = tpu.vector_load %arg8[%swap3A_105, %swap3A_106] {strides = array<i32>} : memref<8x32xi32, #tpu.memory_space<vmem>>, vector<1x16xi32>,
    %swap3A_108 = vector.shape_cast %swap3A_107 : vector<1x16xi32> to vector<16xi32>
    %swap3A_109 = vector.shape_cast %add3A_103 : vector<16xi32> to vector<1x16xi32>
    tpu.vector_store %arg8[%swap3A_105, %swap3A_106], %swap3A_109 {strides = array<i32>} : memref<8x32xi32, #tpu.memory_space<vmem>>, vector<1x16xi32>,
    %get3A_110 = arith.constant 96 : index
    %get3A_111 = tpu.vector_load %arg9[%get3A_110] {strides = array<i32>} : memref<256xi32, #tpu.memory_space<vmem>>, vector<16xi32>,
    %get3A_112 = vector.shape_cast %get3A_111 : vector<16xi32> to vector<16xi32>
    %broadcast_in_dim3A_113 = vector.shape_cast %get3A_112 : vector<16xi32> to vector<16x1xi32>
    %gather3A_114 = vector.shape_cast %broadcast_in_dim3A_113 : vector<16x1xi32> to vector<16xi32>
    %gather3A_115 = tpu.dynamic_gather %get3A_16[%gather3A_114] in [0] : vector<16xi32>, vector<16xi32> -> vector<16xi32>
    %get3A_116 = arith.constant 96 : index
    %get3A_117 = tpu.vector_load %arg10[%get3A_116] {strides = array<i32>} : memref<256xi32, #tpu.memory_space<vmem>>, vector<16xi32>,
    %get3A_118 = vector.shape_cast %get3A_117 : vector<16xi32> to vector<16xi32>
    %add3A_119 = arith.addi %gather3A_115, %get3A_118 : vector<16xi32>
    %swap3A_120 = arith.constant 3 : i32
    %swap3A_121 = arith.index_cast %swap3A_120 : i32 to index
    %swap3A_122 = arith.constant 0 : index
    %swap3A_123 = tpu.vector_load %arg8[%swap3A_121, %swap3A_122] {strides = array<i32>} : memref<8x32xi32, #tpu.memory_space<vmem>>, vector<1x16xi32>,
    %swap3A_124 = vector.shape_cast %swap3A_123 : vector<1x16xi32> to vector<16xi32>
    %swap3A_125 = vector.shape_cast %add3A_119 : vector<16xi32> to vector<1x16xi32>
    tpu.vector_store %arg8[%swap3A_121, %swap3A_122], %swap3A_125 {strides = array<i32>} : memref<8x32xi32, #tpu.memory_space<vmem>>, vector<1x16xi32>,
    %get3A_126 = arith.constant 112 : index
    %get3A_127 = tpu.vector_load %arg9[%get3A_126] {strides = array<i32>} : memref<256xi32, #tpu.memory_space<vmem>>, vector<16xi32>,
    %get3A_128 = vector.shape_cast %get3A_127 : vector<16xi32> to vector<16xi32>
    %broadcast_in_dim3A_129 = vector.shape_cast %get3A_128 : vector<16xi32> to vector<16x1xi32>
    %gather3A_130 = vector.shape_cast %broadcast_in_dim3A_129 : vector<16x1xi32> to vector<16xi32>
    %gather3A_131 = tpu.dynamic_gather %get3A_16[%gather3A_130] in [0] : vector<16xi32>, vector<16xi32> -> vector<16xi32>
    %get3A_132 = arith.constant 112 : index
    %get3A_133 = tpu.vector_load %arg10[%get3A_132] {strides = array<i32>} : memref<256xi32, #tpu.memory_space<vmem>>, vector<16xi32>,
    %get3A_134 = vector.shape_cast %get3A_133 : vector<16xi32> to vector<16xi32>
    %add3A_135 = arith.addi %gather3A_131, %get3A_134 : vector<16xi32>
    %swap3A_136 = arith.constant 3 : i32
    %swap3A_137 = arith.index_cast %swap3A_136 : i32 to index
    %swap3A_138 = arith.constant 16 : index
    %swap3A_139 = tpu.vector_load %arg8[%swap3A_137, %swap3A_138] {strides = array<i32>} : memref<8x32xi32, #tpu.memory_space<vmem>>, vector<1x16xi32>,
    %swap3A_140 = vector.shape_cast %swap3A_139 : vector<1x16xi32> to vector<16xi32>
    %swap3A_141 = vector.shape_cast %add3A_135 : vector<16xi32> to vector<1x16xi32>
    tpu.vector_store %arg8[%swap3A_137, %swap3A_138], %swap3A_141 {strides = array<i32>} : memref<8x32xi32, #tpu.memory_space<vmem>>, vector<1x16xi32>,
    %get3A_142 = arith.constant 128 : index
    %get3A_143 = tpu.vector_load %arg9[%get3A_142] {strides = array<i32>} : memref<256xi32, #tpu.memory_space<vmem>>, vector<16xi32>,
    %get3A_144 = vector.shape_cast %get3A_143 : vector<16xi32> to vector<16xi32>
    %broadcast_in_dim3A_145 = vector.shape_cast %get3A_144 : vector<16xi32> to vector<16x1xi32>
    %gather3A_146 = vector.shape_cast %broadcast_in_dim3A_145 : vector<16x1xi32> to vector<16xi32>
    %gather3A_147 = tpu.dynamic_gather %get3A_16[%gather3A_146] in [0] : vector<16xi32>, vector<16xi32> -> vector<16xi32>
    %get3A_148 = arith.constant 128 : index
    %get3A_149 = tpu.vector_load %arg10[%get3A_148] {strides = array<i32>} : memref<256xi32, #tpu.memory_space<vmem>>, vector<16xi32>,
    %get3A_150 = vector.shape_cast %get3A_149 : vector<16xi32> to vector<16xi32>
    %add3A_151 = arith.addi %gather3A_147, %get3A_150 : vector<16xi32>
    %swap3A_152 = arith.constant 4 : i32
    %swap3A_153 = arith.index_cast %swap3A_152 : i32 to index
    %swap3A_154 = arith.constant 0 : index
    %swap3A_155 = tpu.vector_load %arg8[%swap3A_153, %swap3A_154] {strides = array<i32>} : memref<8x32xi32, #tpu.memory_space<vmem>>, vector<1x16xi32>,
    %swap3A_156 = vector.shape_cast %swap3A_155 : vector<1x16xi32> to vector<16xi32>
    %swap3A_157 = vector.shape_cast %add3A_151 : vector<16xi32> to vector<1x16xi32>
    tpu.vector_store %arg8[%swap3A_153, %swap3A_154], %swap3A_157 {strides = array<i32>} : memref<8x32xi32, #tpu.memory_space<vmem>>, vector<1x16xi32>,
    %get3A_158 = arith.constant 144 : index
    %get3A_159 = tpu.vector_load %arg9[%get3A_158] {strides = array<i32>} : memref<256xi32, #tpu.memory_space<vmem>>, vector<16xi32>,
    %get3A_160 = vector.shape_cast %get3A_159 : vector<16xi32> to vector<16xi32>
    %broadcast_in_dim3A_161 = vector.shape_cast %get3A_160 : vector<16xi32> to vector<16x1xi32>
    %gather3A_162 = vector.shape_cast %broadcast_in_dim3A_161 : vector<16x1xi32> to vector<16xi32>
    %gather3A_163 = tpu.dynamic_gather %get3A_16[%gather3A_162] in [0] : vector<16xi32>, vector<16xi32> -> vector<16xi32>
    %get3A_164 = arith.constant 144 : index
    %get3A_165 = tpu.vector_load %arg10[%get3A_164] {strides = array<i32>} : memref<256xi32, #tpu.memory_space<vmem>>, vector<16xi32>,
    %get3A_166 = vector.shape_cast %get3A_165 : vector<16xi32> to vector<16xi32>
    %add3A_167 = arith.addi %gather3A_163, %get3A_166 : vector<16xi32>
    %swap3A_168 = arith.constant 4 : i32
    %swap3A_169 = arith.index_cast %swap3A_168 : i32 to index
    %swap3A_170 = arith.constant 16 : index
    %swap3A_171 = tpu.vector_load %arg8[%swap3A_169, %swap3A_170] {strides = array<i32>} : memref<8x32xi32, #tpu.memory_space<vmem>>, vector<1x16xi32>,
    %swap3A_172 = vector.shape_cast %swap3A_171 : vector<1x16xi32> to vector<16xi32>
    %swap3A_173 = vector.shape_cast %add3A_167 : vector<16xi32> to vector<1x16xi32>
    tpu.vector_store %arg8[%swap3A_169, %swap3A_170], %swap3A_173 {strides = array<i32>} : memref<8x32xi32, #tpu.memory_space<vmem>>, vector<1x16xi32>,
    %get3A_174 = arith.constant 160 : index
    %get3A_175 = tpu.vector_load %arg9[%get3A_174] {strides = array<i32>} : memref<256xi32, #tpu.memory_space<vmem>>, vector<16xi32>,
    %get3A_176 = vector.shape_cast %get3A_175 : vector<16xi32> to vector<16xi32>
    %broadcast_in_dim3A_177 = vector.shape_cast %get3A_176 : vector<16xi32> to vector<16x1xi32>
    %gather3A_178 = vector.shape_cast %broadcast_in_dim3A_177 : vector<16x1xi32> to vector<16xi32>
    %gather3A_179 = tpu.dynamic_gather %get3A_16[%gather3A_178] in [0] : vector<16xi32>, vector<16xi32> -> vector<16xi32>
    %get3A_180 = arith.constant 160 : index
    %get3A_181 = tpu.vector_load %arg10[%get3A_180] {strides = array<i32>} : memref<256xi32, #tpu.memory_space<vmem>>, vector<16xi32>,
    %get3A_182 = vector.shape_cast %get3A_181 : vector<16xi32> to vector<16xi32>
    %add3A_183 = arith.addi %gather3A_179, %get3A_182 : vector<16xi32>
    %swap3A_184 = arith.constant 5 : i32
    %swap3A_185 = arith.index_cast %swap3A_184 : i32 to index
    %swap3A_186 = arith.constant 0 : index
    %swap3A_187 = tpu.vector_load %arg8[%swap3A_185, %swap3A_186] {strides = array<i32>} : memref<8x32xi32, #tpu.memory_space<vmem>>, vector<1x16xi32>,
    %swap3A_188 = vector.shape_cast %swap3A_187 : vector<1x16xi32> to vector<16xi32>
    %swap3A_189 = vector.shape_cast %add3A_183 : vector<16xi32> to vector<1x16xi32>
    tpu.vector_store %arg8[%swap3A_185, %swap3A_186], %swap3A_189 {strides = array<i32>} : memref<8x32xi32, #tpu.memory_space<vmem>>, vector<1x16xi32>,
    %get3A_190 = arith.constant 176 : index
    %get3A_191 = tpu.vector_load %arg9[%get3A_190] {strides = array<i32>} : memref<256xi32, #tpu.memory_space<vmem>>, vector<16xi32>,
    %get3A_192 = vector.shape_cast %get3A_191 : vector<16xi32> to vector<16xi32>
    %broadcast_in_dim3A_193 = vector.shape_cast %get3A_192 : vector<16xi32> to vector<16x1xi32>
    %gather3A_194 = vector.shape_cast %broadcast_in_dim3A_193 : vector<16x1xi32> to vector<16xi32>
    %gather3A_195 = tpu.dynamic_gather %get3A_16[%gather3A_194] in [0] : vector<16xi32>, vector<16xi32> -> vector<16xi32>
    %get3A_196 = arith.constant 176 : index
    %get3A_197 = tpu.vector_load %arg10[%get3A_196] {strides = array<i32>} : memref<256xi32, #tpu.memory_space<vmem>>, vector<16xi32>,
    %get3A_198 = vector.shape_cast %get3A_197 : vector<16xi32> to vector<16xi32>
    %add3A_199 = arith.addi %gather3A_195, %get3A_198 : vector<16xi32>
    %swap3A_200 = arith.constant 5 : i32
    %swap3A_201 = arith.index_cast %swap3A_200 : i32 to index
    %swap3A_202 = arith.constant 16 : index
    %swap3A_203 = tpu.vector_load %arg8[%swap3A_201, %swap3A_202] {strides = array<i32>} : memref<8x32xi32, #tpu.memory_space<vmem>>, vector<1x16xi32>,
    %swap3A_204 = vector.shape_cast %swap3A_203 : vector<1x16xi32> to vector<16xi32>
    %swap3A_205 = vector.shape_cast %add3A_199 : vector<16xi32> to vector<1x16xi32>
    tpu.vector_store %arg8[%swap3A_201, %swap3A_202], %swap3A_205 {strides = array<i32>} : memref<8x32xi32, #tpu.memory_space<vmem>>, vector<1x16xi32>,
    %get3A_206 = arith.constant 192 : index
    %get3A_207 = tpu.vector_load %arg9[%get3A_206] {strides = array<i32>} : memref<256xi32, #tpu.memory_space<vmem>>, vector<16xi32>,
    %get3A_208 = vector.shape_cast %get3A_207 : vector<16xi32> to vector<16xi32>
    %broadcast_in_dim3A_209 = vector.shape_cast %get3A_208 : vector<16xi32> to vector<16x1xi32>
    %gather3A_210 = vector.shape_cast %broadcast_in_dim3A_209 : vector<16x1xi32> to vector<16xi32>
    %gather3A_211 = tpu.dynamic_gather %get3A_16[%gather3A_210] in [0] : vector<16xi32>, vector<16xi32> -> vector<16xi32>
    %get3A_212 = arith.constant 192 : index
    %get3A_213 = tpu.vector_load %arg10[%get3A_212] {strides = array<i32>} : memref<256xi32, #tpu.memory_space<vmem>>, vector<16xi32>,
    %get3A_214 = vector.shape_cast %get3A_213 : vector<16xi32> to vector<16xi32>
    %add3A_215 = arith.addi %gather3A_211, %get3A_214 : vector<16xi32>
    %swap3A_216 = arith.constant 6 : i32
    %swap3A_217 = arith.index_cast %swap3A_216 : i32 to index
    %swap3A_218 = arith.constant 0 : index
    %swap3A_219 = tpu.vector_load %arg8[%swap3A_217, %swap3A_218] {strides = array<i32>} : memref<8x32xi32, #tpu.memory_space<vmem>>, vector<1x16xi32>,
    %swap3A_220 = vector.shape_cast %swap3A_219 : vector<1x16xi32> to vector<16xi32>
    %swap3A_221 = vector.shape_cast %add3A_215 : vector<16xi32> to vector<1x16xi32>
    tpu.vector_store %arg8[%swap3A_217, %swap3A_218], %swap3A_221 {strides = array<i32>} : memref<8x32xi32, #tpu.memory_space<vmem>>, vector<1x16xi32>,
    %get3A_222 = arith.constant 208 : index
    %get3A_223 = tpu.vector_load %arg9[%get3A_222] {strides = array<i32>} : memref<256xi32, #tpu.memory_space<vmem>>, vector<16xi32>,
    %get3A_224 = vector.shape_cast %get3A_223 : vector<16xi32> to vector<16xi32>
    %broadcast_in_dim3A_225 = vector.shape_cast %get3A_224 : vector<16xi32> to vector<16x1xi32>
    %gather3A_226 = vector.shape_cast %broadcast_in_dim3A_225 : vector<16x1xi32> to vector<16xi32>
    %gather3A_227 = tpu.dynamic_gather %get3A_16[%gather3A_226] in [0] : vector<16xi32>, vector<16xi32> -> vector<16xi32>
    %get3A_228 = arith.constant 208 : index
    %get3A_229 = tpu.vector_load %arg10[%get3A_228] {strides = array<i32>} : memref<256xi32, #tpu.memory_space<vmem>>, vector<16xi32>,
    %get3A_230 = vector.shape_cast %get3A_229 : vector<16xi32> to vector<16xi32>
    %add3A_231 = arith.addi %gather3A_227, %get3A_230 : vector<16xi32>
    %swap3A_232 = arith.constant 6 : i32
    %swap3A_233 = arith.index_cast %swap3A_232 : i32 to index
    %swap3A_234 = arith.constant 16 : index
    %swap3A_235 = tpu.vector_load %arg8[%swap3A_233, %swap3A_234] {strides = array<i32>} : memref<8x32xi32, #tpu.memory_space<vmem>>, vector<1x16xi32>,
    %swap3A_236 = vector.shape_cast %swap3A_235 : vector<1x16xi32> to vector<16xi32>
    %swap3A_237 = vector.shape_cast %add3A_231 : vector<16xi32> to vector<1x16xi32>
    tpu.vector_store %arg8[%swap3A_233, %swap3A_234], %swap3A_237 {strides = array<i32>} : memref<8x32xi32, #tpu.memory_space<vmem>>, vector<1x16xi32>,
    %get3A_238 = arith.constant 224 : index
    %get3A_239 = tpu.vector_load %arg9[%get3A_238] {strides = array<i32>} : memref<256xi32, #tpu.memory_space<vmem>>, vector<16xi32>,
    %get3A_240 = vector.shape_cast %get3A_239 : vector<16xi32> to vector<16xi32>
    %broadcast_in_dim3A_241 = vector.shape_cast %get3A_240 : vector<16xi32> to vector<16x1xi32>
    %gather3A_242 = vector.shape_cast %broadcast_in_dim3A_241 : vector<16x1xi32> to vector<16xi32>
    %gather3A_243 = tpu.dynamic_gather %get3A_16[%gather3A_242] in [0] : vector<16xi32>, vector<16xi32> -> vector<16xi32>
    %get3A_244 = arith.constant 224 : index
    %get3A_245 = tpu.vector_load %arg10[%get3A_244] {strides = array<i32>} : memref<256xi32, #tpu.memory_space<vmem>>, vector<16xi32>,
    %get3A_246 = vector.shape_cast %get3A_245 : vector<16xi32> to vector<16xi32>
    %add3A_247 = arith.addi %gather3A_243, %get3A_246 : vector<16xi32>
    %swap3A_248 = arith.constant 7 : i32
    %swap3A_249 = arith.index_cast %swap3A_248 : i32 to index
    %swap3A_250 = arith.constant 0 : index
    %swap3A_251 = tpu.vector_load %arg8[%swap3A_249, %swap3A_250] {strides = array<i32>} : memref<8x32xi32, #tpu.memory_space<vmem>>, vector<1x16xi32>,
    %swap3A_252 = vector.shape_cast %swap3A_251 : vector<1x16xi32> to vector<16xi32>
    %swap3A_253 = vector.shape_cast %add3A_247 : vector<16xi32> to vector<1x16xi32>
    tpu.vector_store %arg8[%swap3A_249, %swap3A_250], %swap3A_253 {strides = array<i32>} : memref<8x32xi32, #tpu.memory_space<vmem>>, vector<1x16xi32>,
    %get3A_254 = arith.constant 240 : index
    %get3A_255 = tpu.vector_load %arg9[%get3A_254] {strides = array<i32>} : memref<256xi32, #tpu.memory_space<vmem>>, vector<16xi32>,
    %get3A_256 = vector.shape_cast %get3A_255 : vector<16xi32> to vector<16xi32>
    %broadcast_in_dim3A_257 = vector.shape_cast %get3A_256 : vector<16xi32> to vector<16x1xi32>
    %gather3A_258 = vector.shape_cast %broadcast_in_dim3A_257 : vector<16x1xi32> to vector<16xi32>
    %gather3A_259 = tpu.dynamic_gather %get3A_16[%gather3A_258] in [0] : vector<16xi32>, vector<16xi32> -> vector<16xi32>
    %get3A_260 = arith.constant 240 : index
    %get3A_261 = tpu.vector_load %arg10[%get3A_260] {strides = array<i32>} : memref<256xi32, #tpu.memory_space<vmem>>, vector<16xi32>,
    %get3A_262 = vector.shape_cast %get3A_261 : vector<16xi32> to vector<16xi32>
    %add3A_263 = arith.addi %gather3A_259, %get3A_262 : vector<16xi32>
    %swap3A_264 = arith.constant 7 : i32
    %swap3A_265 = arith.index_cast %swap3A_264 : i32 to index
    %swap3A_266 = arith.constant 16 : index
    %swap3A_267 = tpu.vector_load %arg8[%swap3A_265, %swap3A_266] {strides = array<i32>} : memref<8x32xi32, #tpu.memory_space<vmem>>, vector<1x16xi32>,
    %swap3A_268 = vector.shape_cast %swap3A_267 : vector<1x16xi32> to vector<16xi32>
    %swap3A_269 = vector.shape_cast %add3A_263 : vector<16xi32> to vector<1x16xi32>
    tpu.vector_store %arg8[%swap3A_265, %swap3A_266], %swap3A_269 {strides = array<i32>} : memref<8x32xi32, #tpu.memory_space<vmem>>, vector<1x16xi32>,
    "tpu.region"() ({
      %run_scoped3A = tpu.sem_alloc : memref<!tpu.dma_semaphore, #tpu.memory_space<semaphore_mem>>
      %dma_start3A_670 = arith.constant 0 : i32
      %dma_start3A_671 = arith.constant 0 : i32
      %dma_start3A_672 = tpu.memref_slice %arg7[%add3A, %dma_start3A_670, %dma_start3A_671] : memref<32x8x32xi32, #tpu.memory_space<hbm>> -> memref<1x8x32xi32, #tpu.memory_space<hbm>>
      %dma_start3A_673 = tpu.memref_squeeze %dma_start3A_672 : memref<1x8x32xi32, #tpu.memory_space<hbm>> -> memref<8x32xi32, #tpu.memory_space<hbm>>
      %dma_start3A_674 = arith.constant 0 : i32
      %dma_start3A_675 = arith.constant 0 : i32
      %dma_start3A_676 = tpu.memref_slice %arg7[%add3A, %dma_start3A_674, %dma_start3A_675] : memref<32x8x32xi32, #tpu.memory_space<hbm>> -> memref<1x8x32xi32, #tpu.memory_space<hbm>>
      %dma_start3A_677 = tpu.memref_squeeze %dma_start3A_676 : memref<1x8x32xi32, #tpu.memory_space<hbm>> -> memref<8x32xi32, #tpu.memory_space<hbm>>
      tpu.enqueue_dma source(%arg8 : memref<8x32xi32, #tpu.memory_space<vmem>>) target(%dma_start3A_677 : memref<8x32xi32, #tpu.memory_space<hbm>>) target_semaphore(%run_scoped3A : memref<!tpu.dma_semaphore, #tpu.memory_space<semaphore_mem>>)
      %dma_wait3A_678 = arith.constant 0 : i32
      %dma_wait3A_679 = arith.constant 0 : i32
      %dma_wait3A_680 = tpu.memref_slice %arg7[%add3A, %dma_wait3A_678, %dma_wait3A_679] : memref<32x8x32xi32, #tpu.memory_space<hbm>> -> memref<1x8x32xi32, #tpu.memory_space<hbm>>
      %dma_wait3A_681 = tpu.memref_squeeze %dma_wait3A_680 : memref<1x8x32xi32, #tpu.memory_space<hbm>> -> memref<8x32xi32, #tpu.memory_space<hbm>>
      %dma_wait3A_682 = arith.constant 0 : i32
      %dma_wait3A_683 = arith.constant 0 : i32
      %dma_wait3A_684 = tpu.memref_slice %arg7[%add3A, %dma_wait3A_682, %dma_wait3A_683] : memref<32x8x32xi32, #tpu.memory_space<hbm>> -> memref<1x8x32xi32, #tpu.memory_space<hbm>>
      %dma_wait3A_685 = tpu.memref_squeeze %dma_wait3A_684 : memref<1x8x32xi32, #tpu.memory_space<hbm>> -> memref<8x32xi32, #tpu.memory_space<hbm>>
      tpu.wait_dma2 semaphore(%run_scoped3A : memref<!tpu.dma_semaphore, #tpu.memory_space<semaphore_mem>>) src(%arg8 : memref<8x32xi32, #tpu.memory_space<vmem>>) dst(%dma_wait3A_685 : memref<8x32xi32, #tpu.memory_space<hbm>>)
      tpu.yield
    }) : () -> ()
    %add3A_270 = arith.constant 32 : i32
    %add3A_271 = arith.addi %mul3A_2, %add3A_270 : i32
    %dma_start3A_272 = arith.constant 1 : i32
    %dma_start3A_273 = arith.constant 0 : i32
    %dma_start3A_274 = arith.constant 0 : i32
    %dma_start3A_275 = tpu.memref_slice %arg12[%dma_start3A_272, %dma_start3A_273, %dma_start3A_274] : memref<2x32x1024xf32, #tpu.memory_space<vmem>> -> memref<1x32x1024xf32, #tpu.memory_space<vmem>>
    %dma_start3A_276 = tpu.memref_squeeze %dma_start3A_275 : memref<1x32x1024xf32, #tpu.memory_space<vmem>> -> memref<32x1024xf32, #tpu.memory_space<vmem>>
    %dma_start3A_277 = arith.constant 0 : i32
    %dma_start3A_278 = tpu.memref_slice %arg2[%add3A_271, %dma_start3A_277] : memref<8192x1024xf32, #tpu.memory_space<hbm>> -> memref<32x1024xf32, #tpu.memory_space<hbm>>
    %dma_start3A_279 = arith.constant 0 : i32
    %dma_start3A_280 = arith.constant 0 : i32
    %dma_start3A_281 = tpu.memref_slice %arg12[%dma_start3A_272, %dma_start3A_279, %dma_start3A_280] : memref<2x32x1024xf32, #tpu.memory_space<vmem>> -> memref<1x32x1024xf32, #tpu.memory_space<vmem>>
    %dma_start3A_282 = tpu.memref_squeeze %dma_start3A_281 : memref<1x32x1024xf32, #tpu.memory_space<vmem>> -> memref<32x1024xf32, #tpu.memory_space<vmem>>
    %dma_start3A_283 = arith.constant 0 : i32
    %dma_start3A_284 = tpu.memref_slice %arg2[%add3A_271, %dma_start3A_283] : memref<8192x1024xf32, #tpu.memory_space<hbm>> -> memref<32x1024xf32, #tpu.memory_space<hbm>>
    tpu.enqueue_dma source(%dma_start3A_284 : memref<32x1024xf32, #tpu.memory_space<hbm>>) target(%dma_start3A_282 : memref<32x1024xf32, #tpu.memory_space<vmem>>) target_semaphore(%arg14 : memref<!tpu.dma_semaphore, #tpu.memory_space<semaphore_mem>>)
    %dma_wait3A = arith.constant 0 : i32
    %dma_wait3A_285 = arith.constant 0 : i32
    %dma_wait3A_286 = arith.constant 0 : i32
    %dma_wait3A_287 = tpu.memref_slice %arg12[%dma_wait3A, %dma_wait3A_285, %dma_wait3A_286] : memref<2x32x1024xf32, #tpu.memory_space<vmem>> -> memref<1x32x1024xf32, #tpu.memory_space<vmem>>
    %dma_wait3A_288 = tpu.memref_squeeze %dma_wait3A_287 : memref<1x32x1024xf32, #tpu.memory_space<vmem>> -> memref<32x1024xf32, #tpu.memory_space<vmem>>
    %dma_wait3A_289 = arith.constant 0 : i32
    %dma_wait3A_290 = tpu.memref_slice %arg2[%mul3A_2, %dma_wait3A_289] : memref<8192x1024xf32, #tpu.memory_space<hbm>> -> memref<32x1024xf32, #tpu.memory_space<hbm>>
    %dma_wait3A_291 = arith.constant 0 : i32
    %dma_wait3A_292 = arith.constant 0 : i32
    %dma_wait3A_293 = tpu.memref_slice %arg12[%dma_wait3A, %dma_wait3A_291, %dma_wait3A_292] : memref<2x32x1024xf32, #tpu.memory_space<vmem>> -> memref<1x32x1024xf32, #tpu.memory_space<vmem>>
    %dma_wait3A_294 = tpu.memref_squeeze %dma_wait3A_293 : memref<1x32x1024xf32, #tpu.memory_space<vmem>> -> memref<32x1024xf32, #tpu.memory_space<vmem>>
    %dma_wait3A_295 = arith.constant 0 : i32
    %dma_wait3A_296 = tpu.memref_slice %arg2[%mul3A_2, %dma_wait3A_295] : memref<8192x1024xf32, #tpu.memory_space<hbm>> -> memref<32x1024xf32, #tpu.memory_space<hbm>>
    tpu.wait_dma2 semaphore(%arg13 : memref<!tpu.dma_semaphore, #tpu.memory_space<semaphore_mem>>) src(%dma_wait3A_296 : memref<32x1024xf32, #tpu.memory_space<hbm>>) dst(%dma_wait3A_294 : memref<32x1024xf32, #tpu.memory_space<vmem>>)
    %dma_start3A_297 = arith.constant 0 : i32
    %dma_start3A_298 = arith.constant 0 : i32
    %dma_start3A_299 = arith.constant 0 : i32
    %dma_start3A_300 = arith.constant 0 : i32
    %dma_start3A_301 = tpu.memref_slice %arg12[%dma_start3A_297, %dma_start3A_299, %dma_start3A_300] : memref<2x32x1024xf32, #tpu.memory_space<vmem>> -> memref<1x32x1024xf32, #tpu.memory_space<vmem>>
    %dma_start3A_302 = tpu.memref_squeeze %dma_start3A_301 : memref<1x32x1024xf32, #tpu.memory_space<vmem>> -> memref<32x1024xf32, #tpu.memory_space<vmem>>
    %dma_start3A_303 = arith.constant 0 : i32
    %dma_start3A_304 = tpu.memref_slice %arg8[%dma_start3A_298, %dma_start3A_303] : memref<8x32xi32, #tpu.memory_space<vmem>> -> memref<1x32xi32, #tpu.memory_space<vmem>>
    %dma_start3A_305 = tpu.memref_squeeze %dma_start3A_304 : memref<1x32xi32, #tpu.memory_space<vmem>> -> memref<32xi32, #tpu.memory_space<vmem>>
    %dma_start3A_306 = arith.constant 0 : i32
    %dma_start3A_307 = arith.constant 0 : i32
    %dma_start3A_308 = tpu.memref_slice %arg6[%dma_start3A_306, %dma_start3A_307] : memref<12288x1024xf32, #tpu.memory_space<hbm>> -> memref<12288x1024xf32, #tpu.memory_space<hbm>>
    tpu.enqueue_indirect_dma source(%dma_start3A_302 : memref<32x1024xf32, #tpu.memory_space<vmem>>) target(%dma_start3A_308 : memref<12288x1024xf32, #tpu.memory_space<hbm>>) offsets(%dma_start3A_305 : memref<32xi32, #tpu.memory_space<vmem>>) semaphore(%arg15 : memref<!tpu.dma_semaphore, #tpu.memory_space<semaphore_mem>>)
    %dma_wait3A_309 = arith.constant 0 : i32
    %dma_wait3A_310 = arith.constant 0 : i32
    %dma_wait3A_311 = arith.constant 0 : i32
    %dma_wait3A_312 = arith.constant 0 : i32
    %dma_wait3A_313 = tpu.memref_slice %arg12[%dma_wait3A_309, %dma_wait3A_311, %dma_wait3A_312] : memref<2x32x1024xf32, #tpu.memory_space<vmem>> -> memref<1x32x1024xf32, #tpu.memory_space<vmem>>
    %dma_wait3A_314 = tpu.memref_squeeze %dma_wait3A_313 : memref<1x32x1024xf32, #tpu.memory_space<vmem>> -> memref<32x1024xf32, #tpu.memory_space<vmem>>
    %dma_wait3A_315 = arith.constant 0 : i32
    %dma_wait3A_316 = tpu.memref_slice %arg8[%dma_wait3A_310, %dma_wait3A_315] : memref<8x32xi32, #tpu.memory_space<vmem>> -> memref<1x32xi32, #tpu.memory_space<vmem>>
    %dma_wait3A_317 = tpu.memref_squeeze %dma_wait3A_316 : memref<1x32xi32, #tpu.memory_space<vmem>> -> memref<32xi32, #tpu.memory_space<vmem>>
    %dma_wait3A_318 = arith.constant 0 : i32
    %dma_wait3A_319 = arith.constant 0 : i32
    %dma_wait3A_320 = tpu.memref_slice %arg6[%dma_wait3A_318, %dma_wait3A_319] : memref<12288x1024xf32, #tpu.memory_space<hbm>> -> memref<12288x1024xf32, #tpu.memory_space<hbm>>
    tpu.wait_indirect_dma semaphore(%arg15 : memref<!tpu.dma_semaphore, #tpu.memory_space<semaphore_mem>>) src(%dma_wait3A_314 : memref<32x1024xf32, #tpu.memory_space<vmem>>) dst(%dma_wait3A_320 : memref<12288x1024xf32, #tpu.memory_space<hbm>>)
    %add3A_321 = arith.constant 64 : i32
    %add3A_322 = arith.addi %mul3A_2, %add3A_321 : i32
    %dma_start3A_323 = arith.constant 0 : i32
    %dma_start3A_324 = arith.constant 0 : i32
    %dma_start3A_325 = arith.constant 0 : i32
    %dma_start3A_326 = tpu.memref_slice %arg12[%dma_start3A_323, %dma_start3A_324, %dma_start3A_325] : memref<2x32x1024xf32, #tpu.memory_space<vmem>> -> memref<1x32x1024xf32, #tpu.memory_space<vmem>>
    %dma_start3A_327 = tpu.memref_squeeze %dma_start3A_326 : memref<1x32x1024xf32, #tpu.memory_space<vmem>> -> memref<32x1024xf32, #tpu.memory_space<vmem>>
    %dma_start3A_328 = arith.constant 0 : i32
    %dma_start3A_329 = tpu.memref_slice %arg2[%add3A_322, %dma_start3A_328] : memref<8192x1024xf32, #tpu.memory_space<hbm>> -> memref<32x1024xf32, #tpu.memory_space<hbm>>
    %dma_start3A_330 = arith.constant 0 : i32
    %dma_start3A_331 = arith.constant 0 : i32
    %dma_start3A_332 = tpu.memref_slice %arg12[%dma_start3A_323, %dma_start3A_330, %dma_start3A_331] : memref<2x32x1024xf32, #tpu.memory_space<vmem>> -> memref<1x32x1024xf32, #tpu.memory_space<vmem>>
    %dma_start3A_333 = tpu.memref_squeeze %dma_start3A_332 : memref<1x32x1024xf32, #tpu.memory_space<vmem>> -> memref<32x1024xf32, #tpu.memory_space<vmem>>
    %dma_start3A_334 = arith.constant 0 : i32
    %dma_start3A_335 = tpu.memref_slice %arg2[%add3A_322, %dma_start3A_334] : memref<8192x1024xf32, #tpu.memory_space<hbm>> -> memref<32x1024xf32, #tpu.memory_space<hbm>>
    tpu.enqueue_dma source(%dma_start3A_335 : memref<32x1024xf32, #tpu.memory_space<hbm>>) target(%dma_start3A_333 : memref<32x1024xf32, #tpu.memory_space<vmem>>) target_semaphore(%arg13 : memref<!tpu.dma_semaphore, #tpu.memory_space<semaphore_mem>>)
    %dma_wait3A_336 = arith.constant 1 : i32
    %dma_wait3A_337 = arith.constant 0 : i32
    %dma_wait3A_338 = arith.constant 0 : i32
    %dma_wait3A_339 = tpu.memref_slice %arg12[%dma_wait3A_336, %dma_wait3A_337, %dma_wait3A_338] : memref<2x32x1024xf32, #tpu.memory_space<vmem>> -> memref<1x32x1024xf32, #tpu.memory_space<vmem>>
    %dma_wait3A_340 = tpu.memref_squeeze %dma_wait3A_339 : memref<1x32x1024xf32, #tpu.memory_space<vmem>> -> memref<32x1024xf32, #tpu.memory_space<vmem>>
    %dma_wait3A_341 = arith.constant 0 : i32
    %dma_wait3A_342 = tpu.memref_slice %arg2[%add3A_271, %dma_wait3A_341] : memref<8192x1024xf32, #tpu.memory_space<hbm>> -> memref<32x1024xf32, #tpu.memory_space<hbm>>
    %dma_wait3A_343 = arith.constant 0 : i32
    %dma_wait3A_344 = arith.constant 0 : i32
    %dma_wait3A_345 = tpu.memref_slice %arg12[%dma_wait3A_336, %dma_wait3A_343, %dma_wait3A_344] : memref<2x32x1024xf32, #tpu.memory_space<vmem>> -> memref<1x32x1024xf32, #tpu.memory_space<vmem>>
    %dma_wait3A_346 = tpu.memref_squeeze %dma_wait3A_345 : memref<1x32x1024xf32, #tpu.memory_space<vmem>> -> memref<32x1024xf32, #tpu.memory_space<vmem>>
    %dma_wait3A_347 = arith.constant 0 : i32
    %dma_wait3A_348 = tpu.memref_slice %arg2[%add3A_271, %dma_wait3A_347] : memref<8192x1024xf32, #tpu.memory_space<hbm>> -> memref<32x1024xf32, #tpu.memory_space<hbm>>
    tpu.wait_dma2 semaphore(%arg14 : memref<!tpu.dma_semaphore, #tpu.memory_space<semaphore_mem>>) src(%dma_wait3A_348 : memref<32x1024xf32, #tpu.memory_space<hbm>>) dst(%dma_wait3A_346 : memref<32x1024xf32, #tpu.memory_space<vmem>>)
    %dma_start3A_349 = arith.constant 1 : i32
    %dma_start3A_350 = arith.constant 1 : i32
    %dma_start3A_351 = arith.constant 0 : i32
    %dma_start3A_352 = arith.constant 0 : i32
    %dma_start3A_353 = tpu.memref_slice %arg12[%dma_start3A_349, %dma_start3A_351, %dma_start3A_352] : memref<2x32x1024xf32, #tpu.memory_space<vmem>> -> memref<1x32x1024xf32, #tpu.memory_space<vmem>>
    %dma_start3A_354 = tpu.memref_squeeze %dma_start3A_353 : memref<1x32x1024xf32, #tpu.memory_space<vmem>> -> memref<32x1024xf32, #tpu.memory_space<vmem>>
    %dma_start3A_355 = arith.constant 0 : i32
    %dma_start3A_356 = tpu.memref_slice %arg8[%dma_start3A_350, %dma_start3A_355] : memref<8x32xi32, #tpu.memory_space<vmem>> -> memref<1x32xi32, #tpu.memory_space<vmem>>
    %dma_start3A_357 = tpu.memref_squeeze %dma_start3A_356 : memref<1x32xi32, #tpu.memory_space<vmem>> -> memref<32xi32, #tpu.memory_space<vmem>>
    %dma_start3A_358 = arith.constant 0 : i32
    %dma_start3A_359 = arith.constant 0 : i32
    %dma_start3A_360 = tpu.memref_slice %arg6[%dma_start3A_358, %dma_start3A_359] : memref<12288x1024xf32, #tpu.memory_space<hbm>> -> memref<12288x1024xf32, #tpu.memory_space<hbm>>
    tpu.enqueue_indirect_dma source(%dma_start3A_354 : memref<32x1024xf32, #tpu.memory_space<vmem>>) target(%dma_start3A_360 : memref<12288x1024xf32, #tpu.memory_space<hbm>>) offsets(%dma_start3A_357 : memref<32xi32, #tpu.memory_space<vmem>>) semaphore(%arg16 : memref<!tpu.dma_semaphore, #tpu.memory_space<semaphore_mem>>)
    %dma_wait3A_361 = arith.constant 1 : i32
    %dma_wait3A_362 = arith.constant 1 : i32
    %dma_wait3A_363 = arith.constant 0 : i32
    %dma_wait3A_364 = arith.constant 0 : i32
    %dma_wait3A_365 = tpu.memref_slice %arg12[%dma_wait3A_361, %dma_wait3A_363, %dma_wait3A_364] : memref<2x32x1024xf32, #tpu.memory_space<vmem>> -> memref<1x32x1024xf32, #tpu.memory_space<vmem>>
    %dma_wait3A_366 = tpu.memref_squeeze %dma_wait3A_365 : memref<1x32x1024xf32, #tpu.memory_space<vmem>> -> memref<32x1024xf32, #tpu.memory_space<vmem>>
    %dma_wait3A_367 = arith.constant 0 : i32
    %dma_wait3A_368 = tpu.memref_slice %arg8[%dma_wait3A_362, %dma_wait3A_367] : memref<8x32xi32, #tpu.memory_space<vmem>> -> memref<1x32xi32, #tpu.memory_space<vmem>>
    %dma_wait3A_369 = tpu.memref_squeeze %dma_wait3A_368 : memref<1x32xi32, #tpu.memory_space<vmem>> -> memref<32xi32, #tpu.memory_space<vmem>>
    %dma_wait3A_370 = arith.constant 0 : i32
    %dma_wait3A_371 = arith.constant 0 : i32
    %dma_wait3A_372 = tpu.memref_slice %arg6[%dma_wait3A_370, %dma_wait3A_371] : memref<12288x1024xf32, #tpu.memory_space<hbm>> -> memref<12288x1024xf32, #tpu.memory_space<hbm>>
    tpu.wait_indirect_dma semaphore(%arg16 : memref<!tpu.dma_semaphore, #tpu.memory_space<semaphore_mem>>) src(%dma_wait3A_366 : memref<32x1024xf32, #tpu.memory_space<vmem>>) dst(%dma_wait3A_372 : memref<12288x1024xf32, #tpu.memory_space<hbm>>)
    %add3A_373 = arith.constant 96 : i32
    %add3A_374 = arith.addi %mul3A_2, %add3A_373 : i32
    %dma_start3A_375 = arith.constant 1 : i32
    %dma_start3A_376 = arith.constant 0 : i32
    %dma_start3A_377 = arith.constant 0 : i32
    %dma_start3A_378 = tpu.memref_slice %arg12[%dma_start3A_375, %dma_start3A_376, %dma_start3A_377] : memref<2x32x1024xf32, #tpu.memory_space<vmem>> -> memref<1x32x1024xf32, #tpu.memory_space<vmem>>
    %dma_start3A_379 = tpu.memref_squeeze %dma_start3A_378 : memref<1x32x1024xf32, #tpu.memory_space<vmem>> -> memref<32x1024xf32, #tpu.memory_space<vmem>>
    %dma_start3A_380 = arith.constant 0 : i32
    %dma_start3A_381 = tpu.memref_slice %arg2[%add3A_374, %dma_start3A_380] : memref<8192x1024xf32, #tpu.memory_space<hbm>> -> memref<32x1024xf32, #tpu.memory_space<hbm>>
    %dma_start3A_382 = arith.constant 0 : i32
    %dma_start3A_383 = arith.constant 0 : i32
    %dma_start3A_384 = tpu.memref_slice %arg12[%dma_start3A_375, %dma_start3A_382, %dma_start3A_383] : memref<2x32x1024xf32, #tpu.memory_space<vmem>> -> memref<1x32x1024xf32, #tpu.memory_space<vmem>>
    %dma_start3A_385 = tpu.memref_squeeze %dma_start3A_384 : memref<1x32x1024xf32, #tpu.memory_space<vmem>> -> memref<32x1024xf32, #tpu.memory_space<vmem>>
    %dma_start3A_386 = arith.constant 0 : i32
    %dma_start3A_387 = tpu.memref_slice %arg2[%add3A_374, %dma_start3A_386] : memref<8192x1024xf32, #tpu.memory_space<hbm>> -> memref<32x1024xf32, #tpu.memory_space<hbm>>
    tpu.enqueue_dma source(%dma_start3A_387 : memref<32x1024xf32, #tpu.memory_space<hbm>>) target(%dma_start3A_385 : memref<32x1024xf32, #tpu.memory_space<vmem>>) target_semaphore(%arg14 : memref<!tpu.dma_semaphore, #tpu.memory_space<semaphore_mem>>)
    %dma_wait3A_388 = arith.constant 0 : i32
    %dma_wait3A_389 = arith.constant 0 : i32
    %dma_wait3A_390 = arith.constant 0 : i32
    %dma_wait3A_391 = tpu.memref_slice %arg12[%dma_wait3A_388, %dma_wait3A_389, %dma_wait3A_390] : memref<2x32x1024xf32, #tpu.memory_space<vmem>> -> memref<1x32x1024xf32, #tpu.memory_space<vmem>>
    %dma_wait3A_392 = tpu.memref_squeeze %dma_wait3A_391 : memref<1x32x1024xf32, #tpu.memory_space<vmem>> -> memref<32x1024xf32, #tpu.memory_space<vmem>>
    %dma_wait3A_393 = arith.constant 0 : i32
    %dma_wait3A_394 = tpu.memref_slice %arg2[%add3A_322, %dma_wait3A_393] : memref<8192x1024xf32, #tpu.memory_space<hbm>> -> memref<32x1024xf32, #tpu.memory_space<hbm>>
    %dma_wait3A_395 = arith.constant 0 : i32
    %dma_wait3A_396 = arith.constant 0 : i32
    %dma_wait3A_397 = tpu.memref_slice %arg12[%dma_wait3A_388, %dma_wait3A_395, %dma_wait3A_396] : memref<2x32x1024xf32, #tpu.memory_space<vmem>> -> memref<1x32x1024xf32, #tpu.memory_space<vmem>>
    %dma_wait3A_398 = tpu.memref_squeeze %dma_wait3A_397 : memref<1x32x1024xf32, #tpu.memory_space<vmem>> -> memref<32x1024xf32, #tpu.memory_space<vmem>>
    %dma_wait3A_399 = arith.constant 0 : i32
    %dma_wait3A_400 = tpu.memref_slice %arg2[%add3A_322, %dma_wait3A_399] : memref<8192x1024xf32, #tpu.memory_space<hbm>> -> memref<32x1024xf32, #tpu.memory_space<hbm>>
    tpu.wait_dma2 semaphore(%arg13 : memref<!tpu.dma_semaphore, #tpu.memory_space<semaphore_mem>>) src(%dma_wait3A_400 : memref<32x1024xf32, #tpu.memory_space<hbm>>) dst(%dma_wait3A_398 : memref<32x1024xf32, #tpu.memory_space<vmem>>)
    %dma_start3A_401 = arith.constant 0 : i32
    %dma_start3A_402 = arith.constant 2 : i32
    %dma_start3A_403 = arith.constant 0 : i32
    %dma_start3A_404 = arith.constant 0 : i32
    %dma_start3A_405 = tpu.memref_slice %arg12[%dma_start3A_401, %dma_start3A_403, %dma_start3A_404] : memref<2x32x1024xf32, #tpu.memory_space<vmem>> -> memref<1x32x1024xf32, #tpu.memory_space<vmem>>
    %dma_start3A_406 = tpu.memref_squeeze %dma_start3A_405 : memref<1x32x1024xf32, #tpu.memory_space<vmem>> -> memref<32x1024xf32, #tpu.memory_space<vmem>>
    %dma_start3A_407 = arith.constant 0 : i32
    %dma_start3A_408 = tpu.memref_slice %arg8[%dma_start3A_402, %dma_start3A_407] : memref<8x32xi32, #tpu.memory_space<vmem>> -> memref<1x32xi32, #tpu.memory_space<vmem>>
    %dma_start3A_409 = tpu.memref_squeeze %dma_start3A_408 : memref<1x32xi32, #tpu.memory_space<vmem>> -> memref<32xi32, #tpu.memory_space<vmem>>
    %dma_start3A_410 = arith.constant 0 : i32
    %dma_start3A_411 = arith.constant 0 : i32
    %dma_start3A_412 = tpu.memref_slice %arg6[%dma_start3A_410, %dma_start3A_411] : memref<12288x1024xf32, #tpu.memory_space<hbm>> -> memref<12288x1024xf32, #tpu.memory_space<hbm>>
    tpu.enqueue_indirect_dma source(%dma_start3A_406 : memref<32x1024xf32, #tpu.memory_space<vmem>>) target(%dma_start3A_412 : memref<12288x1024xf32, #tpu.memory_space<hbm>>) offsets(%dma_start3A_409 : memref<32xi32, #tpu.memory_space<vmem>>) semaphore(%arg15 : memref<!tpu.dma_semaphore, #tpu.memory_space<semaphore_mem>>)
    %dma_wait3A_413 = arith.constant 0 : i32
    %dma_wait3A_414 = arith.constant 2 : i32
    %dma_wait3A_415 = arith.constant 0 : i32
    %dma_wait3A_416 = arith.constant 0 : i32
    %dma_wait3A_417 = tpu.memref_slice %arg12[%dma_wait3A_413, %dma_wait3A_415, %dma_wait3A_416] : memref<2x32x1024xf32, #tpu.memory_space<vmem>> -> memref<1x32x1024xf32, #tpu.memory_space<vmem>>
    %dma_wait3A_418 = tpu.memref_squeeze %dma_wait3A_417 : memref<1x32x1024xf32, #tpu.memory_space<vmem>> -> memref<32x1024xf32, #tpu.memory_space<vmem>>
    %dma_wait3A_419 = arith.constant 0 : i32
    %dma_wait3A_420 = tpu.memref_slice %arg8[%dma_wait3A_414, %dma_wait3A_419] : memref<8x32xi32, #tpu.memory_space<vmem>> -> memref<1x32xi32, #tpu.memory_space<vmem>>
    %dma_wait3A_421 = tpu.memref_squeeze %dma_wait3A_420 : memref<1x32xi32, #tpu.memory_space<vmem>> -> memref<32xi32, #tpu.memory_space<vmem>>
    %dma_wait3A_422 = arith.constant 0 : i32
    %dma_wait3A_423 = arith.constant 0 : i32
    %dma_wait3A_424 = tpu.memref_slice %arg6[%dma_wait3A_422, %dma_wait3A_423] : memref<12288x1024xf32, #tpu.memory_space<hbm>> -> memref<12288x1024xf32, #tpu.memory_space<hbm>>
    tpu.wait_indirect_dma semaphore(%arg15 : memref<!tpu.dma_semaphore, #tpu.memory_space<semaphore_mem>>) src(%dma_wait3A_418 : memref<32x1024xf32, #tpu.memory_space<vmem>>) dst(%dma_wait3A_424 : memref<12288x1024xf32, #tpu.memory_space<hbm>>)
    %add3A_425 = arith.constant 128 : i32
    %add3A_426 = arith.addi %mul3A_2, %add3A_425 : i32
    %dma_start3A_427 = arith.constant 0 : i32
    %dma_start3A_428 = arith.constant 0 : i32
    %dma_start3A_429 = arith.constant 0 : i32
    %dma_start3A_430 = tpu.memref_slice %arg12[%dma_start3A_427, %dma_start3A_428, %dma_start3A_429] : memref<2x32x1024xf32, #tpu.memory_space<vmem>> -> memref<1x32x1024xf32, #tpu.memory_space<vmem>>
    %dma_start3A_431 = tpu.memref_squeeze %dma_start3A_430 : memref<1x32x1024xf32, #tpu.memory_space<vmem>> -> memref<32x1024xf32, #tpu.memory_space<vmem>>
    %dma_start3A_432 = arith.constant 0 : i32
    %dma_start3A_433 = tpu.memref_slice %arg2[%add3A_426, %dma_start3A_432] : memref<8192x1024xf32, #tpu.memory_space<hbm>> -> memref<32x1024xf32, #tpu.memory_space<hbm>>
    %dma_start3A_434 = arith.constant 0 : i32
    %dma_start3A_435 = arith.constant 0 : i32
    %dma_start3A_436 = tpu.memref_slice %arg12[%dma_start3A_427, %dma_start3A_434, %dma_start3A_435] : memref<2x32x1024xf32, #tpu.memory_space<vmem>> -> memref<1x32x1024xf32, #tpu.memory_space<vmem>>
    %dma_start3A_437 = tpu.memref_squeeze %dma_start3A_436 : memref<1x32x1024xf32, #tpu.memory_space<vmem>> -> memref<32x1024xf32, #tpu.memory_space<vmem>>
    %dma_start3A_438 = arith.constant 0 : i32
    %dma_start3A_439 = tpu.memref_slice %arg2[%add3A_426, %dma_start3A_438] : memref<8192x1024xf32, #tpu.memory_space<hbm>> -> memref<32x1024xf32, #tpu.memory_space<hbm>>
    tpu.enqueue_dma source(%dma_start3A_439 : memref<32x1024xf32, #tpu.memory_space<hbm>>) target(%dma_start3A_437 : memref<32x1024xf32, #tpu.memory_space<vmem>>) target_semaphore(%arg13 : memref<!tpu.dma_semaphore, #tpu.memory_space<semaphore_mem>>)
    %dma_wait3A_440 = arith.constant 1 : i32
    %dma_wait3A_441 = arith.constant 0 : i32
    %dma_wait3A_442 = arith.constant 0 : i32
    %dma_wait3A_443 = tpu.memref_slice %arg12[%dma_wait3A_440, %dma_wait3A_441, %dma_wait3A_442] : memref<2x32x1024xf32, #tpu.memory_space<vmem>> -> memref<1x32x1024xf32, #tpu.memory_space<vmem>>
    %dma_wait3A_444 = tpu.memref_squeeze %dma_wait3A_443 : memref<1x32x1024xf32, #tpu.memory_space<vmem>> -> memref<32x1024xf32, #tpu.memory_space<vmem>>
    %dma_wait3A_445 = arith.constant 0 : i32
    %dma_wait3A_446 = tpu.memref_slice %arg2[%add3A_374, %dma_wait3A_445] : memref<8192x1024xf32, #tpu.memory_space<hbm>> -> memref<32x1024xf32, #tpu.memory_space<hbm>>
    %dma_wait3A_447 = arith.constant 0 : i32
    %dma_wait3A_448 = arith.constant 0 : i32
    %dma_wait3A_449 = tpu.memref_slice %arg12[%dma_wait3A_440, %dma_wait3A_447, %dma_wait3A_448] : memref<2x32x1024xf32, #tpu.memory_space<vmem>> -> memref<1x32x1024xf32, #tpu.memory_space<vmem>>
    %dma_wait3A_450 = tpu.memref_squeeze %dma_wait3A_449 : memref<1x32x1024xf32, #tpu.memory_space<vmem>> -> memref<32x1024xf32, #tpu.memory_space<vmem>>
    %dma_wait3A_451 = arith.constant 0 : i32
    %dma_wait3A_452 = tpu.memref_slice %arg2[%add3A_374, %dma_wait3A_451] : memref<8192x1024xf32, #tpu.memory_space<hbm>> -> memref<32x1024xf32, #tpu.memory_space<hbm>>
    tpu.wait_dma2 semaphore(%arg14 : memref<!tpu.dma_semaphore, #tpu.memory_space<semaphore_mem>>) src(%dma_wait3A_452 : memref<32x1024xf32, #tpu.memory_space<hbm>>) dst(%dma_wait3A_450 : memref<32x1024xf32, #tpu.memory_space<vmem>>)
    %dma_start3A_453 = arith.constant 1 : i32
    %dma_start3A_454 = arith.constant 3 : i32
    %dma_start3A_455 = arith.constant 0 : i32
    %dma_start3A_456 = arith.constant 0 : i32
    %dma_start3A_457 = tpu.memref_slice %arg12[%dma_start3A_453, %dma_start3A_455, %dma_start3A_456] : memref<2x32x1024xf32, #tpu.memory_space<vmem>> -> memref<1x32x1024xf32, #tpu.memory_space<vmem>>
    %dma_start3A_458 = tpu.memref_squeeze %dma_start3A_457 : memref<1x32x1024xf32, #tpu.memory_space<vmem>> -> memref<32x1024xf32, #tpu.memory_space<vmem>>
    %dma_start3A_459 = arith.constant 0 : i32
    %dma_start3A_460 = tpu.memref_slice %arg8[%dma_start3A_454, %dma_start3A_459] : memref<8x32xi32, #tpu.memory_space<vmem>> -> memref<1x32xi32, #tpu.memory_space<vmem>>
    %dma_start3A_461 = tpu.memref_squeeze %dma_start3A_460 : memref<1x32xi32, #tpu.memory_space<vmem>> -> memref<32xi32, #tpu.memory_space<vmem>>
    %dma_start3A_462 = arith.constant 0 : i32
    %dma_start3A_463 = arith.constant 0 : i32
    %dma_start3A_464 = tpu.memref_slice %arg6[%dma_start3A_462, %dma_start3A_463] : memref<12288x1024xf32, #tpu.memory_space<hbm>> -> memref<12288x1024xf32, #tpu.memory_space<hbm>>
    tpu.enqueue_indirect_dma source(%dma_start3A_458 : memref<32x1024xf32, #tpu.memory_space<vmem>>) target(%dma_start3A_464 : memref<12288x1024xf32, #tpu.memory_space<hbm>>) offsets(%dma_start3A_461 : memref<32xi32, #tpu.memory_space<vmem>>) semaphore(%arg16 : memref<!tpu.dma_semaphore, #tpu.memory_space<semaphore_mem>>)
    %dma_wait3A_465 = arith.constant 1 : i32
    %dma_wait3A_466 = arith.constant 3 : i32
    %dma_wait3A_467 = arith.constant 0 : i32
    %dma_wait3A_468 = arith.constant 0 : i32
    %dma_wait3A_469 = tpu.memref_slice %arg12[%dma_wait3A_465, %dma_wait3A_467, %dma_wait3A_468] : memref<2x32x1024xf32, #tpu.memory_space<vmem>> -> memref<1x32x1024xf32, #tpu.memory_space<vmem>>
    %dma_wait3A_470 = tpu.memref_squeeze %dma_wait3A_469 : memref<1x32x1024xf32, #tpu.memory_space<vmem>> -> memref<32x1024xf32, #tpu.memory_space<vmem>>
    %dma_wait3A_471 = arith.constant 0 : i32
    %dma_wait3A_472 = tpu.memref_slice %arg8[%dma_wait3A_466, %dma_wait3A_471] : memref<8x32xi32, #tpu.memory_space<vmem>> -> memref<1x32xi32, #tpu.memory_space<vmem>>
    %dma_wait3A_473 = tpu.memref_squeeze %dma_wait3A_472 : memref<1x32xi32, #tpu.memory_space<vmem>> -> memref<32xi32, #tpu.memory_space<vmem>>
    %dma_wait3A_474 = arith.constant 0 : i32
    %dma_wait3A_475 = arith.constant 0 : i32
    %dma_wait3A_476 = tpu.memref_slice %arg6[%dma_wait3A_474, %dma_wait3A_475] : memref<12288x1024xf32, #tpu.memory_space<hbm>> -> memref<12288x1024xf32, #tpu.memory_space<hbm>>
    tpu.wait_indirect_dma semaphore(%arg16 : memref<!tpu.dma_semaphore, #tpu.memory_space<semaphore_mem>>) src(%dma_wait3A_470 : memref<32x1024xf32, #tpu.memory_space<vmem>>) dst(%dma_wait3A_476 : memref<12288x1024xf32, #tpu.memory_space<hbm>>)
    %add3A_477 = arith.constant 160 : i32
    %add3A_478 = arith.addi %mul3A_2, %add3A_477 : i32
    %dma_start3A_479 = arith.constant 1 : i32
    %dma_start3A_480 = arith.constant 0 : i32
    %dma_start3A_481 = arith.constant 0 : i32
    %dma_start3A_482 = tpu.memref_slice %arg12[%dma_start3A_479, %dma_start3A_480, %dma_start3A_481] : memref<2x32x1024xf32, #tpu.memory_space<vmem>> -> memref<1x32x1024xf32, #tpu.memory_space<vmem>>
    %dma_start3A_483 = tpu.memref_squeeze %dma_start3A_482 : memref<1x32x1024xf32, #tpu.memory_space<vmem>> -> memref<32x1024xf32, #tpu.memory_space<vmem>>
    %dma_start3A_484 = arith.constant 0 : i32
    %dma_start3A_485 = tpu.memref_slice %arg2[%add3A_478, %dma_start3A_484] : memref<8192x1024xf32, #tpu.memory_space<hbm>> -> memref<32x1024xf32, #tpu.memory_space<hbm>>
    %dma_start3A_486 = arith.constant 0 : i32
    %dma_start3A_487 = arith.constant 0 : i32
    %dma_start3A_488 = tpu.memref_slice %arg12[%dma_start3A_479, %dma_start3A_486, %dma_start3A_487] : memref<2x32x1024xf32, #tpu.memory_space<vmem>> -> memref<1x32x1024xf32, #tpu.memory_space<vmem>>
    %dma_start3A_489 = tpu.memref_squeeze %dma_start3A_488 : memref<1x32x1024xf32, #tpu.memory_space<vmem>> -> memref<32x1024xf32, #tpu.memory_space<vmem>>
    %dma_start3A_490 = arith.constant 0 : i32
    %dma_start3A_491 = tpu.memref_slice %arg2[%add3A_478, %dma_start3A_490] : memref<8192x1024xf32, #tpu.memory_space<hbm>> -> memref<32x1024xf32, #tpu.memory_space<hbm>>
    tpu.enqueue_dma source(%dma_start3A_491 : memref<32x1024xf32, #tpu.memory_space<hbm>>) target(%dma_start3A_489 : memref<32x1024xf32, #tpu.memory_space<vmem>>) target_semaphore(%arg14 : memref<!tpu.dma_semaphore, #tpu.memory_space<semaphore_mem>>)
    %dma_wait3A_492 = arith.constant 0 : i32
    %dma_wait3A_493 = arith.constant 0 : i32
    %dma_wait3A_494 = arith.constant 0 : i32
    %dma_wait3A_495 = tpu.memref_slice %arg12[%dma_wait3A_492, %dma_wait3A_493, %dma_wait3A_494] : memref<2x32x1024xf32, #tpu.memory_space<vmem>> -> memref<1x32x1024xf32, #tpu.memory_space<vmem>>
    %dma_wait3A_496 = tpu.memref_squeeze %dma_wait3A_495 : memref<1x32x1024xf32, #tpu.memory_space<vmem>> -> memref<32x1024xf32, #tpu.memory_space<vmem>>
    %dma_wait3A_497 = arith.constant 0 : i32
    %dma_wait3A_498 = tpu.memref_slice %arg2[%add3A_426, %dma_wait3A_497] : memref<8192x1024xf32, #tpu.memory_space<hbm>> -> memref<32x1024xf32, #tpu.memory_space<hbm>>
    %dma_wait3A_499 = arith.constant 0 : i32
    %dma_wait3A_500 = arith.constant 0 : i32
    %dma_wait3A_501 = tpu.memref_slice %arg12[%dma_wait3A_492, %dma_wait3A_499, %dma_wait3A_500] : memref<2x32x1024xf32, #tpu.memory_space<vmem>> -> memref<1x32x1024xf32, #tpu.memory_space<vmem>>
    %dma_wait3A_502 = tpu.memref_squeeze %dma_wait3A_501 : memref<1x32x1024xf32, #tpu.memory_space<vmem>> -> memref<32x1024xf32, #tpu.memory_space<vmem>>
    %dma_wait3A_503 = arith.constant 0 : i32
    %dma_wait3A_504 = tpu.memref_slice %arg2[%add3A_426, %dma_wait3A_503] : memref<8192x1024xf32, #tpu.memory_space<hbm>> -> memref<32x1024xf32, #tpu.memory_space<hbm>>
    tpu.wait_dma2 semaphore(%arg13 : memref<!tpu.dma_semaphore, #tpu.memory_space<semaphore_mem>>) src(%dma_wait3A_504 : memref<32x1024xf32, #tpu.memory_space<hbm>>) dst(%dma_wait3A_502 : memref<32x1024xf32, #tpu.memory_space<vmem>>)
    %dma_start3A_505 = arith.constant 0 : i32
    %dma_start3A_506 = arith.constant 4 : i32
    %dma_start3A_507 = arith.constant 0 : i32
    %dma_start3A_508 = arith.constant 0 : i32
    %dma_start3A_509 = tpu.memref_slice %arg12[%dma_start3A_505, %dma_start3A_507, %dma_start3A_508] : memref<2x32x1024xf32, #tpu.memory_space<vmem>> -> memref<1x32x1024xf32, #tpu.memory_space<vmem>>
    %dma_start3A_510 = tpu.memref_squeeze %dma_start3A_509 : memref<1x32x1024xf32, #tpu.memory_space<vmem>> -> memref<32x1024xf32, #tpu.memory_space<vmem>>
    %dma_start3A_511 = arith.constant 0 : i32
    %dma_start3A_512 = tpu.memref_slice %arg8[%dma_start3A_506, %dma_start3A_511] : memref<8x32xi32, #tpu.memory_space<vmem>> -> memref<1x32xi32, #tpu.memory_space<vmem>>
    %dma_start3A_513 = tpu.memref_squeeze %dma_start3A_512 : memref<1x32xi32, #tpu.memory_space<vmem>> -> memref<32xi32, #tpu.memory_space<vmem>>
    %dma_start3A_514 = arith.constant 0 : i32
    %dma_start3A_515 = arith.constant 0 : i32
    %dma_start3A_516 = tpu.memref_slice %arg6[%dma_start3A_514, %dma_start3A_515] : memref<12288x1024xf32, #tpu.memory_space<hbm>> -> memref<12288x1024xf32, #tpu.memory_space<hbm>>
    tpu.enqueue_indirect_dma source(%dma_start3A_510 : memref<32x1024xf32, #tpu.memory_space<vmem>>) target(%dma_start3A_516 : memref<12288x1024xf32, #tpu.memory_space<hbm>>) offsets(%dma_start3A_513 : memref<32xi32, #tpu.memory_space<vmem>>) semaphore(%arg15 : memref<!tpu.dma_semaphore, #tpu.memory_space<semaphore_mem>>)
    %dma_wait3A_517 = arith.constant 0 : i32
    %dma_wait3A_518 = arith.constant 4 : i32
    %dma_wait3A_519 = arith.constant 0 : i32
    %dma_wait3A_520 = arith.constant 0 : i32
    %dma_wait3A_521 = tpu.memref_slice %arg12[%dma_wait3A_517, %dma_wait3A_519, %dma_wait3A_520] : memref<2x32x1024xf32, #tpu.memory_space<vmem>> -> memref<1x32x1024xf32, #tpu.memory_space<vmem>>
    %dma_wait3A_522 = tpu.memref_squeeze %dma_wait3A_521 : memref<1x32x1024xf32, #tpu.memory_space<vmem>> -> memref<32x1024xf32, #tpu.memory_space<vmem>>
    %dma_wait3A_523 = arith.constant 0 : i32
    %dma_wait3A_524 = tpu.memref_slice %arg8[%dma_wait3A_518, %dma_wait3A_523] : memref<8x32xi32, #tpu.memory_space<vmem>> -> memref<1x32xi32, #tpu.memory_space<vmem>>
    %dma_wait3A_525 = tpu.memref_squeeze %dma_wait3A_524 : memref<1x32xi32, #tpu.memory_space<vmem>> -> memref<32xi32, #tpu.memory_space<vmem>>
    %dma_wait3A_526 = arith.constant 0 : i32
    %dma_wait3A_527 = arith.constant 0 : i32
    %dma_wait3A_528 = tpu.memref_slice %arg6[%dma_wait3A_526, %dma_wait3A_527] : memref<12288x1024xf32, #tpu.memory_space<hbm>> -> memref<12288x1024xf32, #tpu.memory_space<hbm>>
    tpu.wait_indirect_dma semaphore(%arg15 : memref<!tpu.dma_semaphore, #tpu.memory_space<semaphore_mem>>) src(%dma_wait3A_522 : memref<32x1024xf32, #tpu.memory_space<vmem>>) dst(%dma_wait3A_528 : memref<12288x1024xf32, #tpu.memory_space<hbm>>)
    %add3A_529 = arith.constant 192 : i32
    %add3A_530 = arith.addi %mul3A_2, %add3A_529 : i32
    %dma_start3A_531 = arith.constant 0 : i32
    %dma_start3A_532 = arith.constant 0 : i32
    %dma_start3A_533 = arith.constant 0 : i32
    %dma_start3A_534 = tpu.memref_slice %arg12[%dma_start3A_531, %dma_start3A_532, %dma_start3A_533] : memref<2x32x1024xf32, #tpu.memory_space<vmem>> -> memref<1x32x1024xf32, #tpu.memory_space<vmem>>
    %dma_start3A_535 = tpu.memref_squeeze %dma_start3A_534 : memref<1x32x1024xf32, #tpu.memory_space<vmem>> -> memref<32x1024xf32, #tpu.memory_space<vmem>>
    %dma_start3A_536 = arith.constant 0 : i32
    %dma_start3A_537 = tpu.memref_slice %arg2[%add3A_530, %dma_start3A_536] : memref<8192x1024xf32, #tpu.memory_space<hbm>> -> memref<32x1024xf32, #tpu.memory_space<hbm>>
    %dma_start3A_538 = arith.constant 0 : i32
    %dma_start3A_539 = arith.constant 0 : i32
    %dma_start3A_540 = tpu.memref_slice %arg12[%dma_start3A_531, %dma_start3A_538, %dma_start3A_539] : memref<2x32x1024xf32, #tpu.memory_space<vmem>> -> memref<1x32x1024xf32, #tpu.memory_space<vmem>>
    %dma_start3A_541 = tpu.memref_squeeze %dma_start3A_540 : memref<1x32x1024xf32, #tpu.memory_space<vmem>> -> memref<32x1024xf32, #tpu.memory_space<vmem>>
    %dma_start3A_542 = arith.constant 0 : i32
    %dma_start3A_543 = tpu.memref_slice %arg2[%add3A_530, %dma_start3A_542] : memref<8192x1024xf32, #tpu.memory_space<hbm>> -> memref<32x1024xf32, #tpu.memory_space<hbm>>
    tpu.enqueue_dma source(%dma_start3A_543 : memref<32x1024xf32, #tpu.memory_space<hbm>>) target(%dma_start3A_541 : memref<32x1024xf32, #tpu.memory_space<vmem>>) target_semaphore(%arg13 : memref<!tpu.dma_semaphore, #tpu.memory_space<semaphore_mem>>)
    %dma_wait3A_544 = arith.constant 1 : i32
    %dma_wait3A_545 = arith.constant 0 : i32
    %dma_wait3A_546 = arith.constant 0 : i32
    %dma_wait3A_547 = tpu.memref_slice %arg12[%dma_wait3A_544, %dma_wait3A_545, %dma_wait3A_546] : memref<2x32x1024xf32, #tpu.memory_space<vmem>> -> memref<1x32x1024xf32, #tpu.memory_space<vmem>>
    %dma_wait3A_548 = tpu.memref_squeeze %dma_wait3A_547 : memref<1x32x1024xf32, #tpu.memory_space<vmem>> -> memref<32x1024xf32, #tpu.memory_space<vmem>>
    %dma_wait3A_549 = arith.constant 0 : i32
    %dma_wait3A_550 = tpu.memref_slice %arg2[%add3A_478, %dma_wait3A_549] : memref<8192x1024xf32, #tpu.memory_space<hbm>> -> memref<32x1024xf32, #tpu.memory_space<hbm>>
    %dma_wait3A_551 = arith.constant 0 : i32
    %dma_wait3A_552 = arith.constant 0 : i32
    %dma_wait3A_553 = tpu.memref_slice %arg12[%dma_wait3A_544, %dma_wait3A_551, %dma_wait3A_552] : memref<2x32x1024xf32, #tpu.memory_space<vmem>> -> memref<1x32x1024xf32, #tpu.memory_space<vmem>>
    %dma_wait3A_554 = tpu.memref_squeeze %dma_wait3A_553 : memref<1x32x1024xf32, #tpu.memory_space<vmem>> -> memref<32x1024xf32, #tpu.memory_space<vmem>>
    %dma_wait3A_555 = arith.constant 0 : i32
    %dma_wait3A_556 = tpu.memref_slice %arg2[%add3A_478, %dma_wait3A_555] : memref<8192x1024xf32, #tpu.memory_space<hbm>> -> memref<32x1024xf32, #tpu.memory_space<hbm>>
    tpu.wait_dma2 semaphore(%arg14 : memref<!tpu.dma_semaphore, #tpu.memory_space<semaphore_mem>>) src(%dma_wait3A_556 : memref<32x1024xf32, #tpu.memory_space<hbm>>) dst(%dma_wait3A_554 : memref<32x1024xf32, #tpu.memory_space<vmem>>)
    %dma_start3A_557 = arith.constant 1 : i32
    %dma_start3A_558 = arith.constant 5 : i32
    %dma_start3A_559 = arith.constant 0 : i32
    %dma_start3A_560 = arith.constant 0 : i32
    %dma_start3A_561 = tpu.memref_slice %arg12[%dma_start3A_557, %dma_start3A_559, %dma_start3A_560] : memref<2x32x1024xf32, #tpu.memory_space<vmem>> -> memref<1x32x1024xf32, #tpu.memory_space<vmem>>
    %dma_start3A_562 = tpu.memref_squeeze %dma_start3A_561 : memref<1x32x1024xf32, #tpu.memory_space<vmem>> -> memref<32x1024xf32, #tpu.memory_space<vmem>>
    %dma_start3A_563 = arith.constant 0 : i32
    %dma_start3A_564 = tpu.memref_slice %arg8[%dma_start3A_558, %dma_start3A_563] : memref<8x32xi32, #tpu.memory_space<vmem>> -> memref<1x32xi32, #tpu.memory_space<vmem>>
    %dma_start3A_565 = tpu.memref_squeeze %dma_start3A_564 : memref<1x32xi32, #tpu.memory_space<vmem>> -> memref<32xi32, #tpu.memory_space<vmem>>
    %dma_start3A_566 = arith.constant 0 : i32
    %dma_start3A_567 = arith.constant 0 : i32
    %dma_start3A_568 = tpu.memref_slice %arg6[%dma_start3A_566, %dma_start3A_567] : memref<12288x1024xf32, #tpu.memory_space<hbm>> -> memref<12288x1024xf32, #tpu.memory_space<hbm>>
    tpu.enqueue_indirect_dma source(%dma_start3A_562 : memref<32x1024xf32, #tpu.memory_space<vmem>>) target(%dma_start3A_568 : memref<12288x1024xf32, #tpu.memory_space<hbm>>) offsets(%dma_start3A_565 : memref<32xi32, #tpu.memory_space<vmem>>) semaphore(%arg16 : memref<!tpu.dma_semaphore, #tpu.memory_space<semaphore_mem>>)
    %dma_wait3A_569 = arith.constant 1 : i32
    %dma_wait3A_570 = arith.constant 5 : i32
    %dma_wait3A_571 = arith.constant 0 : i32
    %dma_wait3A_572 = arith.constant 0 : i32
    %dma_wait3A_573 = tpu.memref_slice %arg12[%dma_wait3A_569, %dma_wait3A_571, %dma_wait3A_572] : memref<2x32x1024xf32, #tpu.memory_space<vmem>> -> memref<1x32x1024xf32, #tpu.memory_space<vmem>>
    %dma_wait3A_574 = tpu.memref_squeeze %dma_wait3A_573 : memref<1x32x1024xf32, #tpu.memory_space<vmem>> -> memref<32x1024xf32, #tpu.memory_space<vmem>>
    %dma_wait3A_575 = arith.constant 0 : i32
    %dma_wait3A_576 = tpu.memref_slice %arg8[%dma_wait3A_570, %dma_wait3A_575] : memref<8x32xi32, #tpu.memory_space<vmem>> -> memref<1x32xi32, #tpu.memory_space<vmem>>
    %dma_wait3A_577 = tpu.memref_squeeze %dma_wait3A_576 : memref<1x32xi32, #tpu.memory_space<vmem>> -> memref<32xi32, #tpu.memory_space<vmem>>
    %dma_wait3A_578 = arith.constant 0 : i32
    %dma_wait3A_579 = arith.constant 0 : i32
    %dma_wait3A_580 = tpu.memref_slice %arg6[%dma_wait3A_578, %dma_wait3A_579] : memref<12288x1024xf32, #tpu.memory_space<hbm>> -> memref<12288x1024xf32, #tpu.memory_space<hbm>>
    tpu.wait_indirect_dma semaphore(%arg16 : memref<!tpu.dma_semaphore, #tpu.memory_space<semaphore_mem>>) src(%dma_wait3A_574 : memref<32x1024xf32, #tpu.memory_space<vmem>>) dst(%dma_wait3A_580 : memref<12288x1024xf32, #tpu.memory_space<hbm>>)
    %add3A_581 = arith.constant 224 : i32
    %add3A_582 = arith.addi %mul3A_2, %add3A_581 : i32
    %dma_start3A_583 = arith.constant 1 : i32
    %dma_start3A_584 = arith.constant 0 : i32
    %dma_start3A_585 = arith.constant 0 : i32
    %dma_start3A_586 = tpu.memref_slice %arg12[%dma_start3A_583, %dma_start3A_584, %dma_start3A_585] : memref<2x32x1024xf32, #tpu.memory_space<vmem>> -> memref<1x32x1024xf32, #tpu.memory_space<vmem>>
    %dma_start3A_587 = tpu.memref_squeeze %dma_start3A_586 : memref<1x32x1024xf32, #tpu.memory_space<vmem>> -> memref<32x1024xf32, #tpu.memory_space<vmem>>
    %dma_start3A_588 = arith.constant 0 : i32
    %dma_start3A_589 = tpu.memref_slice %arg2[%add3A_582, %dma_start3A_588] : memref<8192x1024xf32, #tpu.memory_space<hbm>> -> memref<32x1024xf32, #tpu.memory_space<hbm>>
    %dma_start3A_590 = arith.constant 0 : i32
    %dma_start3A_591 = arith.constant 0 : i32
    %dma_start3A_592 = tpu.memref_slice %arg12[%dma_start3A_583, %dma_start3A_590, %dma_start3A_591] : memref<2x32x1024xf32, #tpu.memory_space<vmem>> -> memref<1x32x1024xf32, #tpu.memory_space<vmem>>
    %dma_start3A_593 = tpu.memref_squeeze %dma_start3A_592 : memref<1x32x1024xf32, #tpu.memory_space<vmem>> -> memref<32x1024xf32, #tpu.memory_space<vmem>>
    %dma_start3A_594 = arith.constant 0 : i32
    %dma_start3A_595 = tpu.memref_slice %arg2[%add3A_582, %dma_start3A_594] : memref<8192x1024xf32, #tpu.memory_space<hbm>> -> memref<32x1024xf32, #tpu.memory_space<hbm>>
    tpu.enqueue_dma source(%dma_start3A_595 : memref<32x1024xf32, #tpu.memory_space<hbm>>) target(%dma_start3A_593 : memref<32x1024xf32, #tpu.memory_space<vmem>>) target_semaphore(%arg14 : memref<!tpu.dma_semaphore, #tpu.memory_space<semaphore_mem>>)
    %dma_wait3A_596 = arith.constant 0 : i32
    %dma_wait3A_597 = arith.constant 0 : i32
    %dma_wait3A_598 = arith.constant 0 : i32
    %dma_wait3A_599 = tpu.memref_slice %arg12[%dma_wait3A_596, %dma_wait3A_597, %dma_wait3A_598] : memref<2x32x1024xf32, #tpu.memory_space<vmem>> -> memref<1x32x1024xf32, #tpu.memory_space<vmem>>
    %dma_wait3A_600 = tpu.memref_squeeze %dma_wait3A_599 : memref<1x32x1024xf32, #tpu.memory_space<vmem>> -> memref<32x1024xf32, #tpu.memory_space<vmem>>
    %dma_wait3A_601 = arith.constant 0 : i32
    %dma_wait3A_602 = tpu.memref_slice %arg2[%add3A_530, %dma_wait3A_601] : memref<8192x1024xf32, #tpu.memory_space<hbm>> -> memref<32x1024xf32, #tpu.memory_space<hbm>>
    %dma_wait3A_603 = arith.constant 0 : i32
    %dma_wait3A_604 = arith.constant 0 : i32
    %dma_wait3A_605 = tpu.memref_slice %arg12[%dma_wait3A_596, %dma_wait3A_603, %dma_wait3A_604] : memref<2x32x1024xf32, #tpu.memory_space<vmem>> -> memref<1x32x1024xf32, #tpu.memory_space<vmem>>
    %dma_wait3A_606 = tpu.memref_squeeze %dma_wait3A_605 : memref<1x32x1024xf32, #tpu.memory_space<vmem>> -> memref<32x1024xf32, #tpu.memory_space<vmem>>
    %dma_wait3A_607 = arith.constant 0 : i32
    %dma_wait3A_608 = tpu.memref_slice %arg2[%add3A_530, %dma_wait3A_607] : memref<8192x1024xf32, #tpu.memory_space<hbm>> -> memref<32x1024xf32, #tpu.memory_space<hbm>>
    tpu.wait_dma2 semaphore(%arg13 : memref<!tpu.dma_semaphore, #tpu.memory_space<semaphore_mem>>) src(%dma_wait3A_608 : memref<32x1024xf32, #tpu.memory_space<hbm>>) dst(%dma_wait3A_606 : memref<32x1024xf32, #tpu.memory_space<vmem>>)
    %dma_start3A_609 = arith.constant 0 : i32
    %dma_start3A_610 = arith.constant 6 : i32
    %dma_start3A_611 = arith.constant 0 : i32
    %dma_start3A_612 = arith.constant 0 : i32
    %dma_start3A_613 = tpu.memref_slice %arg12[%dma_start3A_609, %dma_start3A_611, %dma_start3A_612] : memref<2x32x1024xf32, #tpu.memory_space<vmem>> -> memref<1x32x1024xf32, #tpu.memory_space<vmem>>
    %dma_start3A_614 = tpu.memref_squeeze %dma_start3A_613 : memref<1x32x1024xf32, #tpu.memory_space<vmem>> -> memref<32x1024xf32, #tpu.memory_space<vmem>>
    %dma_start3A_615 = arith.constant 0 : i32
    %dma_start3A_616 = tpu.memref_slice %arg8[%dma_start3A_610, %dma_start3A_615] : memref<8x32xi32, #tpu.memory_space<vmem>> -> memref<1x32xi32, #tpu.memory_space<vmem>>
    %dma_start3A_617 = tpu.memref_squeeze %dma_start3A_616 : memref<1x32xi32, #tpu.memory_space<vmem>> -> memref<32xi32, #tpu.memory_space<vmem>>
    %dma_start3A_618 = arith.constant 0 : i32
    %dma_start3A_619 = arith.constant 0 : i32
    %dma_start3A_620 = tpu.memref_slice %arg6[%dma_start3A_618, %dma_start3A_619] : memref<12288x1024xf32, #tpu.memory_space<hbm>> -> memref<12288x1024xf32, #tpu.memory_space<hbm>>
    tpu.enqueue_indirect_dma source(%dma_start3A_614 : memref<32x1024xf32, #tpu.memory_space<vmem>>) target(%dma_start3A_620 : memref<12288x1024xf32, #tpu.memory_space<hbm>>) offsets(%dma_start3A_617 : memref<32xi32, #tpu.memory_space<vmem>>) semaphore(%arg15 : memref<!tpu.dma_semaphore, #tpu.memory_space<semaphore_mem>>)
    %dma_wait3A_621 = arith.constant 1 : i32
    %dma_wait3A_622 = arith.constant 0 : i32
    %dma_wait3A_623 = arith.constant 0 : i32
    %dma_wait3A_624 = tpu.memref_slice %arg12[%dma_wait3A_621, %dma_wait3A_622, %dma_wait3A_623] : memref<2x32x1024xf32, #tpu.memory_space<vmem>> -> memref<1x32x1024xf32, #tpu.memory_space<vmem>>
    %dma_wait3A_625 = tpu.memref_squeeze %dma_wait3A_624 : memref<1x32x1024xf32, #tpu.memory_space<vmem>> -> memref<32x1024xf32, #tpu.memory_space<vmem>>
    %dma_wait3A_626 = arith.constant 0 : i32
    %dma_wait3A_627 = tpu.memref_slice %arg2[%add3A_582, %dma_wait3A_626] : memref<8192x1024xf32, #tpu.memory_space<hbm>> -> memref<32x1024xf32, #tpu.memory_space<hbm>>
    %dma_wait3A_628 = arith.constant 0 : i32
    %dma_wait3A_629 = arith.constant 0 : i32
    %dma_wait3A_630 = tpu.memref_slice %arg12[%dma_wait3A_621, %dma_wait3A_628, %dma_wait3A_629] : memref<2x32x1024xf32, #tpu.memory_space<vmem>> -> memref<1x32x1024xf32, #tpu.memory_space<vmem>>
    %dma_wait3A_631 = tpu.memref_squeeze %dma_wait3A_630 : memref<1x32x1024xf32, #tpu.memory_space<vmem>> -> memref<32x1024xf32, #tpu.memory_space<vmem>>
    %dma_wait3A_632 = arith.constant 0 : i32
    %dma_wait3A_633 = tpu.memref_slice %arg2[%add3A_582, %dma_wait3A_632] : memref<8192x1024xf32, #tpu.memory_space<hbm>> -> memref<32x1024xf32, #tpu.memory_space<hbm>>
    tpu.wait_dma2 semaphore(%arg14 : memref<!tpu.dma_semaphore, #tpu.memory_space<semaphore_mem>>) src(%dma_wait3A_633 : memref<32x1024xf32, #tpu.memory_space<hbm>>) dst(%dma_wait3A_631 : memref<32x1024xf32, #tpu.memory_space<vmem>>)
    %dma_start3A_634 = arith.constant 1 : i32
    %dma_start3A_635 = arith.constant 7 : i32
    %dma_start3A_636 = arith.constant 0 : i32
    %dma_start3A_637 = arith.constant 0 : i32
    %dma_start3A_638 = tpu.memref_slice %arg12[%dma_start3A_634, %dma_start3A_636, %dma_start3A_637] : memref<2x32x1024xf32, #tpu.memory_space<vmem>> -> memref<1x32x1024xf32, #tpu.memory_space<vmem>>
    %dma_start3A_639 = tpu.memref_squeeze %dma_start3A_638 : memref<1x32x1024xf32, #tpu.memory_space<vmem>> -> memref<32x1024xf32, #tpu.memory_space<vmem>>
    %dma_start3A_640 = arith.constant 0 : i32
    %dma_start3A_641 = tpu.memref_slice %arg8[%dma_start3A_635, %dma_start3A_640] : memref<8x32xi32, #tpu.memory_space<vmem>> -> memref<1x32xi32, #tpu.memory_space<vmem>>
    %dma_start3A_642 = tpu.memref_squeeze %dma_start3A_641 : memref<1x32xi32, #tpu.memory_space<vmem>> -> memref<32xi32, #tpu.memory_space<vmem>>
    %dma_start3A_643 = arith.constant 0 : i32
    %dma_start3A_644 = arith.constant 0 : i32
    %dma_start3A_645 = tpu.memref_slice %arg6[%dma_start3A_643, %dma_start3A_644] : memref<12288x1024xf32, #tpu.memory_space<hbm>> -> memref<12288x1024xf32, #tpu.memory_space<hbm>>
    tpu.enqueue_indirect_dma source(%dma_start3A_639 : memref<32x1024xf32, #tpu.memory_space<vmem>>) target(%dma_start3A_645 : memref<12288x1024xf32, #tpu.memory_space<hbm>>) offsets(%dma_start3A_642 : memref<32xi32, #tpu.memory_space<vmem>>) semaphore(%arg16 : memref<!tpu.dma_semaphore, #tpu.memory_space<semaphore_mem>>)
    %dma_wait3A_646 = arith.constant 0 : i32
    %dma_wait3A_647 = arith.constant 6 : i32
    %dma_wait3A_648 = arith.constant 0 : i32
    %dma_wait3A_649 = arith.constant 0 : i32
    %dma_wait3A_650 = tpu.memref_slice %arg12[%dma_wait3A_646, %dma_wait3A_648, %dma_wait3A_649] : memref<2x32x1024xf32, #tpu.memory_space<vmem>> -> memref<1x32x1024xf32, #tpu.memory_space<vmem>>
    %dma_wait3A_651 = tpu.memref_squeeze %dma_wait3A_650 : memref<1x32x1024xf32, #tpu.memory_space<vmem>> -> memref<32x1024xf32, #tpu.memory_space<vmem>>
    %dma_wait3A_652 = arith.constant 0 : i32
    %dma_wait3A_653 = tpu.memref_slice %arg8[%dma_wait3A_647, %dma_wait3A_652] : memref<8x32xi32, #tpu.memory_space<vmem>> -> memref<1x32xi32, #tpu.memory_space<vmem>>
    %dma_wait3A_654 = tpu.memref_squeeze %dma_wait3A_653 : memref<1x32xi32, #tpu.memory_space<vmem>> -> memref<32xi32, #tpu.memory_space<vmem>>
    %dma_wait3A_655 = arith.constant 0 : i32
    %dma_wait3A_656 = arith.constant 0 : i32
    %dma_wait3A_657 = tpu.memref_slice %arg6[%dma_wait3A_655, %dma_wait3A_656] : memref<12288x1024xf32, #tpu.memory_space<hbm>> -> memref<12288x1024xf32, #tpu.memory_space<hbm>>
    tpu.wait_indirect_dma semaphore(%arg15 : memref<!tpu.dma_semaphore, #tpu.memory_space<semaphore_mem>>) src(%dma_wait3A_651 : memref<32x1024xf32, #tpu.memory_space<vmem>>) dst(%dma_wait3A_657 : memref<12288x1024xf32, #tpu.memory_space<hbm>>)
    %dma_wait3A_658 = arith.constant 1 : i32
    %dma_wait3A_659 = arith.constant 7 : i32
    %dma_wait3A_660 = arith.constant 0 : i32
    %dma_wait3A_661 = arith.constant 0 : i32
    %dma_wait3A_662 = tpu.memref_slice %arg12[%dma_wait3A_658, %dma_wait3A_660, %dma_wait3A_661] : memref<2x32x1024xf32, #tpu.memory_space<vmem>> -> memref<1x32x1024xf32, #tpu.memory_space<vmem>>
    %dma_wait3A_663 = tpu.memref_squeeze %dma_wait3A_662 : memref<1x32x1024xf32, #tpu.memory_space<vmem>> -> memref<32x1024xf32, #tpu.memory_space<vmem>>
    %dma_wait3A_664 = arith.constant 0 : i32
    %dma_wait3A_665 = tpu.memref_slice %arg8[%dma_wait3A_659, %dma_wait3A_664] : memref<8x32xi32, #tpu.memory_space<vmem>> -> memref<1x32xi32, #tpu.memory_space<vmem>>
    %dma_wait3A_666 = tpu.memref_squeeze %dma_wait3A_665 : memref<1x32xi32, #tpu.memory_space<vmem>> -> memref<32xi32, #tpu.memory_space<vmem>>
    %dma_wait3A_667 = arith.constant 0 : i32
    %dma_wait3A_668 = arith.constant 0 : i32
    %dma_wait3A_669 = tpu.memref_slice %arg6[%dma_wait3A_667, %dma_wait3A_668] : memref<12288x1024xf32, #tpu.memory_space<hbm>> -> memref<12288x1024xf32, #tpu.memory_space<hbm>>
    tpu.wait_indirect_dma semaphore(%arg16 : memref<!tpu.dma_semaphore, #tpu.memory_space<semaphore_mem>>) src(%dma_wait3A_663 : memref<32x1024xf32, #tpu.memory_space<vmem>>) dst(%dma_wait3A_669 : memref<12288x1024xf32, #tpu.memory_space<hbm>>)
    return
  }
}

module attributes {stable_mosaic.version = 14 : i64} {
  func.func @_gate_body(%arg0: i32, %arg1: memref<2048x1024xf32, #tpu.memory_space<vmem>>, %arg2: memref<1024x8xf32, #tpu.memory_space<vmem>>, %arg3: memref<1x16x128xi32, #tpu.memory_space<vmem>>, %arg4: memref<1x16x128xi32, #tpu.memory_space<vmem>>, %arg5: memref<1x8xi32, #tpu.memory_space<vmem>>, %arg6: memref<1x8xi32, #tpu.memory_space<vmem>>) attributes {dimension_semantics = [#tpu.dimension_semantics<arbitrary>], iteration_bounds = array<i64: 4>, scalar_prefetch = 0 : i64, scratch_operands = 1 : i64, tpu.core_type = #tpu.core_type<tc>, window_params = [{transform_indices = @transform_0, window_bounds = array<i64: 2048, 1024>}, {pipeline_mode = #tpu.pipeline_mode<synchronous>, transform_indices = @transform_1, window_bounds = array<i64: 1024, 8>}, {transform_indices = @transform_2, window_bounds = array<i64: 1, 16, 128>}, {transform_indices = @transform_3, window_bounds = array<i64: 1, 16, 128>}, {pipeline_mode = #tpu.pipeline_mode<synchronous>, transform_indices = @transform_4, window_bounds = array<i64: 1, 8>}]} {
    %eq3A = arith.constant 0 : i32
    %eq3A_0 = arith.cmpi eq, %arg0, %eq3A : i32
    %convert_element_type3A = arith.extui %eq3A_0 : i1 to i32
    %cond3A = arith.constant 0 : i32
    %cond3A_1 = arith.cmpi ne, %convert_element_type3A, %cond3A : i32
    scf.if %cond3A_1 {
      %broadcast_in_dim3A_93 = arith.constant 0 : i32
      %broadcast_in_dim3A_94 = vector.broadcast %broadcast_in_dim3A_93 : i32 to vector<1x8xi32>
      %swap3A_95 = arith.constant 0 : index
      %swap3A_96 = arith.constant 0 : index
      %swap3A_97 = vector.load %arg6[%swap3A_95, %swap3A_96] : memref<1x8xi32, #tpu.memory_space<vmem>>, vector<1x8xi32>
      tpu.vector_store %arg6[%swap3A_95, %swap3A_96], %broadcast_in_dim3A_94 {strides = array<i32>} : memref<1x8xi32, #tpu.memory_space<vmem>>, vector<1x8xi32>,
    } else {
    }
    %get3A = arith.constant 0 : index
    %get3A_2 = arith.constant 0 : index
    %get3A_3 = vector.load %arg1[%get3A, %get3A_2] : memref<2048x1024xf32, #tpu.memory_space<vmem>>, vector<2048x1024xf32>
    %get3A_4 = arith.constant 0 : index
    %get3A_5 = arith.constant 0 : index
    %get3A_6 = vector.load %arg2[%get3A_4, %get3A_5] : memref<1024x8xf32, #tpu.memory_space<vmem>>, vector<1024x8xf32>
    %dot_general3A = arith.constant dense<0.000000e+00> : vector<2048x8xf32>
    %dot_general3A_7 = tpu.matmul %get3A_3, %get3A_6, %dot_general3A {dimension_numbers = #tpu.dot_dimension_numbers<[1], [0], [0], [1], [0, 0, 1, 1], [], []>, transpose_lhs_hint = false} : vector<2048x1024xf32>, vector<1024x8xf32>, vector<2048x8xf32> -> vector<2048x8xf32>
    %reduce_max3A = arith.constant dense<0xFF800000> : vector<2048xf32>
    %reduce_max3A_8 = vector.multi_reduction <maximumf>, %dot_general3A_7, %reduce_max3A [1] : vector<2048x8xf32> to vector<2048xf32>
    %broadcast_in_dim3A = vector.shape_cast %reduce_max3A_8 : vector<2048xf32> to vector<2048x1xf32>
    %iota3A = tpu.iota {dimensions = array<i32: 1>} : vector<2048x8xi32>
    %eq3A_9 = vector.broadcast %broadcast_in_dim3A : vector<2048x1xf32> to vector<2048x8xf32>
    %eq3A_10 = arith.cmpf oeq, %dot_general3A_7, %eq3A_9 : vector<2048x8xf32>
    %jit3A = arith.constant 8 : i32
    %broadcast_in_dim3A_11 = vector.broadcast %jit3A : i32 to vector<2048x8xi32>
    %select_n3A = arith.select %eq3A_10, %iota3A, %broadcast_in_dim3A_11 : vector<2048x8xi1>, vector<2048x8xi32>
    %reduce_min3A = arith.constant dense<2147483647> : vector<2048xi32>
    %reduce_min3A_12 = vector.multi_reduction <minsi>, %select_n3A, %reduce_min3A [1] : vector<2048x8xi32> to vector<2048xi32>
    %broadcast_in_dim3A_13 = vector.shape_cast %reduce_min3A_12 : vector<2048xi32> to vector<2048x1xi32>
    %eq3A_14 = vector.broadcast %broadcast_in_dim3A_13 : vector<2048x1xi32> to vector<2048x8xi32>
    %eq3A_15 = arith.cmpi eq, %iota3A, %eq3A_14 : vector<2048x8xi32>
    %convert_element_type3A_16 = arith.extui %eq3A_15 : vector<2048x8xi1> to vector<2048x8xi32>
    %jit3A_17 = arith.constant 0 : i32
    %pad3A = vector.broadcast %jit3A_17 : i32 to vector<1x8xi32>
    %pad3A_18 = tpu.concatenate %pad3A, %convert_element_type3A_16 in 0 : vector<1x8xi32>, vector<2048x8xi32> -> vector<2049x8xi32>
    %slice3A = vector.extract_strided_slice %pad3A_18 {offsets = [0, 0], sizes = [2048, 8], strides = [1, 1]} : vector<2049x8xi32> to vector<2048x8xi32>
    %add3A = arith.addi %convert_element_type3A_16, %slice3A : vector<2048x8xi32>
    %jit3A_19 = arith.constant 0 : i32
    %pad3A_20 = vector.broadcast %jit3A_19 : i32 to vector<2x8xi32>
    %pad3A_21 = tpu.concatenate %pad3A_20, %add3A in 0 : vector<2x8xi32>, vector<2048x8xi32> -> vector<2050x8xi32>
    %slice3A_22 = vector.extract_strided_slice %pad3A_21 {offsets = [0, 0], sizes = [2048, 8], strides = [1, 1]} : vector<2050x8xi32> to vector<2048x8xi32>
    %add3A_23 = arith.addi %add3A, %slice3A_22 : vector<2048x8xi32>
    %jit3A_24 = arith.constant 0 : i32
    %pad3A_25 = vector.broadcast %jit3A_24 : i32 to vector<4x8xi32>
    %pad3A_26 = tpu.concatenate %pad3A_25, %add3A_23 in 0 : vector<4x8xi32>, vector<2048x8xi32> -> vector<2052x8xi32>
    %slice3A_27 = vector.extract_strided_slice %pad3A_26 {offsets = [0, 0], sizes = [2048, 8], strides = [1, 1]} : vector<2052x8xi32> to vector<2048x8xi32>
    %add3A_28 = arith.addi %add3A_23, %slice3A_27 : vector<2048x8xi32>
    %jit3A_29 = arith.constant 0 : i32
    %pad3A_30 = vector.broadcast %jit3A_29 : i32 to vector<8x8xi32>
    %pad3A_31 = tpu.concatenate %pad3A_30, %add3A_28 in 0 : vector<8x8xi32>, vector<2048x8xi32> -> vector<2056x8xi32>
    %slice3A_32 = vector.extract_strided_slice %pad3A_31 {offsets = [0, 0], sizes = [2048, 8], strides = [1, 1]} : vector<2056x8xi32> to vector<2048x8xi32>
    %add3A_33 = arith.addi %add3A_28, %slice3A_32 : vector<2048x8xi32>
    %jit3A_34 = arith.constant 0 : i32
    %pad3A_35 = vector.broadcast %jit3A_34 : i32 to vector<16x8xi32>
    %pad3A_36 = tpu.concatenate %pad3A_35, %add3A_33 in 0 : vector<16x8xi32>, vector<2048x8xi32> -> vector<2064x8xi32>
    %slice3A_37 = vector.extract_strided_slice %pad3A_36 {offsets = [0, 0], sizes = [2048, 8], strides = [1, 1]} : vector<2064x8xi32> to vector<2048x8xi32>
    %add3A_38 = arith.addi %add3A_33, %slice3A_37 : vector<2048x8xi32>
    %jit3A_39 = arith.constant 0 : i32
    %pad3A_40 = vector.broadcast %jit3A_39 : i32 to vector<32x8xi32>
    %pad3A_41 = tpu.concatenate %pad3A_40, %add3A_38 in 0 : vector<32x8xi32>, vector<2048x8xi32> -> vector<2080x8xi32>
    %slice3A_42 = vector.extract_strided_slice %pad3A_41 {offsets = [0, 0], sizes = [2048, 8], strides = [1, 1]} : vector<2080x8xi32> to vector<2048x8xi32>
    %add3A_43 = arith.addi %add3A_38, %slice3A_42 : vector<2048x8xi32>
    %jit3A_44 = arith.constant 0 : i32
    %pad3A_45 = vector.broadcast %jit3A_44 : i32 to vector<64x8xi32>
    %pad3A_46 = tpu.concatenate %pad3A_45, %add3A_43 in 0 : vector<64x8xi32>, vector<2048x8xi32> -> vector<2112x8xi32>
    %slice3A_47 = vector.extract_strided_slice %pad3A_46 {offsets = [0, 0], sizes = [2048, 8], strides = [1, 1]} : vector<2112x8xi32> to vector<2048x8xi32>
    %add3A_48 = arith.addi %add3A_43, %slice3A_47 : vector<2048x8xi32>
    %jit3A_49 = arith.constant 0 : i32
    %pad3A_50 = vector.broadcast %jit3A_49 : i32 to vector<128x8xi32>
    %pad3A_51 = tpu.concatenate %pad3A_50, %add3A_48 in 0 : vector<128x8xi32>, vector<2048x8xi32> -> vector<2176x8xi32>
    %slice3A_52 = vector.extract_strided_slice %pad3A_51 {offsets = [0, 0], sizes = [2048, 8], strides = [1, 1]} : vector<2176x8xi32> to vector<2048x8xi32>
    %add3A_53 = arith.addi %add3A_48, %slice3A_52 : vector<2048x8xi32>
    %jit3A_54 = arith.constant 0 : i32
    %pad3A_55 = vector.broadcast %jit3A_54 : i32 to vector<256x8xi32>
    %pad3A_56 = tpu.concatenate %pad3A_55, %add3A_53 in 0 : vector<256x8xi32>, vector<2048x8xi32> -> vector<2304x8xi32>
    %slice3A_57 = vector.extract_strided_slice %pad3A_56 {offsets = [0, 0], sizes = [2048, 8], strides = [1, 1]} : vector<2304x8xi32> to vector<2048x8xi32>
    %add3A_58 = arith.addi %add3A_53, %slice3A_57 : vector<2048x8xi32>
    %jit3A_59 = arith.constant 0 : i32
    %pad3A_60 = vector.broadcast %jit3A_59 : i32 to vector<512x8xi32>
    %pad3A_61 = tpu.concatenate %pad3A_60, %add3A_58 in 0 : vector<512x8xi32>, vector<2048x8xi32> -> vector<2560x8xi32>
    %slice3A_62 = vector.extract_strided_slice %pad3A_61 {offsets = [0, 0], sizes = [2048, 8], strides = [1, 1]} : vector<2560x8xi32> to vector<2048x8xi32>
    %add3A_63 = arith.addi %add3A_58, %slice3A_62 : vector<2048x8xi32>
    %jit3A_64 = arith.constant 0 : i32
    %pad3A_65 = vector.broadcast %jit3A_64 : i32 to vector<1024x8xi32>
    %pad3A_66 = tpu.concatenate %pad3A_65, %add3A_63 in 0 : vector<1024x8xi32>, vector<2048x8xi32> -> vector<3072x8xi32>
    %slice3A_67 = vector.extract_strided_slice %pad3A_66 {offsets = [0, 0], sizes = [2048, 8], strides = [1, 1]} : vector<3072x8xi32> to vector<2048x8xi32>
    %add3A_68 = arith.addi %add3A_63, %slice3A_67 : vector<2048x8xi32>
    %get3A_69 = arith.constant 0 : index
    %get3A_70 = arith.constant 0 : index
    %get3A_71 = vector.load %arg6[%get3A_69, %get3A_70] : memref<1x8xi32, #tpu.memory_space<vmem>>, vector<1x8xi32>
    %sub3A = arith.subi %add3A_68, %convert_element_type3A_16 : vector<2048x8xi32>
    %add3A_72 = vector.broadcast %get3A_71 : vector<1x8xi32> to vector<2048x8xi32>
    %add3A_73 = arith.addi %sub3A, %add3A_72 : vector<2048x8xi32>
    %mul3A = arith.muli %convert_element_type3A_16, %add3A_73 : vector<2048x8xi32>
    %reduce_sum3A = arith.constant dense<0> : vector<2048xi32>
    %reduce_sum3A_74 = vector.multi_reduction <add>, %mul3A, %reduce_sum3A [1] : vector<2048x8xi32> to vector<2048xi32>
    %reshape3A = vector.shape_cast %reduce_min3A_12 : vector<2048xi32> to vector<1x16x128xi32>
    %swap3A = arith.constant 0 : index
    %swap3A_75 = arith.constant 0 : index
    %swap3A_76 = arith.constant 0 : index
    %swap3A_77 = vector.load %arg3[%swap3A, %swap3A_75, %swap3A_76] : memref<1x16x128xi32, #tpu.memory_space<vmem>>, vector<1x16x128xi32>
    tpu.vector_store %arg3[%swap3A, %swap3A_75, %swap3A_76], %reshape3A {strides = array<i32>} : memref<1x16x128xi32, #tpu.memory_space<vmem>>, vector<1x16x128xi32>,
    %reshape3A_78 = vector.shape_cast %reduce_sum3A_74 : vector<2048xi32> to vector<1x16x128xi32>
    %swap3A_79 = arith.constant 0 : index
    %swap3A_80 = arith.constant 0 : index
    %swap3A_81 = arith.constant 0 : index
    %swap3A_82 = vector.load %arg4[%swap3A_79, %swap3A_80, %swap3A_81] : memref<1x16x128xi32, #tpu.memory_space<vmem>>, vector<1x16x128xi32>
    tpu.vector_store %arg4[%swap3A_79, %swap3A_80, %swap3A_81], %reshape3A_78 {strides = array<i32>} : memref<1x16x128xi32, #tpu.memory_space<vmem>>, vector<1x16x128xi32>,
    %slice3A_83 = vector.extract_strided_slice %add3A_68 {offsets = [2047, 0], sizes = [1, 8], strides = [1, 1]} : vector<2048x8xi32> to vector<1x8xi32>
    %add3A_84 = arith.addi %get3A_71, %slice3A_83 : vector<1x8xi32>
    %swap3A_85 = arith.constant 0 : index
    %swap3A_86 = arith.constant 0 : index
    %swap3A_87 = vector.load %arg6[%swap3A_85, %swap3A_86] : memref<1x8xi32, #tpu.memory_space<vmem>>, vector<1x8xi32>
    tpu.vector_store %arg6[%swap3A_85, %swap3A_86], %add3A_84 {strides = array<i32>} : memref<1x8xi32, #tpu.memory_space<vmem>>, vector<1x8xi32>,
    %eq3A_88 = arith.constant 3 : i32
    %eq3A_89 = arith.cmpi eq, %arg0, %eq3A_88 : i32
    %convert_element_type3A_90 = arith.extui %eq3A_89 : i1 to i32
    %cond3A_91 = arith.constant 0 : i32
    %cond3A_92 = arith.cmpi ne, %convert_element_type3A_90, %cond3A_91 : i32
    scf.if %cond3A_92 {
      %swap3A_93 = arith.constant 0 : index
      %swap3A_94 = arith.constant 0 : index
      %swap3A_95 = vector.load %arg5[%swap3A_93, %swap3A_94] : memref<1x8xi32, #tpu.memory_space<vmem>>, vector<1x8xi32>
      tpu.vector_store %arg5[%swap3A_93, %swap3A_94], %add3A_84 {strides = array<i32>} : memref<1x8xi32, #tpu.memory_space<vmem>>, vector<1x8xi32>,
    } else {
    }
    return
  }
  func.func @transform_0(%arg0: i32) -> (i32, i32) {
    %c0_i32 = arith.constant 0 : i32
    %c0_i32_0 = arith.constant 0 : i32
    return %arg0, %c0_i32 : i32, i32
  }
  func.func @transform_1(%arg0: i32) -> (i32, i32) {
    %c0_i32 = arith.constant 0 : i32
    %c0_i32_0 = arith.constant 0 : i32
    %c0_i32_1 = arith.constant 0 : i32
    return %c0_i32, %c0_i32_0 : i32, i32
  }
  func.func @transform_2(%arg0: i32) -> (i32, i32, i32) {
    %c0_i32 = arith.constant 0 : i32
    %c0_i32_0 = arith.constant 0 : i32
    %c0_i32_1 = arith.constant 0 : i32
    return %arg0, %c0_i32, %c0_i32_0 : i32, i32, i32
  }
  func.func @transform_3(%arg0: i32) -> (i32, i32, i32) {
    %c0_i32 = arith.constant 0 : i32
    %c0_i32_0 = arith.constant 0 : i32
    %c0_i32_1 = arith.constant 0 : i32
    return %arg0, %c0_i32, %c0_i32_0 : i32, i32, i32
  }
  func.func @transform_4(%arg0: i32) -> (i32, i32) {
    %c0_i32 = arith.constant 0 : i32
    %c0_i32_0 = arith.constant 0 : i32
    %c0_i32_1 = arith.constant 0 : i32
    return %c0_i32, %c0_i32_0 : i32, i32
  }
}

module attributes {stable_mosaic.version = 14 : i64} {
  func.func @_mlp_body(%arg0: i32, %arg1: memref<3x24xi32, #tpu.memory_space<smem>>, %arg2: memref<512x1024xf32, #tpu.memory_space<vmem>>, %arg3: memref<1x1024x1024xf32, #tpu.memory_space<vmem>>, %arg4: memref<1x1x1024xf32, #tpu.memory_space<vmem>>, %arg5: memref<1x1024x1024xf32, #tpu.memory_space<vmem>>, %arg6: memref<1x1x1024xf32, #tpu.memory_space<vmem>>, %arg7: memref<512x1024xf32, #tpu.memory_space<vmem>>) attributes {dimension_semantics = [#tpu.dimension_semantics<arbitrary>], iteration_bounds = array<i64: 24>, scalar_prefetch = 1 : i64, scratch_operands = 0 : i64, tpu.core_type = #tpu.core_type<tc>, window_params = [{transform_indices = @transform_0, window_bounds = array<i64: 512, 1024>}, {transform_indices = @transform_1, window_bounds = array<i64: 1, 1024, 1024>}, {transform_indices = @transform_2, window_bounds = array<i64: 1, 1, 1024>}, {transform_indices = @transform_3, window_bounds = array<i64: 1, 1024, 1024>}, {transform_indices = @transform_4, window_bounds = array<i64: 1, 1, 1024>}, {transform_indices = @transform_5, window_bounds = array<i64: 512, 1024>}]} {
    %get3A = arith.constant 2 : index
    %get3A_0 = arith.index_cast %arg0 : i32 to index
    %get3A_1 = memref.load %arg1[%get3A, %get3A_0] : memref<3x24xi32, #tpu.memory_space<smem>>
    %eq3A = arith.constant 1 : i32
    %eq3A_2 = arith.cmpi eq, %get3A_1, %eq3A : i32
    %convert_element_type3A = arith.extui %eq3A_2 : i1 to i32
    %cond3A = arith.constant 0 : i32
    %cond3A_3 = arith.cmpi ne, %convert_element_type3A, %cond3A : i32
    scf.if %cond3A_3 {
      %get3A_4 = arith.constant 0 : index
      %get3A_5 = arith.constant 0 : index
      %get3A_6 = vector.load %arg2[%get3A_4, %get3A_5] : memref<512x1024xf32, #tpu.memory_space<vmem>>, vector<512x1024xf32>
      %get3A_7 = arith.constant 0 : index
      %get3A_8 = arith.constant 0 : index
      %get3A_9 = arith.constant 0 : index
      %get3A_10 = vector.load %arg3[%get3A_7, %get3A_8, %get3A_9] : memref<1x1024x1024xf32, #tpu.memory_space<vmem>>, vector<1x1024x1024xf32>
      %get3A_11 = vector.shape_cast %get3A_10 : vector<1x1024x1024xf32> to vector<1024x1024xf32>
      %dot_general3A = arith.constant dense<0.000000e+00> : vector<512x1024xf32>
      %dot_general3A_12 = tpu.matmul %get3A_6, %get3A_11, %dot_general3A {dimension_numbers = #tpu.dot_dimension_numbers<[1], [0], [0], [1], [0, 0, 1, 1], [], []>, transpose_lhs_hint = false} : vector<512x1024xf32>, vector<1024x1024xf32>, vector<512x1024xf32> -> vector<512x1024xf32>
      %get3A_13 = arith.constant 0 : index
      %get3A_14 = arith.constant 0 : index
      %get3A_15 = arith.constant 0 : index
      %get3A_16 = vector.load %arg4[%get3A_13, %get3A_14, %get3A_15] : memref<1x1x1024xf32, #tpu.memory_space<vmem>>, vector<1x1x1024xf32>
      %get3A_17 = vector.shape_cast %get3A_16 : vector<1x1x1024xf32> to vector<1x1024xf32>
      %add3A = vector.broadcast %get3A_17 : vector<1x1024xf32> to vector<512x1024xf32>
      %add3A_18 = arith.addf %dot_general3A_12, %add3A : vector<512x1024xf32>
      %max3A = arith.constant 0.000000e+00 : f32
      %max3A_19 = vector.broadcast %max3A : f32 to vector<512x1024xf32>
      %max3A_20 = arith.maximumf %add3A_18, %max3A_19 : vector<512x1024xf32>
      %get3A_21 = arith.constant 0 : index
      %get3A_22 = arith.constant 0 : index
      %get3A_23 = arith.constant 0 : index
      %get3A_24 = vector.load %arg5[%get3A_21, %get3A_22, %get3A_23] : memref<1x1024x1024xf32, #tpu.memory_space<vmem>>, vector<1x1024x1024xf32>
      %get3A_25 = vector.shape_cast %get3A_24 : vector<1x1024x1024xf32> to vector<1024x1024xf32>
      %dot_general3A_26 = arith.constant dense<0.000000e+00> : vector<512x1024xf32>
      %dot_general3A_27 = tpu.matmul %max3A_20, %get3A_25, %dot_general3A_26 {dimension_numbers = #tpu.dot_dimension_numbers<[1], [0], [0], [1], [0, 0, 1, 1], [], []>, transpose_lhs_hint = false} : vector<512x1024xf32>, vector<1024x1024xf32>, vector<512x1024xf32> -> vector<512x1024xf32>
      %get3A_28 = arith.constant 0 : index
      %get3A_29 = arith.constant 0 : index
      %get3A_30 = arith.constant 0 : index
      %get3A_31 = vector.load %arg6[%get3A_28, %get3A_29, %get3A_30] : memref<1x1x1024xf32, #tpu.memory_space<vmem>>, vector<1x1x1024xf32>
      %get3A_32 = vector.shape_cast %get3A_31 : vector<1x1x1024xf32> to vector<1x1024xf32>
      %add3A_33 = vector.broadcast %get3A_32 : vector<1x1024xf32> to vector<512x1024xf32>
      %add3A_34 = arith.addf %dot_general3A_27, %add3A_33 : vector<512x1024xf32>
      %swap3A = arith.constant 0 : index
      %swap3A_35 = arith.constant 0 : index
      %swap3A_36 = vector.load %arg7[%swap3A, %swap3A_35] : memref<512x1024xf32, #tpu.memory_space<vmem>>, vector<512x1024xf32>
      tpu.vector_store %arg7[%swap3A, %swap3A_35], %add3A_34 {strides = array<i32>} : memref<512x1024xf32, #tpu.memory_space<vmem>>, vector<512x1024xf32>,
    } else {
    }
    return
  }
  func.func @transform_0(%arg0: i32, %arg1: memref<3x24xi32, #tpu.memory_space<smem>>) -> (i32, i32) {
    %get3A = arith.constant 0 : index
    %get3A_0 = arith.index_cast %arg0 : i32 to index
    %get3A_1 = memref.load %arg1[%get3A, %get3A_0] : memref<3x24xi32, #tpu.memory_space<smem>>
    %c0_i32 = arith.constant 0 : i32
    %c0_i32_2 = arith.constant 0 : i32
    return %get3A_1, %c0_i32 : i32, i32
  }
  func.func @transform_1(%arg0: i32, %arg1: memref<3x24xi32, #tpu.memory_space<smem>>) -> (i32, i32, i32) {
    %get3A = arith.constant 1 : index
    %get3A_0 = arith.index_cast %arg0 : i32 to index
    %get3A_1 = memref.load %arg1[%get3A, %get3A_0] : memref<3x24xi32, #tpu.memory_space<smem>>
    %c0_i32 = arith.constant 0 : i32
    %c0_i32_2 = arith.constant 0 : i32
    %c0_i32_3 = arith.constant 0 : i32
    return %get3A_1, %c0_i32, %c0_i32_2 : i32, i32, i32
  }
  func.func @transform_2(%arg0: i32, %arg1: memref<3x24xi32, #tpu.memory_space<smem>>) -> (i32, i32, i32) {
    %get3A = arith.constant 1 : index
    %get3A_0 = arith.index_cast %arg0 : i32 to index
    %get3A_1 = memref.load %arg1[%get3A, %get3A_0] : memref<3x24xi32, #tpu.memory_space<smem>>
    %c0_i32 = arith.constant 0 : i32
    %c0_i32_2 = arith.constant 0 : i32
    %c0_i32_3 = arith.constant 0 : i32
    return %get3A_1, %c0_i32, %c0_i32_2 : i32, i32, i32
  }
  func.func @transform_3(%arg0: i32, %arg1: memref<3x24xi32, #tpu.memory_space<smem>>) -> (i32, i32, i32) {
    %get3A = arith.constant 1 : index
    %get3A_0 = arith.index_cast %arg0 : i32 to index
    %get3A_1 = memref.load %arg1[%get3A, %get3A_0] : memref<3x24xi32, #tpu.memory_space<smem>>
    %c0_i32 = arith.constant 0 : i32
    %c0_i32_2 = arith.constant 0 : i32
    %c0_i32_3 = arith.constant 0 : i32
    return %get3A_1, %c0_i32, %c0_i32_2 : i32, i32, i32
  }
  func.func @transform_4(%arg0: i32, %arg1: memref<3x24xi32, #tpu.memory_space<smem>>) -> (i32, i32, i32) {
    %get3A = arith.constant 1 : index
    %get3A_0 = arith.index_cast %arg0 : i32 to index
    %get3A_1 = memref.load %arg1[%get3A, %get3A_0] : memref<3x24xi32, #tpu.memory_space<smem>>
    %c0_i32 = arith.constant 0 : i32
    %c0_i32_2 = arith.constant 0 : i32
    %c0_i32_3 = arith.constant 0 : i32
    return %get3A_1, %c0_i32, %c0_i32_2 : i32, i32, i32
  }
  func.func @transform_5(%arg0: i32, %arg1: memref<3x24xi32, #tpu.memory_space<smem>>) -> (i32, i32) {
    %get3A = arith.constant 0 : index
    %get3A_0 = arith.index_cast %arg0 : i32 to index
    %get3A_1 = memref.load %arg1[%get3A, %get3A_0] : memref<3x24xi32, #tpu.memory_space<smem>>
    %c0_i32 = arith.constant 0 : i32
    %c0_i32_2 = arith.constant 0 : i32
    return %get3A_1, %c0_i32 : i32, i32
  }
}

</mosaic_0001>

<sc_bundles>
// kernel: kernel.6.cloned.1.call-start
scs
__scs_entry_jumppad:
0x0: {  	(pc) =	sbr.rel $0x88, $3  }
0x1: {  	(tag) =	ssettag $0x0;
	lr =	simm.s32 $0x1  }
0x2: {  	[smem:$0x3F9B] =	sst lr;
	_ =	strace $0xD0000000  }
0x3: {  	_ = 	snop  }
0x4: {  	_ = 	snop  }
0x5: {  	_ = 	snop  }
0x6: {  	_ = 	snop  }
0x7: {  	_ = 	snop  }
__scs_overlays_trampoline_lowered:
0x8: {  	[smem:$0x3FAA] =	sst s0  }
0x9: {  	[smem:$0x3FAB] =	sst s1  }
0xa: {  	[smem:$0x3FAC] =	sst s2  }
0xb: {  	[smem:$0x3FAD] =	sst s3  }
0xc: {  	[smem:$0x3FAE] =	sst s4  }
0xd: {  	[smem:$0x3FAF] =	sst s5  }
0xe: {  	[smem:$0x3FB0] =	sst s6  }
0xf: {  	[smem:$0x3FB1] =	sst s7  }
0x10: {  	[smem:$0x3FB2] =	sst s8  }
0x11: {  	[smem:$0x3FB3] =	sst s9;
	s0 =	simm.s32 @!p0 $0x0  }
0x12: {  	s1 =	sld [smem:$0x3F99];
	s0 =	simm.s32 @p0 $0x1  }
0x13: {  	[smem:$0x3FB4] =	sst s0;
	s0 =	simm.s32 @!p1 $0x0  }
0x14: {  	s2 =	sld [smem:$0x3F98];
	s0 =	simm.s32 @p1 $0x1  }
0x15: {  	[smem:$0x3FB5] =	sst s0;
	s0 =	simm.s32 @!p2 $0x0  }
0x16: {  	s3 =	sld [smem:$0x3FDB];
	s0 =	simm.s32 @p2 $0x1  }
0x17: {  	s4 =	simm.s32 $0x1BF5;
	[smem:$0x3FB7] =	sst s0  }
0x18: {  	s0 =	sld [smem:$0x3F9A];
	_ =	swait.ge [sflag:s4], $0x0  }
0x19: {  	s7 =	sld [smem:$0x3F9B]  }
0x1a: {  	s8 =	sadd.s32 $0xFFFFE003, lr  }
0x1b: {  	s9 =	sadd.s32 $0xFFFFFEF7, lr;
	s5 =	simm.s32 $0xFFFFFFFF;
	p2 =	slt.u32 s8, $0xFFFFF086  }
0x1c: {  	p1 =	slt.u32 s9, $0xF7A;
	s5 =	simm.s32 @!p2 $0x0  }
0x1d: {  	s5 =	simm.s32 @p1 $0x1;
	p0 =	seq.s32 s7, s2  }
0x1e: {  	s7 =	smul.u32 @!p0 $0xF7A, s2;
	p2 =	seq.s32 @!p0 s5, $0x0  }
0x1f: {  	s9 =	smul.u32 $0xF7A, s1;
	s8 =	simm.s32 @!p0 $0x1BF5;
	p2 =	por !p2, p0  }
0x20: {  	[sflag:s8] =	ssyncset.s32 @!p0 $0xFFFFF086;
	s6 =	sadd.s32 @!p0 s3, s7;
	s7 =	simm.s32 @!p0 $0x108  }
0x21: {  	s3 =	sadd.s32 s3, s9;
	s6 =	sadd.s32 @!p0 $0x88, s6;
	s7 =	simm.s32 @p2 $0x1082  }
0x22: {  	[simem:s7], [sflag:s8] =	dma.local @!p0 [hbm:s6], $0xF7A  }
0x23: {  	s9 =	sor.u32 $0xD0000000, s2;
	s6 =	simm.s32 $0x108;
	_ =	swait.ge @!p0 [sflag:s8], $0x0  }
0x24: {  	s3 =	sadd.s32 $0x88, s3;
	s6 =	simm.s32 @!p1 $0x1082;
	[sflag:s4] =	ssyncset.s32 $0xFFFFF086  }
0x25: {  	[simem:s6], [sflag:s4] =	dma.local [hbm:s3], $0xF7A  }
0x26: {  	[smem:$0x3F9B] =	sst s1;
	(tag) =	ssettag s2;
	_ =	strace s9  }
0x27: {  	s1 =	sld [smem:$0x3FAB]  }
0x28: {  	s2 =	sld [smem:$0x3FAC]  }
0x29: {  	s4 =	sld [smem:$0x3FAE]  }
0x2a: {  	p0 =	seq.s32 s5, $0x0;
	s5 =	sld [smem:$0x3FAF]  }
0x2b: {  	s6 =	sld [smem:$0x3FB0]  }
0x2c: {  	s7 =	sld [smem:$0x3FB1]  }
0x2d: {  	s3 =	simm.s32 $0x108;
	s8 =	sld [smem:$0x3FB2]  }
0x2e: {  	s3 =	simm.s32 @!p0 $0x1082;
	s9 =	sld [smem:$0x3FB3]  }
0x2f: {  	lr =	sadd.s32 s0, s3;
	s0 =	sld [smem:$0x3FAA]  }
0x30: {  	s3 =	sld [smem:$0x3FAD]  }
0x31: {  	[smem:$0x3FB6] =	sst s10  }
0x32: {  	s10 =	sld [smem:$0x3FB4];
	_ =	sdelay $0x3  }
0x33: {  	p0 =	seq.s32 s10, $0x1;
	s10 =	sld [smem:$0x3FB6];
	_ =	sdelay $0x3  }
0x34: {  	[smem:$0x3FB6] =	sst s10  }
0x35: {  	s10 =	sld [smem:$0x3FB5];
	_ =	sdelay $0x3  }
0x36: {  	p1 =	seq.s32 s10, $0x1;
	s10 =	sld [smem:$0x3FB6];
	_ =	sdelay $0x3  }
0x37: {  	[smem:$0x3FB6] =	sst s10  }
0x38: {  	s10 =	sld [smem:$0x3FB7]  }
0x39: {  	_ = 	snop;
	(pc) =	sbr.ind lr, $3  }
0x3a: {  	_ = 	snop  }
0x3b: {  	_ = 	snop  }
0x3c: {  	p2 =	seq.s32 s10, $0x1;
	s10 =	sld [smem:$0x3FB6]  }
0x3d: {  	_ =	shalt  }
0x3e: {  	_ =	shalt  }
0x3f: {  	_ =	shalt  }
0x40: {  	_ =	shalt  }
0x41: {  	_ =	shalt  }
0x42: {  	_ =	shalt  }
0x43: {  	_ =	shalt  }
0x44: {  	_ =	shalt  }
0x45: {  	_ =	shalt  }
0x46: {  	_ =	shalt  }
0x47: {  	_ =	shalt  }
0x48: {  	_ =	shalt  }
0x49: {  	_ =	shalt  }
0x4a: {  	_ =	shalt  }
0x4b: {  	_ =	shalt  }
0x4c: {  	_ =	shalt  }
0x4d: {  	_ =	shalt  }
0x4e: {  	_ =	shalt  }
0x4f: {  	_ =	shalt  }
0x50: {  	_ =	shalt  }
0x51: {  	_ =	shalt  }
0x52: {  	_ =	shalt  }
0x53: {  	_ =	shalt  }
0x54: {  	_ =	shalt  }
0x55: {  	_ =	shalt  }
0x56: {  	_ =	shalt  }
0x57: {  	_ =	shalt  }
0x58: {  	_ =	shalt  }
0x59: {  	_ =	shalt  }
0x5a: {  	_ =	shalt  }
0x5b: {  	_ =	shalt  }
0x5c: {  	_ =	shalt  }
0x5d: {  	_ =	shalt  }
0x5e: {  	_ =	shalt  }
0x5f: {  	_ =	shalt  }
0x60: {  	_ =	shalt  }
0x61: {  	_ =	shalt  }
0x62: {  	_ =	shalt  }
0x63: {  	_ =	shalt  }
0x64: {  	_ =	shalt  }
0x65: {  	_ =	shalt  }
0x66: {  	_ =	shalt  }
0x67: {  	_ =	shalt  }
0x68: {  	_ =	shalt  }
0x69: {  	_ =	shalt  }
0x6a: {  	_ =	shalt  }
0x6b: {  	_ =	shalt  }
0x6c: {  	_ =	shalt  }
0x6d: {  	_ =	shalt  }
0x6e: {  	_ =	shalt  }
0x6f: {  	_ =	shalt  }
0x70: {  	_ =	shalt  }
0x71: {  	_ =	shalt  }
0x72: {  	_ =	shalt  }
0x73: {  	_ =	shalt  }
0x74: {  	_ =	shalt  }
0x75: {  	_ =	shalt  }
0x76: {  	_ =	shalt  }
0x77: {  	_ =	shalt  }
0x78: {  	_ =	shalt  }
0x79: {  	_ =	shalt  }
0x7a: {  	_ =	shalt  }
0x7b: {  	_ =	shalt  }
0x7c: {  	_ =	shalt  }
0x7d: {  	_ =	shalt  }
0x7e: {  	_ =	shalt  }
0x7f: {  	_ =	shalt  }
0x80: {  	_ =	shalt  }
0x81: {  	_ =	shalt  }
0x82: {  	_ =	shalt  }
0x83: {  	_ =	shalt  }
0x84: {  	_ =	shalt  }
0x85: {  	_ =	shalt  }
0x86: {  	_ =	shalt  }
0x87: {  	_ =	shalt  }
.Lfunc_end0:
.L_simem_size_0:
called_computation_lowered:
.L_overlay_start_0:
0x88: {  	s2 =	sld [smem:$0x3FD9]  }
0x89: {  	s3 =	sld [smem:$0x3FFE];
	_ =	sdelay $0x1  }
0x8a: {  	s1 =	srdreg.scid  }
0x8b: {  	s0 =	sand.u32 $0x1, s1  }
0x8c: {  	s17 =	sshll.u32 s0, $0xA;
	s2 =	sadd.s32 s3, s2  }
0x8d: {  	s2 =	sadd.s32 s2, s17  }
0x8e: {  	[smem:$0x3FC2] =	sst s2  }
0x8f: {  	_ = 	snop  }
0x90: {  	s2 =	sld [smem:$0x3FC9]  }
0x91: {  	s18 =	sld [smem:$0x3FD0];
	(tm) =	ssettm $0x1  }
0x92: {  	s4 =	sld [smem:$0x3FFB];
	_ =	sdelay $0x3  }
0x93: {  	_ =	strace s4  }
0x94: {  	s4 =	sld [smem:$0x3FFC];
	_ =	sdelay $0x3  }
0x95: {  	_ =	strace s4  }
0x96: {  	s4 =	sld [smem:$0x3FFD];
	_ =	sdelay $0x3  }
0x97: {  	_ =	strace s4  }
0x98: {  	_ =	strace $0x8FFFFFFF  }
0x99: {  	s19 =	sld [smem:$0x3FDB];
	_ =	sdelay $0x1  }
0x9a: {  	s5 =	simm.s32 $_scs_section_size  }
0x9b: {  	s6 =	simm.s32 $_size__tile_overlayer_lowered;
	s7 =	simm.s32 $_tile_overlayer_lowered  }
0x9c: {  	s22 =	simm.s32 $0x1BFF;
	s21 =	sshll.u32 s7, $0x1;
	s4 =	sadd.s32 s5, s19  }
0x9d: {  	s8 =	simm.s32 $0x0;
	s20 =	sshll.u32 s6, $0x1;
	s6 =	sadd.s32 s21, s4  }
0x9e: {  	[timem:s8], [sflag:s22] =	dma.local [hbm:s6], s20  }
0x9f: {  	_ =	swait.ge [sflag:s22], s20  }
0xa0: {  	s5 =	ssub.s32 $0x0, s20;
	[sflag:s22] =	ssyncset.done $0x0  }
0xa1: {  	[sflag:s22] =	ssyncadd.s32 s5;
	_ =	sdelay $0x1  }
0xa2: {  	s23 =	simm.s32 $0x1B8B  }
0xa3: {  	_ =	swait.ge [sflag:s23], $0x1  }
0xa4: {  	[sflag:s23] =	ssyncset.done $0x0  }
0xa5: {  	s25 =	simm.s32 $0x1B8E;
	s24 =	sld [smem:$0x3FFE];
	[sflag:s23] =	ssyncadd.s32 $0xFFFFFFFF  }
0xa6: {  	s26 =	simm.s32 $execute0_lowered;
	[smem:$0x3FD2] =	sst s25  }
0xa7: {  	s6 =	sshll.u32 s26, $0x1;
	_ =	strace $0x80000046;
	[dreg:$0x1] =	wrdreg $0xFFFFFFFF  }
0xa8: {  	s28 =	simm.s32 $_size_execute0_lowered;
	s4 =	sadd.s32 s4, s6;
	[dreg:$0x0] =	wrdreg $0x0  }
0xa9: {  	s6 =	sshll.u32 s28, $0x1;
	[dreg:$0x2] =	wrdreg s4  }
0xaa: {  	[dreg:$0x3] =	wrdreg s6  }
0xab: {  	[dreg:$0x4] =	wrdreg $0xC0  }
0xac: {  	_ =	task [dreg:s8], $0x5FFFF  }
0xad: {  	[dreg:$0x1] =	wrdreg $0xFFFFFFFF  }
0xae: {  	[dreg:$0x0] =	wrdreg $0x60  }
0xaf: {  	[dreg:$0x2] =	wrdreg s2  }
0xb0: {  	[dreg:$0x3] =	wrdreg s24  }
0xb1: {  	[dreg:$0x4] =	wrdreg s18  }
0xb2: {  	[dreg:$0x5] =	wrdreg $0x9  }
0xb3: {  	_ =	task.clear_ibuf [dreg:s8], $0x6FFFF;
	_ =	strace $0x90000046  }
0xb4: {  	s29 =	simm.s32 $0x9;
	_ =	strace $0x80000048  }
0xb5: {  	_ =	swait.ge [sflag:s29], $0x1  }
0xb6: {  	[sflag:s29] =	ssyncadd.s32 $0xFFFFFFFF  }
0xb7: {  	_ =	strace $0x90000048  }
0xb8: {  	_ =	sfence  }
0xb9: {  	s30 =	sld [smem:$0x0];
	_ =	sdelay $0x2  }
0xba: {  	s31 =	sshll.u32 s1, $0xD;
	s1 =	sshrl.u32 s1, $0x2  }
0xbb: {  	s3 =	sand.u32 $0x4000, s31;
	s1 =	sadd.s32 s1, s30  }
0xbc: {  	s0 =	sor.u32 s3, s0;
	s1 =	sshll.u32 s1, $0x11  }
0xbd: {  	s0 =	sor.u32 s1, s0  }
0xbe: {  	s0 =	sadd.s32 $0x8F2B, s0  }
0xbf: {  	[sflag:s0] =	ssyncadd.remote.s32 $0x1  }
0xc0: {  	_ =	sfence.sel $0xFFFF  }
0xc1: {  	[dreg:$0x0] =	wrdreg $0xFFFFFFFF;
	(pc) =	sbr.abs _section_cstart, $3  }
0xc2: {  	[dreg:$0x1] =	wrdreg $0xFFFFFFFF  }
0xc3: {  	_ =	task.clear_ibuf [dreg:s8], $0x2FFFF;
	_ =	strace $0x9FFFFFFF  }
0xc4: {  	(tm) =	ssettm $0x7FFFFFFF  }
0xc5: {  	_ =	shalt  }
tec
execute0_lowered:
.L_overlay_start_1:
0x0: {  	(tag) =	ssettag $0x1  }
0x1: {  	s0 =	rddreg [dreg:$0x0]  }
0x2: {  	s1 =	rddreg [dreg:$0x1];
	s2 =	srdreg.scid  }
0x3: {  	s4 =	stileid.u32;
	s3 =	rddreg [dreg:$0x2];
	s26 =	simm.s32 $0x400  }
0x4: {  	s28 =	simm.s32 $0x500;
	s5 =	sand.u32 $0x1, s2;
	s2 =	simm.s32 $0x0  }
0x5: {  	s4 =	sshll.u32 s4, $0x1;
	s7 =	sadd.s32 $0x1400, s1;
	[smem:$0x7FF] =	sst s2  }
0x6: {  	s4 =	sor.u32 s5, s4;
	_ =	strace $0x80000047;
	[dreg:$0x4] =	wrdreg s7  }
0x7: {  	s31 =	simm.s32 $0x600;
	s6 =	sshll.u32 s4, $0x5;
	[dreg:$0xf] =	wrdreg s26  }
0x8: {  	s15 =	sshll.u32 s4, $0xF;
	s4 =	sshll.u32 s4, $0x7;
	[dreg:$0x10] =	wrdreg s28  }
0x9: {  	[dreg:$0x11] =	wrdreg s31;
	s17 =	sadd.s32 s3, s4  }
0xa: {  	s6 =	sadd.s32 s6, s1;
	s16 =	sadd.s32 s0, s15;
	[dreg:$0x7] =	wrdreg s17  }
0xb: {  	s8 =	sadd.s32 $0xC00, s6;
	[dreg:$0x12] =	wrdreg s16  }
0xc: {  	s29 =	simm.s32 $0x1;
	s6 =	sadd.s32 $0x1000, s6;
	[dreg:$0x5] =	wrdreg s8  }
0xd: {  	s30 =	simm.s32 $0x3;
	s18 =	sadd.s32 $0x1000, s16;
	[dreg:$0x6] =	wrdreg s6  }
0xe: {  	s19 =	ssub.s32 $0x2, s5;
	s20 =	sadd.s32 $0x2000, s16;
	[dreg:$0x8] =	wrdreg s18  }
0xf: {  	s5 =	sshrl.u32 s19, $0x1;
	s21 =	sadd.s32 $0x3000, s16;
	[dreg:$0x9] =	wrdreg s20  }
0x10: {  	s7 =	sadd.s32 $0x1900, s1;
	s22 =	sadd.s32 $0x4000, s16;
	[dreg:$0xa] =	wrdreg s21  }
0x11: {  	s4 =	sadd.s32 $0x1600, s1;
	s23 =	sadd.s32 $0x5000, s16;
	[dreg:$0xb] =	wrdreg s22  }
0x12: {  	s3 =	ssub.s32 s19, s5;
	s24 =	sadd.s32 $0x6000, s16;
	[dreg:$0xc] =	wrdreg s23  }
0x13: {  	v2 =	vlaneseq.u32;
	s5 =	sadd.s32 $0x1700, s1;
	s25 =	sadd.s32 $0x7000, s16;
	[dreg:$0xd] =	wrdreg s24  }
0x14: {  	vm0 =	vmmov $0xffff;
	v1 =	vshrl.u32 v2, $0x3;
	s6 =	sadd.s32 $0x1800, s1;
	[dreg:$0xe] =	wrdreg s25;
	s1 =	smax.u32 s3, $0x1  }
0x15: {  	v0 =	vand.u32 $0x7, v2;
	v2 =	vor.u32 $0x8, v2;
	v1 =	vmul.u32 $0x8, v1;
	s3 =	simm.s32 $0x8680;
	s24 =	simm.s32 $0x2;
	s8 =	simm.s32 $0x4  }
.LBB2_1:
0x16: {  	[dreg:$0x13] =	wrdreg s1  }
0x17: {  	s25 =	rddreg [dreg:$0x5]  }
0x18: {  	s28 =	rddreg [dreg:$0x12];
	s0 =	simm.s32 $0x680  }
0x19: {  	[tilespmem:s0], [sflag:$0x1] =	stream.linear.gather [hbm4b:s28+s2], $0x8000, $0x38;
	[tilespmem:$0x10680] =	vst v63  }
0x1a: {  	s26 =	rddreg [dreg:$0xf];
	s18 =	simm.s32 $0x5  }
0x1b: {  	[tilespmem:s26], [sflag:$0x5] =	stream.linear.gather [hbm4b:s25+s2], $0x100, $0x38;
	[tilespmem:$0x10680] =	vst v63  }
0x1c: {  	_ =	swait.ge [sflag:s18], $0x100  }
0x1d: {  	s19 =	rddreg [dreg:$0x6];
	[sflag:s18] =	ssyncset.done $0x0  }
0x1e: {  	s20 =	rddreg [dreg:$0x10];
	[sflag:s18] =	ssyncadd.s32 $0xFFFFFF00  }
0x1f: {  	[tilespmem:s20], [sflag:$0x5] =	stream.linear.gather [hbm4b:s19+s2], $0x100, $0x38;
	[tilespmem:$0x10680] =	vst v63  }
0x20: {  	_ =	swait.ge [sflag:s18], $0x100  }
0x21: {  	s21 =	rddreg [dreg:$0x4];
	[sflag:s18] =	ssyncset.done $0x0  }
0x22: {  	s22 =	rddreg [dreg:$0x11];
	[sflag:s18] =	ssyncadd.s32 $0xFFFFFF00  }
0x23: {  	[tilespmem:s22], [sflag:$0x5] =	stream.linear.gather [hbm4b:s21+s2], $0x80, $0x38;
	[tilespmem:$0x10680] =	vst v63  }
0x24: {  	_ =	swait.ge [sflag:s18], $0x80  }
0x25: {  	[sflag:s18] =	ssyncset.done $0x0  }
0x26: {  	[sflag:s18] =	ssyncadd.s32 $0xFFFFFF80  }
0x27: {  	v3 =	vld [tilespmem:$0x600]  }
0x28: {  	v4 =	vld [tilespmem:$0x400]  }
0x29: {  	v5 =	vld [tilespmem:$0x500]  }
0x2a: {  	v6 =	vld [tilespmem:$0x410]  }
0x2b: {  	v7 =	vld [tilespmem:$0x510]  }
0x2c: {  	v8 =	vld [tilespmem:$0x420]  }
0x2d: {  	v9 =	vld [tilespmem:$0x520]  }
0x2e: {  	v10 =	vld [tilespmem:$0x430]  }
0x2f: {  	v11 =	vld [tilespmem:$0x530]  }
0x30: {  	v12 =	vld [tilespmem:$0x440]  }
0x31: {  	v13 =	vld [tilespmem:$0x540]  }
0x32: {  	v14 =	vld [tilespmem:$0x450]  }
0x33: {  	v15 =	vld [tilespmem:$0x550]  }
0x34: {  	v16 =	vld [tilespmem:$0x460]  }
0x35: {  	v17 =	vld [tilespmem:$0x560]  }
0x36: {  	v18 =	vld [tilespmem:$0x470]  }
0x37: {  	v19 =	vld [tilespmem:$0x570]  }
0x38: {  	v20 =	vld [tilespmem:$0x480]  }
0x39: {  	v21 =	vld [tilespmem:$0x580]  }
0x3a: {  	v22 =	vld [tilespmem:$0x490]  }
0x3b: {  	v23 =	vld [tilespmem:$0x590];
	v4 =	vperm.xlane v3, v4  }
0x3c: {  	v24 =	vld [tilespmem:$0x4A0];
	v6 =	vperm.xlane v3, v6  }
0x3d: {  	v51 =	vld [tilespmem:$0x5A0];
	v50 =	vperm.xlane v3, v8;
	v4 =	vadd.s32 v4, v5  }
0x3e: {  	v54 =	vld [tilespmem:$0x4B0];
	v53 =	vperm.xlane v3, v10;
	v52 =	vadd.s32 v6, v7;
	[tilespmem:$0x0] =	vst v4  }
0x3f: {  	v57 =	vld [tilespmem:$0x5B0];
	v56 =	vperm.xlane v3, v12;
	v55 =	vadd.s32 v50, v9;
	[tilespmem:$0x10] =	vst v52  }
0x40: {  	v60 =	vld [tilespmem:$0x4C0];
	v59 =	vperm.xlane v3, v14;
	v58 =	vadd.s32 v53, v11;
	[tilespmem:$0x80] =	vst v55  }
0x41: {  	v63 =	vld [tilespmem:$0x5C0];
	v62 =	vperm.xlane v3, v16;
	v61 =	vadd.s32 v56, v13;
	[tilespmem:$0x90] =	vst v58  }
0x42: {  	v26 =	vld [tilespmem:$0x4D0];
	v25 =	vperm.xlane v3, v18;
	v16 =	vadd.s32 v59, v15;
	[tilespmem:$0x100] =	vst v61  }
0x43: {  	v29 =	vld [tilespmem:$0x5D0];
	v28 =	vperm.xlane v3, v20;
	v27 =	vadd.s32 v62, v17;
	[tilespmem:$0x110] =	vst v16  }
0x44: {  	v32 =	vld [tilespmem:$0x4E0];
	v31 =	vperm.xlane v3, v22;
	v30 =	vadd.s32 v25, v19;
	[tilespmem:$0x180] =	vst v27  }
0x45: {  	v35 =	vld [tilespmem:$0x4F0];
	v34 =	vperm.xlane v3, v24;
	v33 =	vadd.s32 v28, v21;
	[tilespmem:$0x190] =	vst v30  }
0x46: {  	v38 =	vld [tilespmem:$0x5E0];
	v37 =	vperm.xlane v3, v54;
	v36 =	vadd.s32 v31, v23;
	[tilespmem:$0x200] =	vst v33  }
0x47: {  	v41 =	vld [tilespmem:$0x5F0];
	v40 =	vperm.xlane v3, v60;
	v39 =	vadd.s32 v34, v51;
	[tilespmem:$0x210] =	vst v36  }
0x48: {  	v43 =	vperm.xlane v3, v26;
	v42 =	vadd.s32 v37, v57;
	[tilespmem:$0x280] =	vst v39  }
0x49: {  	v45 =	vperm.xlane v3, v32;
	v44 =	vadd.s32 v40, v63;
	[tilespmem:$0x290] =	vst v42  }
0x4a: {  	v3 =	vperm.xlane v3, v35;
	v46 =	vadd.s32 v43, v29;
	[tilespmem:$0x300] =	vst v44  }
0x4b: {  	v47 =	vadd.s32 v45, v38;
	[tilespmem:$0x310] =	vst v46  }
0x4c: {  	v3 =	vadd.s32 v3, v41;
	[tilespmem:$0x380] =	vst v47  }
0x4d: {  	s23 =	rddreg [dreg:$0x7];
	[tilespmem:$0x390] =	vst v3  }
0x4e: {  	[hbm4b:s23+s2] =	stream.linear.scatter [tilespmem:s2], [sflag:$0x5], $0x400, $0x38;
	[tilespmem:$0x10680] =	vst v63  }
0x4f: {  	_ =	swait.ge [sflag:s18], $0x400  }
0x50: {  	[sflag:s18] =	ssyncset.done $0x0  }
0x51: {  	s26 =	rddreg [dreg:$0x8];
	[sflag:s18] =	ssyncadd.s32 $0xFFFFFC00  }
0x52: {  	[tilespmem:s3], [sflag:$0x2] =	stream.linear.gather [hbm4b:s26+s2], $0x8000, $0x38;
	[tilespmem:$0x10680] =	vst v63  }
0x53: {  	_ =	swait.ge [sflag:s29], $0x8000  }
0x54: {  	[sflag:s29] =	ssyncset.done $0x0  }
0x55: {  	[sflag:s29] =	ssyncadd.s32 $0xFFFF8000  }
0x56: {  	v3 =	vld [tilespmem:$0x0];
	_ =	sdelay $0x4  }
0x57: {  	v48 =	vshll.u32 v3, $0x3  }
0x58: {  	v3 =	vand.u32 $0x7, v3;
	v4 =	vand.u32 $0xFFFFFFC0, v48  }
0x59: {  	v3 =	vor.u32 v3, v4  }
0x5a: {  	v4 =	vperm.xlane v3, v0;
	_ =	sdelay $0x1  }
0x5b: {  	v4 =	vadd.s32 v1, v4;
	_ =	sdelay $0x3  }
0x5c: {  	s28 =	simm.s32 $0x680  }
0x5d: {  	[hbm4b:s4+s2] =	stream.indirect_vreg.scatter [tilespmem:s28], [sflag:$0x3], $0x80, v4, vm0, $0xb8;
	[tilespmem:$0x10680] =	vst v63  }
0x5e: {  	s31 =	simm.s32 $0xE80;
	v3 =	vperm.xlane v3, v2  }
0x5f: {  	[hbm4b:s5+s2] =	stream.indirect_vreg.scatter [tilespmem:s31], [sflag:$0x3], $0x80, v4, vm0, $0xb8;
	[tilespmem:$0x10680] =	vst v63  }
0x60: {  	s0 =	simm.s32 $0x1680;
	v3 =	vadd.s32 v1, v3  }
0x61: {  	[hbm4b:s6+s2] =	stream.indirect_vreg.scatter [tilespmem:s0], [sflag:$0x3], $0x80, v4, vm0, $0xb8;
	[tilespmem:$0x10680] =	vst v63  }
0x62: {  	s9 =	simm.s32 $0x1E80  }
0x63: {  	[hbm4b:s7+s2] =	stream.indirect_vreg.scatter [tilespmem:s9], [sflag:$0x3], $0x80, v4, vm0, $0xb8;
	[tilespmem:$0x10680] =	vst v63  }
0x64: {  	s11 =	simm.s32 $0x2680  }
0x65: {  	[hbm4b:s4+s2] =	stream.indirect_vreg.scatter [tilespmem:s11], [sflag:$0x3], $0x80, v3, vm0, $0xb8;
	[tilespmem:$0x10680] =	vst v63  }
0x66: {  	s12 =	simm.s32 $0x2E80  }
0x67: {  	[hbm4b:s5+s2] =	stream.indirect_vreg.scatter [tilespmem:s12], [sflag:$0x3], $0x80, v3, vm0, $0xb8;
	[tilespmem:$0x10680] =	vst v63  }
0x68: {  	s13 =	simm.s32 $0x3680  }
0x69: {  	[hbm4b:s6+s2] =	stream.indirect_vreg.scatter [tilespmem:s13], [sflag:$0x3], $0x80, v3, vm0, $0xb8;
	[tilespmem:$0x10680] =	vst v63  }
0x6a: {  	s14 =	simm.s32 $0x3E80  }
0x6b: {  	[hbm4b:s7+s2] =	stream.indirect_vreg.scatter [tilespmem:s14], [sflag:$0x3], $0x80, v3, vm0, $0xb8;
	[tilespmem:$0x10680] =	vst v63  }
0x6c: {  	v3 =	vld [tilespmem:$0x10];
	_ =	sdelay $0x4  }
0x6d: {  	v49 =	vshll.u32 v3, $0x3  }
0x6e: {  	v3 =	vand.u32 $0x7, v3;
	v4 =	vand.u32 $0xFFFFFFC0, v49  }
0x6f: {  	v3 =	vor.u32 v3, v4  }
0x70: {  	v4 =	vperm.xlane v3, v0;
	_ =	sdelay $0x1  }
0x71: {  	v4 =	vadd.s32 v1, v4;
	_ =	sdelay $0x3  }
0x72: {  	s15 =	simm.s32 $0x4680  }
0x73: {  	[hbm4b:s4+s2] =	stream.indirect_vreg.scatter [tilespmem:s15], [sflag:$0x3], $0x80, v4, vm0, $0xb8;
	[tilespmem:$0x10680] =	vst v63  }
0x74: {  	s16 =	simm.s32 $0x4E80;
	v3 =	vperm.xlane v3, v2  }
0x75: {  	[hbm4b:s5+s2] =	stream.indirect_vreg.scatter [tilespmem:s16], [sflag:$0x3], $0x80, v4, vm0, $0xb8;
	[tilespmem:$0x10680] =	vst v63  }
0x76: {  	s17 =	simm.s32 $0x5680;
	v3 =	vadd.s32 v1, v3  }
0x77: {  	[hbm4b:s6+s2] =	stream.indirect_vreg.scatter [tilespmem:s17], [sflag:$0x3], $0x80, v4, vm0, $0xb8;
	[tilespmem:$0x10680] =	vst v63  }
0x78: {  	s18 =	simm.s32 $0x5E80  }
0x79: {  	[hbm4b:s7+s2] =	stream.indirect_vreg.scatter [tilespmem:s18], [sflag:$0x3], $0x80, v4, vm0, $0xb8;
	[tilespmem:$0x10680] =	vst v63  }
0x7a: {  	s19 =	simm.s32 $0x6680  }
0x7b: {  	[hbm4b:s4+s2] =	stream.indirect_vreg.scatter [tilespmem:s19], [sflag:$0x3], $0x80, v3, vm0, $0xb8;
	[tilespmem:$0x10680] =	vst v63  }
0x7c: {  	s20 =	simm.s32 $0x6E80  }
0x7d: {  	[hbm4b:s5+s2] =	stream.indirect_vreg.scatter [tilespmem:s20], [sflag:$0x3], $0x80, v3, vm0, $0xb8;
	[tilespmem:$0x10680] =	vst v63  }
0x7e: {  	s21 =	simm.s32 $0x7680  }
0x7f: {  	[hbm4b:s6+s2] =	stream.indirect_vreg.scatter [tilespmem:s21], [sflag:$0x3], $0x80, v3, vm0, $0xb8;
	[tilespmem:$0x10680] =	vst v63  }
0x80: {  	s22 =	simm.s32 $0x7E80  }
0x81: {  	[hbm4b:s7+s2] =	stream.indirect_vreg.scatter [tilespmem:s22], [sflag:$0x3], $0x80, v3, vm0, $0xb8;
	[tilespmem:$0x10680] =	vst v63  }
0x82: {  	_ =	swait.ge [sflag:s30], $0x8000  }
0x83: {  	[sflag:s30] =	ssyncset.done $0x0  }
0x84: {  	s23 =	rddreg [dreg:$0x9];
	[sflag:s30] =	ssyncadd.s32 $0xFFFF8000  }
0x85: {  	[tilespmem:s28], [sflag:$0x1] =	stream.linear.gather [hbm4b:s23+s2], $0x8000, $0x38;
	[tilespmem:$0x10680] =	vst v63  }
0x86: {  	_ =	swait.ge [sflag:s24], $0x8000  }
0x87: {  	[sflag:s24] =	ssyncset.done $0x0  }
0x88: {  	[sflag:s24] =	ssyncadd.s32 $0xFFFF8000  }
0x89: {  	v3 =	vld [tilespmem:$0x80];
	_ =	sdelay $0x4  }
0x8a: {  	v50 =	vshll.u32 v3, $0x3  }
0x8b: {  	v3 =	vand.u32 $0x7, v3;
	v4 =	vand.u32 $0xFFFFFFC0, v50  }
0x8c: {  	v3 =	vor.u32 v3, v4  }
0x8d: {  	v4 =	vperm.xlane v3, v0;
	_ =	sdelay $0x1  }
0x8e: {  	v4 =	vadd.s32 v1, v4;
	_ =	sdelay $0x4  }
0x8f: {  	[hbm4b:s4+s2] =	stream.indirect_vreg.scatter [tilespmem:s3], [sflag:$0x4], $0x80, v4, vm0, $0xb8;
	[tilespmem:$0x10680] =	vst v63  }
0x90: {  	s25 =	simm.s32 $0x8E80;
	v3 =	vperm.xlane v3, v2  }
0x91: {  	[hbm4b:s5+s2] =	stream.indirect_vreg.scatter [tilespmem:s25], [sflag:$0x4], $0x80, v4, vm0, $0xb8;
	[tilespmem:$0x10680] =	vst v63  }
0x92: {  	s26 =	simm.s32 $0x9680;
	v3 =	vadd.s32 v1, v3  }
0x93: {  	[hbm4b:s6+s2] =	stream.indirect_vreg.scatter [tilespmem:s26], [sflag:$0x4], $0x80, v4, vm0, $0xb8;
	[tilespmem:$0x10680] =	vst v63  }
0x94: {  	s31 =	simm.s32 $0x9E80  }
0x95: {  	[hbm4b:s7+s2] =	stream.indirect_vreg.scatter [tilespmem:s31], [sflag:$0x4], $0x80, v4, vm0, $0xb8;
	[tilespmem:$0x10680] =	vst v63  }
0x96: {  	s11 =	simm.s32 $0xA680  }
0x97: {  	[hbm4b:s4+s2] =	stream.indirect_vreg.scatter [tilespmem:s11], [sflag:$0x4], $0x80, v3, vm0, $0xb8;
	[tilespmem:$0x10680] =	vst v63  }
0x98: {  	s12 =	simm.s32 $0xAE80  }
0x99: {  	[hbm4b:s5+s2] =	stream.indirect_vreg.scatter [tilespmem:s12], [sflag:$0x4], $0x80, v3, vm0, $0xb8;
	[tilespmem:$0x10680] =	vst v63  }
0x9a: {  	s16 =	simm.s32 $0xB680  }
0x9b: {  	[hbm4b:s6+s2] =	stream.indirect_vreg.scatter [tilespmem:s16], [sflag:$0x4], $0x80, v3, vm0, $0xb8;
	[tilespmem:$0x10680] =	vst v63  }
0x9c: {  	s19 =	simm.s32 $0xBE80  }
0x9d: {  	[hbm4b:s7+s2] =	stream.indirect_vreg.scatter [tilespmem:s19], [sflag:$0x4], $0x80, v3, vm0, $0xb8;
	[tilespmem:$0x10680] =	vst v63  }
0x9e: {  	v3 =	vld [tilespmem:$0x90];
	_ =	sdelay $0x4  }
0x9f: {  	v51 =	vshll.u32 v3, $0x3  }
0xa0: {  	v3 =	vand.u32 $0x7, v3;
	v4 =	vand.u32 $0xFFFFFFC0, v51  }
0xa1: {  	v3 =	vor.u32 v3, v4  }
0xa2: {  	v4 =	vperm.xlane v3, v0;
	_ =	sdelay $0x1  }
0xa3: {  	v4 =	vadd.s32 v1, v4;
	_ =	sdelay $0x3  }
0xa4: {  	s20 =	simm.s32 $0xC680  }
0xa5: {  	[hbm4b:s4+s2] =	stream.indirect_vreg.scatter [tilespmem:s20], [sflag:$0x4], $0x80, v4, vm0, $0xb8;
	[tilespmem:$0x10680] =	vst v63  }
0xa6: {  	s21 =	simm.s32 $0xCE80;
	v3 =	vperm.xlane v3, v2  }
0xa7: {  	[hbm4b:s5+s2] =	stream.indirect_vreg.scatter [tilespmem:s21], [sflag:$0x4], $0x80, v4, vm0, $0xb8;
	[tilespmem:$0x10680] =	vst v63  }
0xa8: {  	s23 =	simm.s32 $0xD680;
	v3 =	vadd.s32 v1, v3  }
0xa9: {  	[hbm4b:s6+s2] =	stream.indirect_vreg.scatter [tilespmem:s23], [sflag:$0x4], $0x80, v4, vm0, $0xb8;
	[tilespmem:$0x10680] =	vst v63  }
0xaa: {  	s25 =	simm.s32 $0xDE80  }
0xab: {  	[hbm4b:s7+s2] =	stream.indirect_vreg.scatter [tilespmem:s25], [sflag:$0x4], $0x80, v4, vm0, $0xb8;
	[tilespmem:$0x10680] =	vst v63  }
0xac: {  	s26 =	simm.s32 $0xE680  }
0xad: {  	[hbm4b:s4+s2] =	stream.indirect_vreg.scatter [tilespmem:s26], [sflag:$0x4], $0x80, v3, vm0, $0xb8;
	[tilespmem:$0x10680] =	vst v63  }
0xae: {  	s31 =	simm.s32 $0xEE80  }
0xaf: {  	[hbm4b:s5+s2] =	stream.indirect_vreg.scatter [tilespmem:s31], [sflag:$0x4], $0x80, v3, vm0, $0xb8;
	[tilespmem:$0x10680] =	vst v63  }
0xb0: {  	s11 =	simm.s32 $0xF680  }
0xb1: {  	[hbm4b:s6+s2] =	stream.indirect_vreg.scatter [tilespmem:s11], [sflag:$0x4], $0x80, v3, vm0, $0xb8;
	[tilespmem:$0x10680] =	vst v63  }
0xb2: {  	s12 =	simm.s32 $0xFE80  }
0xb3: {  	[hbm4b:s7+s2] =	stream.indirect_vreg.scatter [tilespmem:s12], [sflag:$0x4], $0x80, v3, vm0, $0xb8;
	[tilespmem:$0x10680] =	vst v63  }
0xb4: {  	_ =	swait.ge [sflag:s8], $0x8000  }
0xb5: {  	[sflag:s8] =	ssyncset.done $0x0  }
0xb6: {  	s16 =	rddreg [dreg:$0xa];
	[sflag:s8] =	ssyncadd.s32 $0xFFFF8000  }
0xb7: {  	[tilespmem:s3], [sflag:$0x2] =	stream.linear.gather [hbm4b:s16+s2], $0x8000, $0x38;
	[tilespmem:$0x10680] =	vst v63  }
0xb8: {  	_ =	swait.ge [sflag:s29], $0x8000  }
0xb9: {  	[sflag:s29] =	ssyncset.done $0x0  }
0xba: {  	[sflag:s29] =	ssyncadd.s32 $0xFFFF8000  }
0xbb: {  	v3 =	vld [tilespmem:$0x100];
	_ =	sdelay $0x4  }
0xbc: {  	v52 =	vshll.u32 v3, $0x3  }
0xbd: {  	v3 =	vand.u32 $0x7, v3;
	v4 =	vand.u32 $0xFFFFFFC0, v52  }
0xbe: {  	v3 =	vor.u32 v3, v4  }
0xbf: {  	v4 =	vperm.xlane v3, v0;
	_ =	sdelay $0x1  }
0xc0: {  	v4 =	vadd.s32 v1, v4;
	_ =	sdelay $0x4  }
0xc1: {  	[hbm4b:s4+s2] =	stream.indirect_vreg.scatter [tilespmem:s28], [sflag:$0x3], $0x80, v4, vm0, $0xb8;
	[tilespmem:$0x10680] =	vst v63  }
0xc2: {  	s10 =	simm.s32 $0xE80;
	v3 =	vperm.xlane v3, v2  }
0xc3: {  	[hbm4b:s5+s2] =	stream.indirect_vreg.scatter [tilespmem:s10], [sflag:$0x3], $0x80, v4, vm0, $0xb8;
	[tilespmem:$0x10680] =	vst v63  }
0xc4: {  	s0 =	simm.s32 $0x1680;
	v3 =	vadd.s32 v1, v3  }
0xc5: {  	[hbm4b:s6+s2] =	stream.indirect_vreg.scatter [tilespmem:s0], [sflag:$0x3], $0x80, v4, vm0, $0xb8;
	[tilespmem:$0x10680] =	vst v63  }
0xc6: {  	s9 =	simm.s32 $0x1E80  }
0xc7: {  	[hbm4b:s7+s2] =	stream.indirect_vreg.scatter [tilespmem:s9], [sflag:$0x3], $0x80, v4, vm0, $0xb8;
	[tilespmem:$0x10680] =	vst v63  }
0xc8: {  	s1 =	simm.s32 $0x2680  }
0xc9: {  	[hbm4b:s4+s2] =	stream.indirect_vreg.scatter [tilespmem:s1], [sflag:$0x3], $0x80, v3, vm0, $0xb8;
	[tilespmem:$0x10680] =	vst v63  }
0xca: {  	s0 =	simm.s32 $0x2E80  }
0xcb: {  	[hbm4b:s5+s2] =	stream.indirect_vreg.scatter [tilespmem:s0], [sflag:$0x3], $0x80, v3, vm0, $0xb8;
	[tilespmem:$0x10680] =	vst v63  }
0xcc: {  	s10 =	simm.s32 $0x3680  }
0xcd: {  	[hbm4b:s6+s2] =	stream.indirect_vreg.scatter [tilespmem:s10], [sflag:$0x3], $0x80, v3, vm0, $0xb8;
	[tilespmem:$0x10680] =	vst v63  }
0xce: {  	s13 =	simm.s32 $0x3E80  }
0xcf: {  	[hbm4b:s7+s2] =	stream.indirect_vreg.scatter [tilespmem:s13], [sflag:$0x3], $0x80, v3, vm0, $0xb8;
	[tilespmem:$0x10680] =	vst v63  }
0xd0: {  	v3 =	vld [tilespmem:$0x110];
	_ =	sdelay $0x4  }
0xd1: {  	v53 =	vshll.u32 v3, $0x3  }
0xd2: {  	v3 =	vand.u32 $0x7, v3;
	v4 =	vand.u32 $0xFFFFFFC0, v53  }
0xd3: {  	v3 =	vor.u32 v3, v4  }
0xd4: {  	v4 =	vperm.xlane v3, v0;
	_ =	sdelay $0x1  }
0xd5: {  	v4 =	vadd.s32 v1, v4;
	_ =	sdelay $0x3  }
0xd6: {  	s14 =	simm.s32 $0x4680  }
0xd7: {  	[hbm4b:s4+s2] =	stream.indirect_vreg.scatter [tilespmem:s14], [sflag:$0x3], $0x80, v4, vm0, $0xb8;
	[tilespmem:$0x10680] =	vst v63  }
0xd8: {  	s15 =	simm.s32 $0x4E80;
	v3 =	vperm.xlane v3, v2  }
0xd9: {  	[hbm4b:s5+s2] =	stream.indirect_vreg.scatter [tilespmem:s15], [sflag:$0x3], $0x80, v4, vm0, $0xb8;
	[tilespmem:$0x10680] =	vst v63  }
0xda: {  	s9 =	simm.s32 $0x5680;
	v3 =	vadd.s32 v1, v3  }
0xdb: {  	[hbm4b:s6+s2] =	stream.indirect_vreg.scatter [tilespmem:s9], [sflag:$0x3], $0x80, v4, vm0, $0xb8;
	[tilespmem:$0x10680] =	vst v63  }
0xdc: {  	s13 =	simm.s32 $0x5E80  }
0xdd: {  	[hbm4b:s7+s2] =	stream.indirect_vreg.scatter [tilespmem:s13], [sflag:$0x3], $0x80, v4, vm0, $0xb8;
	[tilespmem:$0x10680] =	vst v63  }
0xde: {  	s14 =	simm.s32 $0x6680  }
0xdf: {  	[hbm4b:s4+s2] =	stream.indirect_vreg.scatter [tilespmem:s14], [sflag:$0x3], $0x80, v3, vm0, $0xb8;
	[tilespmem:$0x10680] =	vst v63  }
0xe0: {  	s15 =	simm.s32 $0x6E80  }
0xe1: {  	[hbm4b:s5+s2] =	stream.indirect_vreg.scatter [tilespmem:s15], [sflag:$0x3], $0x80, v3, vm0, $0xb8;
	[tilespmem:$0x10680] =	vst v63  }
0xe2: {  	s16 =	simm.s32 $0x7680  }
0xe3: {  	[hbm4b:s6+s2] =	stream.indirect_vreg.scatter [tilespmem:s16], [sflag:$0x3], $0x80, v3, vm0, $0xb8;
	[tilespmem:$0x10680] =	vst v63  }
0xe4: {  	s18 =	simm.s32 $0x7E80  }
0xe5: {  	[hbm4b:s7+s2] =	stream.indirect_vreg.scatter [tilespmem:s18], [sflag:$0x3], $0x80, v3, vm0, $0xb8;
	[tilespmem:$0x10680] =	vst v63  }
0xe6: {  	_ =	swait.ge [sflag:s30], $0x8000  }
0xe7: {  	[sflag:s30] =	ssyncset.done $0x0  }
0xe8: {  	s23 =	rddreg [dreg:$0xb];
	[sflag:s30] =	ssyncadd.s32 $0xFFFF8000  }
0xe9: {  	[tilespmem:s28], [sflag:$0x1] =	stream.linear.gather [hbm4b:s23+s2], $0x8000, $0x38;
	[tilespmem:$0x10680] =	vst v63  }
0xea: {  	_ =	swait.ge [sflag:s24], $0x8000  }
0xeb: {  	[sflag:s24] =	ssyncset.done $0x0  }
0xec: {  	[sflag:s24] =	ssyncadd.s32 $0xFFFF8000  }
0xed: {  	v3 =	vld [tilespmem:$0x180];
	_ =	sdelay $0x4  }
0xee: {  	v54 =	vshll.u32 v3, $0x3  }
0xef: {  	v3 =	vand.u32 $0x7, v3;
	v4 =	vand.u32 $0xFFFFFFC0, v54  }
0xf0: {  	v3 =	vor.u32 v3, v4  }
0xf1: {  	v4 =	vperm.xlane v3, v0;
	_ =	sdelay $0x1  }
0xf2: {  	v4 =	vadd.s32 v1, v4;
	_ =	sdelay $0x4  }
0xf3: {  	[hbm4b:s4+s2] =	stream.indirect_vreg.scatter [tilespmem:s3], [sflag:$0x4], $0x80, v4, vm0, $0xb8;
	[tilespmem:$0x10680] =	vst v63  }
0xf4: {  	s22 =	simm.s32 $0x8E80;
	v3 =	vperm.xlane v3, v2  }
0xf5: {  	[hbm4b:s5+s2] =	stream.indirect_vreg.scatter [tilespmem:s22], [sflag:$0x4], $0x80, v4, vm0, $0xb8;
	[tilespmem:$0x10680] =	vst v63  }
0xf6: {  	s17 =	simm.s32 $0x9680;
	v3 =	vadd.s32 v1, v3  }
0xf7: {  	[hbm4b:s6+s2] =	stream.indirect_vreg.scatter [tilespmem:s17], [sflag:$0x4], $0x80, v4, vm0, $0xb8;
	[tilespmem:$0x10680] =	vst v63  }
0xf8: {  	s18 =	simm.s32 $0x9E80  }
0xf9: {  	[hbm4b:s7+s2] =	stream.indirect_vreg.scatter [tilespmem:s18], [sflag:$0x4], $0x80, v4, vm0, $0xb8;
	[tilespmem:$0x10680] =	vst v63  }
0xfa: {  	s23 =	simm.s32 $0xA680  }
0xfb: {  	[hbm4b:s4+s2] =	stream.indirect_vreg.scatter [tilespmem:s23], [sflag:$0x4], $0x80, v3, vm0, $0xb8;
	[tilespmem:$0x10680] =	vst v63  }
0xfc: {  	s31 =	simm.s32 $0xAE80  }
0xfd: {  	[hbm4b:s5+s2] =	stream.indirect_vreg.scatter [tilespmem:s31], [sflag:$0x4], $0x80, v3, vm0, $0xb8;
	[tilespmem:$0x10680] =	vst v63  }
0xfe: {  	s17 =	simm.s32 $0xB680  }
0xff: {  	[hbm4b:s6+s2] =	stream.indirect_vreg.scatter [tilespmem:s17], [sflag:$0x4], $0x80, v3, vm0, $0xb8;
	[tilespmem:$0x10680] =	vst v63  }
0x100: {  	s19 =	simm.s32 $0xBE80  }
0x101: {  	[hbm4b:s7+s2] =	stream.indirect_vreg.scatter [tilespmem:s19], [sflag:$0x4], $0x80, v3, vm0, $0xb8;
	[tilespmem:$0x10680] =	vst v63  }
0x102: {  	v3 =	vld [tilespmem:$0x190];
	_ =	sdelay $0x4  }
0x103: {  	v55 =	vshll.u32 v3, $0x3  }
0x104: {  	v3 =	vand.u32 $0x7, v3;
	v4 =	vand.u32 $0xFFFFFFC0, v55  }
0x105: {  	v3 =	vor.u32 v3, v4  }
0x106: {  	v4 =	vperm.xlane v3, v0;
	_ =	sdelay $0x1  }
0x107: {  	v4 =	vadd.s32 v1, v4;
	_ =	sdelay $0x3  }
0x108: {  	s20 =	simm.s32 $0xC680  }
0x109: {  	[hbm4b:s4+s2] =	stream.indirect_vreg.scatter [tilespmem:s20], [sflag:$0x4], $0x80, v4, vm0, $0xb8;
	[tilespmem:$0x10680] =	vst v63  }
0x10a: {  	s21 =	simm.s32 $0xCE80;
	v3 =	vperm.xlane v3, v2  }
0x10b: {  	[hbm4b:s5+s2] =	stream.indirect_vreg.scatter [tilespmem:s21], [sflag:$0x4], $0x80, v4, vm0, $0xb8;
	[tilespmem:$0x10680] =	vst v63  }
0x10c: {  	s19 =	simm.s32 $0xD680;
	v3 =	vadd.s32 v1, v3  }
0x10d: {  	[hbm4b:s6+s2] =	stream.indirect_vreg.scatter [tilespmem:s19], [sflag:$0x4], $0x80, v4, vm0, $0xb8;
	[tilespmem:$0x10680] =	vst v63  }
0x10e: {  	s20 =	simm.s32 $0xDE80  }
0x10f: {  	[hbm4b:s7+s2] =	stream.indirect_vreg.scatter [tilespmem:s20], [sflag:$0x4], $0x80, v4, vm0, $0xb8;
	[tilespmem:$0x10680] =	vst v63  }
0x110: {  	s21 =	simm.s32 $0xE680  }
0x111: {  	[hbm4b:s4+s2] =	stream.indirect_vreg.scatter [tilespmem:s21], [sflag:$0x4], $0x80, v3, vm0, $0xb8;
	[tilespmem:$0x10680] =	vst v63  }
0x112: {  	s22 =	simm.s32 $0xEE80  }
0x113: {  	[hbm4b:s5+s2] =	stream.indirect_vreg.scatter [tilespmem:s22], [sflag:$0x4], $0x80, v3, vm0, $0xb8;
	[tilespmem:$0x10680] =	vst v63  }
0x114: {  	s25 =	simm.s32 $0xF680  }
0x115: {  	[hbm4b:s6+s2] =	stream.indirect_vreg.scatter [tilespmem:s25], [sflag:$0x4], $0x80, v3, vm0, $0xb8;
	[tilespmem:$0x10680] =	vst v63  }
0x116: {  	s26 =	simm.s32 $0xFE80  }
0x117: {  	[hbm4b:s7+s2] =	stream.indirect_vreg.scatter [tilespmem:s26], [sflag:$0x4], $0x80, v3, vm0, $0xb8;
	[tilespmem:$0x10680] =	vst v63  }
0x118: {  	_ =	swait.ge [sflag:s8], $0x8000  }
0x119: {  	[sflag:s8] =	ssyncset.done $0x0  }
0x11a: {  	s26 =	rddreg [dreg:$0xc];
	[sflag:s8] =	ssyncadd.s32 $0xFFFF8000  }
0x11b: {  	[tilespmem:s3], [sflag:$0x2] =	stream.linear.gather [hbm4b:s26+s2], $0x8000, $0x38;
	[tilespmem:$0x10680] =	vst v63  }
0x11c: {  	_ =	swait.ge [sflag:s29], $0x8000  }
0x11d: {  	[sflag:s29] =	ssyncset.done $0x0  }
0x11e: {  	[sflag:s29] =	ssyncadd.s32 $0xFFFF8000  }
0x11f: {  	v3 =	vld [tilespmem:$0x200];
	_ =	sdelay $0x4  }
0x120: {  	v56 =	vshll.u32 v3, $0x3  }
0x121: {  	v3 =	vand.u32 $0x7, v3;
	v4 =	vand.u32 $0xFFFFFFC0, v56  }
0x122: {  	v3 =	vor.u32 v3, v4  }
0x123: {  	v4 =	vperm.xlane v3, v0;
	_ =	sdelay $0x1  }
0x124: {  	v4 =	vadd.s32 v1, v4;
	_ =	sdelay $0x4  }
0x125: {  	[hbm4b:s4+s2] =	stream.indirect_vreg.scatter [tilespmem:s28], [sflag:$0x3], $0x80, v4, vm0, $0xb8;
	[tilespmem:$0x10680] =	vst v63  }
0x126: {  	s26 =	simm.s32 $0xE80;
	v3 =	vperm.xlane v3, v2  }
0x127: {  	[hbm4b:s5+s2] =	stream.indirect_vreg.scatter [tilespmem:s26], [sflag:$0x3], $0x80, v4, vm0, $0xb8;
	[tilespmem:$0x10680] =	vst v63  }
0x128: {  	v3 =	vadd.s32 v1, v3;
	s26 =	simm.s32 $0x1680  }
0x129: {  	[hbm4b:s6+s2] =	stream.indirect_vreg.scatter [tilespmem:s26], [sflag:$0x3], $0x80, v4, vm0, $0xb8;
	[tilespmem:$0x10680] =	vst v63  }
0x12a: {  	s26 =	simm.s32 $0x1E80  }
0x12b: {  	[hbm4b:s7+s2] =	stream.indirect_vreg.scatter [tilespmem:s26], [sflag:$0x3], $0x80, v4, vm0, $0xb8;
	[tilespmem:$0x10680] =	vst v63  }
0x12c: {  	_ = 	snop  }
0x12d: {  	[hbm4b:s4+s2] =	stream.indirect_vreg.scatter [tilespmem:s1], [sflag:$0x3], $0x80, v3, vm0, $0xb8;
	[tilespmem:$0x10680] =	vst v63  }
0x12e: {  	_ = 	snop  }
0x12f: {  	[hbm4b:s5+s2] =	stream.indirect_vreg.scatter [tilespmem:s0], [sflag:$0x3], $0x80, v3, vm0, $0xb8;
	[tilespmem:$0x10680] =	vst v63  }
0x130: {  	_ = 	snop  }
0x131: {  	[hbm4b:s6+s2] =	stream.indirect_vreg.scatter [tilespmem:s10], [sflag:$0x3], $0x80, v3, vm0, $0xb8;
	[tilespmem:$0x10680] =	vst v63  }
0x132: {  	s10 =	simm.s32 $0x3E80  }
0x133: {  	[hbm4b:s7+s2] =	stream.indirect_vreg.scatter [tilespmem:s10], [sflag:$0x3], $0x80, v3, vm0, $0xb8;
	[tilespmem:$0x10680] =	vst v63  }
0x134: {  	v3 =	vld [tilespmem:$0x210];
	_ =	sdelay $0x4  }
0x135: {  	v57 =	vshll.u32 v3, $0x3  }
0x136: {  	v3 =	vand.u32 $0x7, v3;
	v4 =	vand.u32 $0xFFFFFFC0, v57  }
0x137: {  	v3 =	vor.u32 v3, v4  }
0x138: {  	v4 =	vperm.xlane v3, v0;
	_ =	sdelay $0x1  }
0x139: {  	v4 =	vadd.s32 v1, v4;
	_ =	sdelay $0x3  }
0x13a: {  	s0 =	simm.s32 $0x4680  }
0x13b: {  	[hbm4b:s4+s2] =	stream.indirect_vreg.scatter [tilespmem:s0], [sflag:$0x3], $0x80, v4, vm0, $0xb8;
	[tilespmem:$0x10680] =	vst v63  }
0x13c: {  	s1 =	simm.s32 $0x4E80;
	v3 =	vperm.xlane v3, v2  }
0x13d: {  	[hbm4b:s5+s2] =	stream.indirect_vreg.scatter [tilespmem:s1], [sflag:$0x3], $0x80, v4, vm0, $0xb8;
	[tilespmem:$0x10680] =	vst v63  }
0x13e: {  	v3 =	vadd.s32 v1, v3  }
0x13f: {  	[hbm4b:s6+s2] =	stream.indirect_vreg.scatter [tilespmem:s9], [sflag:$0x3], $0x80, v4, vm0, $0xb8;
	[tilespmem:$0x10680] =	vst v63  }
0x140: {  	_ = 	snop  }
0x141: {  	[hbm4b:s7+s2] =	stream.indirect_vreg.scatter [tilespmem:s13], [sflag:$0x3], $0x80, v4, vm0, $0xb8;
	[tilespmem:$0x10680] =	vst v63  }
0x142: {  	_ = 	snop  }
0x143: {  	[hbm4b:s4+s2] =	stream.indirect_vreg.scatter [tilespmem:s14], [sflag:$0x3], $0x80, v3, vm0, $0xb8;
	[tilespmem:$0x10680] =	vst v63  }
0x144: {  	_ = 	snop  }
0x145: {  	[hbm4b:s5+s2] =	stream.indirect_vreg.scatter [tilespmem:s15], [sflag:$0x3], $0x80, v3, vm0, $0xb8;
	[tilespmem:$0x10680] =	vst v63  }
0x146: {  	_ = 	snop  }
0x147: {  	[hbm4b:s6+s2] =	stream.indirect_vreg.scatter [tilespmem:s16], [sflag:$0x3], $0x80, v3, vm0, $0xb8;
	[tilespmem:$0x10680] =	vst v63  }
0x148: {  	s9 =	simm.s32 $0x7E80  }
0x149: {  	[hbm4b:s7+s2] =	stream.indirect_vreg.scatter [tilespmem:s9], [sflag:$0x3], $0x80, v3, vm0, $0xb8;
	[tilespmem:$0x10680] =	vst v63  }
0x14a: {  	_ =	swait.ge [sflag:s30], $0x8000  }
0x14b: {  	[sflag:s30] =	ssyncset.done $0x0  }
0x14c: {  	s10 =	rddreg [dreg:$0xd];
	[sflag:s30] =	ssyncadd.s32 $0xFFFF8000  }
0x14d: {  	[tilespmem:s28], [sflag:$0x1] =	stream.linear.gather [hbm4b:s10+s2], $0x8000, $0x38;
	[tilespmem:$0x10680] =	vst v63  }
0x14e: {  	_ =	swait.ge [sflag:s24], $0x8000  }
0x14f: {  	[sflag:s24] =	ssyncset.done $0x0  }
0x150: {  	[sflag:s24] =	ssyncadd.s32 $0xFFFF8000  }
0x151: {  	v3 =	vld [tilespmem:$0x280];
	_ =	sdelay $0x4  }
0x152: {  	v58 =	vshll.u32 v3, $0x3  }
0x153: {  	v3 =	vand.u32 $0x7, v3;
	v4 =	vand.u32 $0xFFFFFFC0, v58  }
0x154: {  	v3 =	vor.u32 v3, v4  }
0x155: {  	v4 =	vperm.xlane v3, v0;
	_ =	sdelay $0x1  }
0x156: {  	v4 =	vadd.s32 v1, v4;
	_ =	sdelay $0x4  }
0x157: {  	[hbm4b:s4+s2] =	stream.indirect_vreg.scatter [tilespmem:s3], [sflag:$0x4], $0x80, v4, vm0, $0xb8;
	[tilespmem:$0x10680] =	vst v63  }
0x158: {  	s12 =	simm.s32 $0x8E80;
	v3 =	vperm.xlane v3, v2  }
0x159: {  	[hbm4b:s5+s2] =	stream.indirect_vreg.scatter [tilespmem:s12], [sflag:$0x4], $0x80, v4, vm0, $0xb8;
	[tilespmem:$0x10680] =	vst v63  }
0x15a: {  	s13 =	simm.s32 $0x9680;
	v3 =	vadd.s32 v1, v3  }
0x15b: {  	[hbm4b:s6+s2] =	stream.indirect_vreg.scatter [tilespmem:s13], [sflag:$0x4], $0x80, v4, vm0, $0xb8;
	[tilespmem:$0x10680] =	vst v63  }
0x15c: {  	_ = 	snop  }
0x15d: {  	[hbm4b:s7+s2] =	stream.indirect_vreg.scatter [tilespmem:s18], [sflag:$0x4], $0x80, v4, vm0, $0xb8;
	[tilespmem:$0x10680] =	vst v63  }
0x15e: {  	_ = 	snop  }
0x15f: {  	[hbm4b:s4+s2] =	stream.indirect_vreg.scatter [tilespmem:s23], [sflag:$0x4], $0x80, v3, vm0, $0xb8;
	[tilespmem:$0x10680] =	vst v63  }
0x160: {  	_ = 	snop  }
0x161: {  	[hbm4b:s5+s2] =	stream.indirect_vreg.scatter [tilespmem:s31], [sflag:$0x4], $0x80, v3, vm0, $0xb8;
	[tilespmem:$0x10680] =	vst v63  }
0x162: {  	_ = 	snop  }
0x163: {  	[hbm4b:s6+s2] =	stream.indirect_vreg.scatter [tilespmem:s17], [sflag:$0x4], $0x80, v3, vm0, $0xb8;
	[tilespmem:$0x10680] =	vst v63  }
0x164: {  	s11 =	simm.s32 $0xBE80  }
0x165: {  	[hbm4b:s7+s2] =	stream.indirect_vreg.scatter [tilespmem:s11], [sflag:$0x4], $0x80, v3, vm0, $0xb8;
	[tilespmem:$0x10680] =	vst v63  }
0x166: {  	v3 =	vld [tilespmem:$0x290];
	_ =	sdelay $0x4  }
0x167: {  	v59 =	vshll.u32 v3, $0x3  }
0x168: {  	v3 =	vand.u32 $0x7, v3;
	v4 =	vand.u32 $0xFFFFFFC0, v59  }
0x169: {  	v3 =	vor.u32 v3, v4  }
0x16a: {  	v4 =	vperm.xlane v3, v0;
	_ =	sdelay $0x1  }
0x16b: {  	v4 =	vadd.s32 v1, v4;
	_ =	sdelay $0x3  }
0x16c: {  	s12 =	simm.s32 $0xC680  }
0x16d: {  	[hbm4b:s4+s2] =	stream.indirect_vreg.scatter [tilespmem:s12], [sflag:$0x4], $0x80, v4, vm0, $0xb8;
	[tilespmem:$0x10680] =	vst v63  }
0x16e: {  	s25 =	simm.s32 $0xCE80;
	v3 =	vperm.xlane v3, v2  }
0x16f: {  	[hbm4b:s5+s2] =	stream.indirect_vreg.scatter [tilespmem:s25], [sflag:$0x4], $0x80, v4, vm0, $0xb8;
	[tilespmem:$0x10680] =	vst v63  }
0x170: {  	v3 =	vadd.s32 v1, v3  }
0x171: {  	[hbm4b:s6+s2] =	stream.indirect_vreg.scatter [tilespmem:s19], [sflag:$0x4], $0x80, v4, vm0, $0xb8;
	[tilespmem:$0x10680] =	vst v63  }
0x172: {  	_ = 	snop  }
0x173: {  	[hbm4b:s7+s2] =	stream.indirect_vreg.scatter [tilespmem:s20], [sflag:$0x4], $0x80, v4, vm0, $0xb8;
	[tilespmem:$0x10680] =	vst v63  }
0x174: {  	_ = 	snop  }
0x175: {  	[hbm4b:s4+s2] =	stream.indirect_vreg.scatter [tilespmem:s21], [sflag:$0x4], $0x80, v3, vm0, $0xb8;
	[tilespmem:$0x10680] =	vst v63  }
0x176: {  	_ = 	snop  }
0x177: {  	[hbm4b:s5+s2] =	stream.indirect_vreg.scatter [tilespmem:s22], [sflag:$0x4], $0x80, v3, vm0, $0xb8;
	[tilespmem:$0x10680] =	vst v63  }
0x178: {  	s11 =	simm.s32 $0xF680  }
0x179: {  	[hbm4b:s6+s2] =	stream.indirect_vreg.scatter [tilespmem:s11], [sflag:$0x4], $0x80, v3, vm0, $0xb8;
	[tilespmem:$0x10680] =	vst v63  }
0x17a: {  	s0 =	simm.s32 $0xFE80  }
0x17b: {  	[hbm4b:s7+s2] =	stream.indirect_vreg.scatter [tilespmem:s0], [sflag:$0x4], $0x80, v3, vm0, $0xb8;
	[tilespmem:$0x10680] =	vst v63  }
0x17c: {  	_ =	swait.ge [sflag:s8], $0x8000  }
0x17d: {  	[sflag:s8] =	ssyncset.done $0x0  }
0x17e: {  	s25 =	rddreg [dreg:$0xe];
	[sflag:s8] =	ssyncadd.s32 $0xFFFF8000  }
0x17f: {  	[tilespmem:s3], [sflag:$0x2] =	stream.linear.gather [hbm4b:s25+s2], $0x8000, $0x38;
	[tilespmem:$0x10680] =	vst v63  }
0x180: {  	_ =	swait.ge [sflag:s29], $0x8000  }
0x181: {  	[sflag:s29] =	ssyncset.done $0x0  }
0x182: {  	[sflag:s29] =	ssyncadd.s32 $0xFFFF8000  }
0x183: {  	v3 =	vld [tilespmem:$0x300];
	_ =	sdelay $0x4  }
0x184: {  	v60 =	vshll.u32 v3, $0x3  }
0x185: {  	v3 =	vand.u32 $0x7, v3;
	v4 =	vand.u32 $0xFFFFFFC0, v60  }
0x186: {  	v3 =	vor.u32 v3, v4  }
0x187: {  	v4 =	vperm.xlane v3, v0;
	_ =	sdelay $0x1  }
0x188: {  	v4 =	vadd.s32 v1, v4;
	_ =	sdelay $0x4  }
0x189: {  	[hbm4b:s4+s2] =	stream.indirect_vreg.scatter [tilespmem:s28], [sflag:$0x3], $0x80, v4, vm0, $0xb8;
	[tilespmem:$0x10680] =	vst v63  }
0x18a: {  	v3 =	vperm.xlane v3, v2;
	s28 =	simm.s32 $0xE80  }
0x18b: {  	[hbm4b:s5+s2] =	stream.indirect_vreg.scatter [tilespmem:s28], [sflag:$0x3], $0x80, v4, vm0, $0xb8;
	[tilespmem:$0x10680] =	vst v63  }
0x18c: {  	v3 =	vadd.s32 v1, v3;
	s28 =	simm.s32 $0x1680  }
0x18d: {  	[hbm4b:s6+s2] =	stream.indirect_vreg.scatter [tilespmem:s28], [sflag:$0x3], $0x80, v4, vm0, $0xb8;
	[tilespmem:$0x10680] =	vst v63  }
0x18e: {  	s26 =	simm.s32 $0x1E80  }
0x18f: {  	[hbm4b:s7+s2] =	stream.indirect_vreg.scatter [tilespmem:s26], [sflag:$0x3], $0x80, v4, vm0, $0xb8;
	[tilespmem:$0x10680] =	vst v63  }
0x190: {  	s26 =	simm.s32 $0x2680  }
0x191: {  	[hbm4b:s4+s2] =	stream.indirect_vreg.scatter [tilespmem:s26], [sflag:$0x3], $0x80, v3, vm0, $0xb8;
	[tilespmem:$0x10680] =	vst v63  }
0x192: {  	s28 =	simm.s32 $0x2E80  }
0x193: {  	[hbm4b:s5+s2] =	stream.indirect_vreg.scatter [tilespmem:s28], [sflag:$0x3], $0x80, v3, vm0, $0xb8;
	[tilespmem:$0x10680] =	vst v63  }
0x194: {  	s26 =	simm.s32 $0x3680  }
0x195: {  	[hbm4b:s6+s2] =	stream.indirect_vreg.scatter [tilespmem:s26], [sflag:$0x3], $0x80, v3, vm0, $0xb8;
	[tilespmem:$0x10680] =	vst v63  }
0x196: {  	s28 =	simm.s32 $0x3E80  }
0x197: {  	[hbm4b:s7+s2] =	stream.indirect_vreg.scatter [tilespmem:s28], [sflag:$0x3], $0x80, v3, vm0, $0xb8;
	[tilespmem:$0x10680] =	vst v63  }
0x198: {  	v3 =	vld [tilespmem:$0x310];
	_ =	sdelay $0x4  }
0x199: {  	v61 =	vshll.u32 v3, $0x3  }
0x19a: {  	v3 =	vand.u32 $0x7, v3;
	v4 =	vand.u32 $0xFFFFFFC0, v61  }
0x19b: {  	v3 =	vor.u32 v3, v4  }
0x19c: {  	v4 =	vperm.xlane v3, v0;
	_ =	sdelay $0x1  }
0x19d: {  	v4 =	vadd.s32 v1, v4;
	_ =	sdelay $0x3  }
0x19e: {  	s26 =	simm.s32 $0x4680  }
0x19f: {  	[hbm4b:s4+s2] =	stream.indirect_vreg.scatter [tilespmem:s26], [sflag:$0x3], $0x80, v4, vm0, $0xb8;
	[tilespmem:$0x10680] =	vst v63  }
0x1a0: {  	s28 =	simm.s32 $0x4E80;
	v3 =	vperm.xlane v3, v2  }
0x1a1: {  	[hbm4b:s5+s2] =	stream.indirect_vreg.scatter [tilespmem:s28], [sflag:$0x3], $0x80, v4, vm0, $0xb8;
	[tilespmem:$0x10680] =	vst v63  }
0x1a2: {  	v3 =	vadd.s32 v1, v3;
	s26 =	simm.s32 $0x5680  }
0x1a3: {  	[hbm4b:s6+s2] =	stream.indirect_vreg.scatter [tilespmem:s26], [sflag:$0x3], $0x80, v4, vm0, $0xb8;
	[tilespmem:$0x10680] =	vst v63  }
0x1a4: {  	s28 =	simm.s32 $0x5E80  }
0x1a5: {  	[hbm4b:s7+s2] =	stream.indirect_vreg.scatter [tilespmem:s28], [sflag:$0x3], $0x80, v4, vm0, $0xb8;
	[tilespmem:$0x10680] =	vst v63  }
0x1a6: {  	s14 =	simm.s32 $0x6680  }
0x1a7: {  	[hbm4b:s4+s2] =	stream.indirect_vreg.scatter [tilespmem:s14], [sflag:$0x3], $0x80, v3, vm0, $0xb8;
	[tilespmem:$0x10680] =	vst v63  }
0x1a8: {  	s15 =	simm.s32 $0x6E80  }
0x1a9: {  	[hbm4b:s5+s2] =	stream.indirect_vreg.scatter [tilespmem:s15], [sflag:$0x3], $0x80, v3, vm0, $0xb8;
	[tilespmem:$0x10680] =	vst v63  }
0x1aa: {  	s16 =	simm.s32 $0x7680  }
0x1ab: {  	[hbm4b:s6+s2] =	stream.indirect_vreg.scatter [tilespmem:s16], [sflag:$0x3], $0x80, v3, vm0, $0xb8;
	[tilespmem:$0x10680] =	vst v63  }
0x1ac: {  	s26 =	simm.s32 $0x7E80  }
0x1ad: {  	[hbm4b:s7+s2] =	stream.indirect_vreg.scatter [tilespmem:s26], [sflag:$0x3], $0x80, v3, vm0, $0xb8;
	[tilespmem:$0x10680] =	vst v63  }
0x1ae: {  	_ =	swait.ge [sflag:s24], $0x8000  }
0x1af: {  	[sflag:s24] =	ssyncset.done $0x0  }
0x1b0: {  	[sflag:s24] =	ssyncadd.s32 $0xFFFF8000  }
0x1b1: {  	v3 =	vld [tilespmem:$0x380];
	_ =	sdelay $0x4  }
0x1b2: {  	v62 =	vshll.u32 v3, $0x3  }
0x1b3: {  	v3 =	vand.u32 $0x7, v3;
	v4 =	vand.u32 $0xFFFFFFC0, v62  }
0x1b4: {  	v3 =	vor.u32 v3, v4  }
0x1b5: {  	v4 =	vperm.xlane v3, v0;
	_ =	sdelay $0x1  }
0x1b6: {  	v4 =	vadd.s32 v1, v4;
	_ =	sdelay $0x4  }
0x1b7: {  	[hbm4b:s4+s2] =	stream.indirect_vreg.scatter [tilespmem:s3], [sflag:$0x4], $0x80, v4, vm0, $0xb8;
	[tilespmem:$0x10680] =	vst v63  }
0x1b8: {  	s10 =	simm.s32 $0x8E80;
	v3 =	vperm.xlane v3, v2  }
0x1b9: {  	[hbm4b:s5+s2] =	stream.indirect_vreg.scatter [tilespmem:s10], [sflag:$0x4], $0x80, v4, vm0, $0xb8;
	[tilespmem:$0x10680] =	vst v63  }
0x1ba: {  	s1 =	simm.s32 $0x9680;
	v3 =	vadd.s32 v1, v3  }
0x1bb: {  	[hbm4b:s6+s2] =	stream.indirect_vreg.scatter [tilespmem:s1], [sflag:$0x4], $0x80, v4, vm0, $0xb8;
	[tilespmem:$0x10680] =	vst v63  }
0x1bc: {  	s18 =	simm.s32 $0x9E80  }
0x1bd: {  	[hbm4b:s7+s2] =	stream.indirect_vreg.scatter [tilespmem:s18], [sflag:$0x4], $0x80, v4, vm0, $0xb8;
	[tilespmem:$0x10680] =	vst v63  }
0x1be: {  	s23 =	simm.s32 $0xA680  }
0x1bf: {  	[hbm4b:s4+s2] =	stream.indirect_vreg.scatter [tilespmem:s23], [sflag:$0x4], $0x80, v3, vm0, $0xb8;
	[tilespmem:$0x10680] =	vst v63  }
0x1c0: {  	s31 =	simm.s32 $0xAE80  }
0x1c1: {  	[hbm4b:s5+s2] =	stream.indirect_vreg.scatter [tilespmem:s31], [sflag:$0x4], $0x80, v3, vm0, $0xb8;
	[tilespmem:$0x10680] =	vst v63  }
0x1c2: {  	s17 =	simm.s32 $0xB680  }
0x1c3: {  	[hbm4b:s6+s2] =	stream.indirect_vreg.scatter [tilespmem:s17], [sflag:$0x4], $0x80, v3, vm0, $0xb8;
	[tilespmem:$0x10680] =	vst v63  }
0x1c4: {  	s13 =	simm.s32 $0xBE80  }
0x1c5: {  	[hbm4b:s7+s2] =	stream.indirect_vreg.scatter [tilespmem:s13], [sflag:$0x4], $0x80, v3, vm0, $0xb8;
	[tilespmem:$0x10680] =	vst v63  }
0x1c6: {  	v3 =	vld [tilespmem:$0x390];
	_ =	sdelay $0x4  }
0x1c7: {  	v63 =	vshll.u32 v3, $0x3  }
0x1c8: {  	v3 =	vand.u32 $0x7, v3;
	v4 =	vand.u32 $0xFFFFFFC0, v63  }
0x1c9: {  	v3 =	vor.u32 v3, v4  }
0x1ca: {  	v4 =	vperm.xlane v3, v0;
	_ =	sdelay $0x1  }
0x1cb: {  	v4 =	vadd.s32 v1, v4;
	_ =	sdelay $0x4  }
0x1cc: {  	[hbm4b:s4+s2] =	stream.indirect_vreg.scatter [tilespmem:s12], [sflag:$0x4], $0x80, v4, vm0, $0xb8;
	[tilespmem:$0x10680] =	vst v63  }
0x1cd: {  	s9 =	simm.s32 $0xCE80;
	v3 =	vperm.xlane v3, v2  }
0x1ce: {  	[hbm4b:s5+s2] =	stream.indirect_vreg.scatter [tilespmem:s9], [sflag:$0x4], $0x80, v4, vm0, $0xb8;
	[tilespmem:$0x10680] =	vst v63  }
0x1cf: {  	s19 =	simm.s32 $0xD680;
	v3 =	vadd.s32 v1, v3  }
0x1d0: {  	[hbm4b:s6+s2] =	stream.indirect_vreg.scatter [tilespmem:s19], [sflag:$0x4], $0x80, v4, vm0, $0xb8;
	[tilespmem:$0x10680] =	vst v63  }
0x1d1: {  	s20 =	simm.s32 $0xDE80  }
0x1d2: {  	[hbm4b:s7+s2] =	stream.indirect_vreg.scatter [tilespmem:s20], [sflag:$0x4], $0x80, v4, vm0, $0xb8;
	[tilespmem:$0x10680] =	vst v63  }
0x1d3: {  	s21 =	simm.s32 $0xE680  }
0x1d4: {  	[hbm4b:s4+s2] =	stream.indirect_vreg.scatter [tilespmem:s21], [sflag:$0x4], $0x80, v3, vm0, $0xb8;
	[tilespmem:$0x10680] =	vst v63  }
0x1d5: {  	s22 =	simm.s32 $0xEE80  }
0x1d6: {  	[hbm4b:s5+s2] =	stream.indirect_vreg.scatter [tilespmem:s22], [sflag:$0x4], $0x80, v3, vm0, $0xb8;
	[tilespmem:$0x10680] =	vst v63  }
0x1d7: {  	_ = 	snop  }
0x1d8: {  	[hbm4b:s6+s2] =	stream.indirect_vreg.scatter [tilespmem:s11], [sflag:$0x4], $0x80, v3, vm0, $0xb8;
	[tilespmem:$0x10680] =	vst v63  }
0x1d9: {  	s28 =	rddreg [dreg:$0x13]  }
0x1da: {  	[hbm4b:s7+s2] =	stream.indirect_vreg.scatter [tilespmem:s0], [sflag:$0x4], $0x80, v3, vm0, $0xb8;
	[tilespmem:$0x10680] =	vst v63  }
0x1db: {  	p0 =	sne.s32 s28, $0x1;
	_ =	swait.ge [sflag:s30], $0x8000  }
.Ltmp0:
0x1dc: {  	[sflag:s30] =	ssyncset.done $0x0;
	(pc) =	sbr.rel @p0 .LBB2_1-.Ltmp0, $4  }
0x1dd: {  	[sflag:s30] =	ssyncadd.s32 $0xFFFF8000  }
0x1de: {  	_ =	swait.ge [sflag:s8], $0x8000  }
0x1df: {  	[sflag:s8] =	ssyncset.done $0x0  }
0x1e0: {  	s1 =	sadd.s32 $0xFFFFFFFF, s28;
	[sflag:s8] =	ssyncadd.s32 $0xFFFF8000  }
0x1e1: {  	_ =	sfence.sel $0x180000  }
0x1e2: {  	[bflag:$0x0] =	sbarrier.arrive $0xFFFF  }
0x1e3: {  	_ =	strace $0x90000047  }
0x1e4: {  	s0 =	stileid.u32;
	[bflag:$0x2] =	sbarrier.arrive $0xFFFF  }
0x1e5: {  	p0 =	sne.s32 s0, $0x0;
	s0 =	rddreg [dreg:$0x3]  }
0x1e6: {  	s0 =	sadd.s32 @!p0 $0x100000, s0  }
0x1e7: {  	[sflag:s0] =	ssyncadd.tile.s32 @!p0 $0x1;
	_ =	shalt  }
.Lfunc_end2:
_tile_overlayer_lowered:
.L_overlay_start_2:
0x1e8: {  	(tag) =	ssettag $0x2  }
0x1e9: {  	s0 =	rddreg [dreg:$0x0];
	s2 =	stileid.u32  }
0x1ea: {  	s1 =	rddreg [dreg:$0x1];
	p0 =	sne.s32 s2, $0x0  }
0x1eb: {  	s3 =	rddreg [dreg:$0x2];
	[bflag:$0x3] =	sbarrier.arrive $0xFFFF;
	s2 =	simm.s32 @!p0 $0x1C05  }
0x1ec: {  	[timem:s3], [sflag:s2] =	dma.local @!p0 [hbm:s0], s1  }
0x1ed: {  	s0 =	simm.s32 @!p0 $0x5  }
0x1ee: {  	_ =	swait.ge @!p0 [sflag:s0], s1  }
0x1ef: {  	s1 =	ssub.s32 @!p0 $0x0, s1;
	[sflag:s0] =	ssyncset.done @!p0 $0x0  }
0x1f0: {  	[sflag:s0] =	ssyncadd.s32 @!p0 s1  }
0x1f1: {  	[bflag:$0x3] =	sbarrier.arrive $0xFFFF  }
0x1f2: {  	_ =	shalt  }

// kernel: kernel.9.cloned.1.call-start
scs
__scs_entry_jumppad:
0x0: {  	(pc) =	sbr.rel $0x88, $3  }
0x1: {  	(tag) =	ssettag $0x0;
	lr =	simm.s32 $0x1  }
0x2: {  	[smem:$0x3F9B] =	sst lr;
	_ =	strace $0xD0000000  }
0x3: {  	_ = 	snop  }
0x4: {  	_ = 	snop  }
0x5: {  	_ = 	snop  }
0x6: {  	_ = 	snop  }
0x7: {  	_ = 	snop  }
__scs_overlays_trampoline_lowered:
0x8: {  	[smem:$0x3FAA] =	sst s0  }
0x9: {  	[smem:$0x3FAB] =	sst s1  }
0xa: {  	[smem:$0x3FAC] =	sst s2  }
0xb: {  	[smem:$0x3FAD] =	sst s3  }
0xc: {  	[smem:$0x3FAE] =	sst s4  }
0xd: {  	[smem:$0x3FAF] =	sst s5  }
0xe: {  	[smem:$0x3FB0] =	sst s6  }
0xf: {  	[smem:$0x3FB1] =	sst s7  }
0x10: {  	[smem:$0x3FB2] =	sst s8  }
0x11: {  	[smem:$0x3FB3] =	sst s9;
	s0 =	simm.s32 @!p0 $0x0  }
0x12: {  	s1 =	sld [smem:$0x3F99];
	s0 =	simm.s32 @p0 $0x1  }
0x13: {  	[smem:$0x3FB4] =	sst s0;
	s0 =	simm.s32 @!p1 $0x0  }
0x14: {  	s2 =	sld [smem:$0x3F98];
	s0 =	simm.s32 @p1 $0x1  }
0x15: {  	[smem:$0x3FB5] =	sst s0;
	s0 =	simm.s32 @!p2 $0x0  }
0x16: {  	s3 =	sld [smem:$0x3FDB];
	s0 =	simm.s32 @p2 $0x1  }
0x17: {  	s4 =	simm.s32 $0x1BF5;
	[smem:$0x3FB7] =	sst s0  }
0x18: {  	s0 =	sld [smem:$0x3F9A];
	_ =	swait.ge [sflag:s4], $0x0  }
0x19: {  	s7 =	sld [smem:$0x3F9B]  }
0x1a: {  	s8 =	sadd.s32 $0xFFFFE003, lr  }
0x1b: {  	s9 =	sadd.s32 $0xFFFFFEF7, lr;
	s5 =	simm.s32 $0xFFFFFFFF;
	p2 =	slt.u32 s8, $0xFFFFF086  }
0x1c: {  	p1 =	slt.u32 s9, $0xF7A;
	s5 =	simm.s32 @!p2 $0x0  }
0x1d: {  	s5 =	simm.s32 @p1 $0x1;
	p0 =	seq.s32 s7, s2  }
0x1e: {  	s7 =	smul.u32 @!p0 $0xF7A, s2;
	p2 =	seq.s32 @!p0 s5, $0x0  }
0x1f: {  	s9 =	smul.u32 $0xF7A, s1;
	s8 =	simm.s32 @!p0 $0x1BF5;
	p2 =	por !p2, p0  }
0x20: {  	[sflag:s8] =	ssyncset.s32 @!p0 $0xFFFFF086;
	s6 =	sadd.s32 @!p0 s3, s7;
	s7 =	simm.s32 @!p0 $0x108  }
0x21: {  	s3 =	sadd.s32 s3, s9;
	s6 =	sadd.s32 @!p0 $0x88, s6;
	s7 =	simm.s32 @p2 $0x1082  }
0x22: {  	[simem:s7], [sflag:s8] =	dma.local @!p0 [hbm:s6], $0xF7A  }
0x23: {  	s9 =	sor.u32 $0xD0000000, s2;
	s6 =	simm.s32 $0x108;
	_ =	swait.ge @!p0 [sflag:s8], $0x0  }
0x24: {  	s3 =	sadd.s32 $0x88, s3;
	s6 =	simm.s32 @!p1 $0x1082;
	[sflag:s4] =	ssyncset.s32 $0xFFFFF086  }
0x25: {  	[simem:s6], [sflag:s4] =	dma.local [hbm:s3], $0xF7A  }
0x26: {  	[smem:$0x3F9B] =	sst s1;
	(tag) =	ssettag s2;
	_ =	strace s9  }
0x27: {  	s1 =	sld [smem:$0x3FAB]  }
0x28: {  	s2 =	sld [smem:$0x3FAC]  }
0x29: {  	s4 =	sld [smem:$0x3FAE]  }
0x2a: {  	p0 =	seq.s32 s5, $0x0;
	s5 =	sld [smem:$0x3FAF]  }
0x2b: {  	s6 =	sld [smem:$0x3FB0]  }
0x2c: {  	s7 =	sld [smem:$0x3FB1]  }
0x2d: {  	s3 =	simm.s32 $0x108;
	s8 =	sld [smem:$0x3FB2]  }
0x2e: {  	s3 =	simm.s32 @!p0 $0x1082;
	s9 =	sld [smem:$0x3FB3]  }
0x2f: {  	lr =	sadd.s32 s0, s3;
	s0 =	sld [smem:$0x3FAA]  }
0x30: {  	s3 =	sld [smem:$0x3FAD]  }
0x31: {  	[smem:$0x3FB6] =	sst s10  }
0x32: {  	s10 =	sld [smem:$0x3FB4];
	_ =	sdelay $0x3  }
0x33: {  	p0 =	seq.s32 s10, $0x1;
	s10 =	sld [smem:$0x3FB6];
	_ =	sdelay $0x3  }
0x34: {  	[smem:$0x3FB6] =	sst s10  }
0x35: {  	s10 =	sld [smem:$0x3FB5];
	_ =	sdelay $0x3  }
0x36: {  	p1 =	seq.s32 s10, $0x1;
	s10 =	sld [smem:$0x3FB6];
	_ =	sdelay $0x3  }
0x37: {  	[smem:$0x3FB6] =	sst s10  }
0x38: {  	s10 =	sld [smem:$0x3FB7]  }
0x39: {  	_ = 	snop;
	(pc) =	sbr.ind lr, $3  }
0x3a: {  	_ = 	snop  }
0x3b: {  	_ = 	snop  }
0x3c: {  	p2 =	seq.s32 s10, $0x1;
	s10 =	sld [smem:$0x3FB6]  }
0x3d: {  	_ =	shalt  }
0x3e: {  	_ =	shalt  }
0x3f: {  	_ =	shalt  }
0x40: {  	_ =	shalt  }
0x41: {  	_ =	shalt  }
0x42: {  	_ =	shalt  }
0x43: {  	_ =	shalt  }
0x44: {  	_ =	shalt  }
0x45: {  	_ =	shalt  }
0x46: {  	_ =	shalt  }
0x47: {  	_ =	shalt  }
0x48: {  	_ =	shalt  }
0x49: {  	_ =	shalt  }
0x4a: {  	_ =	shalt  }
0x4b: {  	_ =	shalt  }
0x4c: {  	_ =	shalt  }
0x4d: {  	_ =	shalt  }
0x4e: {  	_ =	shalt  }
0x4f: {  	_ =	shalt  }
0x50: {  	_ =	shalt  }
0x51: {  	_ =	shalt  }
0x52: {  	_ =	shalt  }
0x53: {  	_ =	shalt  }
0x54: {  	_ =	shalt  }
0x55: {  	_ =	shalt  }
0x56: {  	_ =	shalt  }
0x57: {  	_ =	shalt  }
0x58: {  	_ =	shalt  }
0x59: {  	_ =	shalt  }
0x5a: {  	_ =	shalt  }
0x5b: {  	_ =	shalt  }
0x5c: {  	_ =	shalt  }
0x5d: {  	_ =	shalt  }
0x5e: {  	_ =	shalt  }
0x5f: {  	_ =	shalt  }
0x60: {  	_ =	shalt  }
0x61: {  	_ =	shalt  }
0x62: {  	_ =	shalt  }
0x63: {  	_ =	shalt  }
0x64: {  	_ =	shalt  }
0x65: {  	_ =	shalt  }
0x66: {  	_ =	shalt  }
0x67: {  	_ =	shalt  }
0x68: {  	_ =	shalt  }
0x69: {  	_ =	shalt  }
0x6a: {  	_ =	shalt  }
0x6b: {  	_ =	shalt  }
0x6c: {  	_ =	shalt  }
0x6d: {  	_ =	shalt  }
0x6e: {  	_ =	shalt  }
0x6f: {  	_ =	shalt  }
0x70: {  	_ =	shalt  }
0x71: {  	_ =	shalt  }
0x72: {  	_ =	shalt  }
0x73: {  	_ =	shalt  }
0x74: {  	_ =	shalt  }
0x75: {  	_ =	shalt  }
0x76: {  	_ =	shalt  }
0x77: {  	_ =	shalt  }
0x78: {  	_ =	shalt  }
0x79: {  	_ =	shalt  }
0x7a: {  	_ =	shalt  }
0x7b: {  	_ =	shalt  }
0x7c: {  	_ =	shalt  }
0x7d: {  	_ =	shalt  }
0x7e: {  	_ =	shalt  }
0x7f: {  	_ =	shalt  }
0x80: {  	_ =	shalt  }
0x81: {  	_ =	shalt  }
0x82: {  	_ =	shalt  }
0x83: {  	_ =	shalt  }
0x84: {  	_ =	shalt  }
0x85: {  	_ =	shalt  }
0x86: {  	_ =	shalt  }
0x87: {  	_ =	shalt  }
.Lfunc_end0:
.L_simem_size_0:
called_computation.1_lowered:
.L_overlay_start_0:
0x88: {  	s2 =	sld [smem:$0x3FD9]  }
0x89: {  	s3 =	sld [smem:$0x3FFE];
	_ =	sdelay $0x1  }
0x8a: {  	s1 =	srdreg.scid  }
0x8b: {  	s0 =	sand.u32 $0x1, s1  }
0x8c: {  	s17 =	sshll.u32 s0, $0xA;
	s2 =	sadd.s32 s3, s2  }
0x8d: {  	s2 =	sadd.s32 s2, s17  }
0x8e: {  	[smem:$0x3FC2] =	sst s2  }
0x8f: {  	_ = 	snop  }
0x90: {  	s2 =	sld [smem:$0x3FD0];
	(tm) =	ssettm $0x1  }
0x91: {  	s18 =	sld [smem:$0x3FFB];
	_ =	sdelay $0x3  }
0x92: {  	_ =	strace s18  }
0x93: {  	s3 =	sld [smem:$0x3FFC];
	_ =	sdelay $0x3  }
0x94: {  	_ =	strace s3  }
0x95: {  	s3 =	sld [smem:$0x3FFD];
	_ =	sdelay $0x3  }
0x96: {  	_ =	strace s3  }
0x97: {  	_ =	strace $0x8FFFFFFF  }
0x98: {  	s19 =	sld [smem:$0x3FDB];
	_ =	sdelay $0x1  }
0x99: {  	s4 =	simm.s32 $_scs_section_size  }
0x9a: {  	s5 =	simm.s32 $_size__tile_overlayer_lowered;
	s6 =	simm.s32 $_tile_overlayer_lowered  }
0x9b: {  	s22 =	simm.s32 $0x1BFF;
	s21 =	sshll.u32 s6, $0x1;
	s3 =	sadd.s32 s4, s19  }
0x9c: {  	s7 =	simm.s32 $0x0;
	s20 =	sshll.u32 s5, $0x1;
	s5 =	sadd.s32 s21, s3  }
0x9d: {  	[timem:s7], [sflag:s22] =	dma.local [hbm:s5], s20  }
0x9e: {  	_ =	swait.ge [sflag:s22], s20  }
0x9f: {  	s4 =	ssub.s32 $0x0, s20;
	[sflag:s22] =	ssyncset.done $0x0  }
0xa0: {  	[sflag:s22] =	ssyncadd.s32 s4;
	_ =	sdelay $0x1  }
0xa1: {  	s23 =	simm.s32 $0x1B8B  }
0xa2: {  	_ =	swait.ge [sflag:s23], $0x1  }
0xa3: {  	[sflag:s23] =	ssyncset.done $0x0  }
0xa4: {  	s25 =	simm.s32 $0x1B8E;
	s24 =	sld [smem:$0x3FFE];
	[sflag:s23] =	ssyncadd.s32 $0xFFFFFFFF  }
0xa5: {  	s26 =	simm.s32 $execute0_lowered;
	[smem:$0x3FD2] =	sst s25  }
0xa6: {  	s5 =	sshll.u32 s26, $0x1;
	_ =	strace $0x80000049;
	[dreg:$0x1] =	wrdreg $0xFFFFFFFF  }
0xa7: {  	s28 =	simm.s32 $_size_execute0_lowered;
	s3 =	sadd.s32 s3, s5;
	[dreg:$0x0] =	wrdreg $0x0  }
0xa8: {  	s5 =	sshll.u32 s28, $0x1;
	[dreg:$0x2] =	wrdreg s3  }
0xa9: {  	[dreg:$0x3] =	wrdreg s5  }
0xaa: {  	[dreg:$0x4] =	wrdreg $0xC0  }
0xab: {  	_ =	task [dreg:s7], $0x5FFFF  }
0xac: {  	[dreg:$0x1] =	wrdreg $0xFFFFFFFF  }
0xad: {  	[dreg:$0x0] =	wrdreg $0x60  }
0xae: {  	[dreg:$0x2] =	wrdreg s24  }
0xaf: {  	[dreg:$0x3] =	wrdreg s2  }
0xb0: {  	[dreg:$0x4] =	wrdreg $0x9  }
0xb1: {  	_ =	task.clear_ibuf [dreg:s7], $0x5FFFF;
	_ =	strace $0x90000049  }
0xb2: {  	s29 =	simm.s32 $0x9;
	_ =	strace $0x8000004B  }
0xb3: {  	_ =	swait.ge [sflag:s29], $0x1  }
0xb4: {  	[sflag:s29] =	ssyncadd.s32 $0xFFFFFFFF  }
0xb5: {  	_ =	strace $0x9000004B  }
0xb6: {  	_ =	sfence  }
0xb7: {  	s30 =	sld [smem:$0x0];
	_ =	sdelay $0x2  }
0xb8: {  	s31 =	sshll.u32 s1, $0xD;
	s1 =	sshrl.u32 s1, $0x2  }
0xb9: {  	s3 =	sand.u32 $0x4000, s31;
	s1 =	sadd.s32 s1, s30  }
0xba: {  	s0 =	sor.u32 s3, s0;
	s1 =	sshll.u32 s1, $0x11  }
0xbb: {  	s0 =	sor.u32 s1, s0  }
0xbc: {  	s0 =	sadd.s32 $0x8F2B, s0  }
0xbd: {  	[sflag:s0] =	ssyncadd.remote.s32 $0x1  }
0xbe: {  	_ =	sfence.sel $0xFFFF  }
0xbf: {  	[dreg:$0x0] =	wrdreg $0xFFFFFFFF;
	(pc) =	sbr.abs _section_cstart, $3  }
0xc0: {  	[dreg:$0x1] =	wrdreg $0xFFFFFFFF  }
0xc1: {  	_ =	task.clear_ibuf [dreg:s7], $0x2FFFF;
	_ =	strace $0x9FFFFFFF  }
0xc2: {  	(tm) =	ssettm $0x7FFFFFFF  }
0xc3: {  	_ =	shalt  }
tec
execute0_lowered:
.L_overlay_start_1:
0x0: {  	(tag) =	ssettag $0x1  }
0x1: {  	s0 =	srdreg.scid;
	s1 =	rddreg [dreg:$0x0]  }
0x2: {  	s2 =	stileid.u32;
	s4 =	rddreg [dreg:$0x1]  }
0x3: {  	s9 =	simm.s32 $0x4;
	s29 =	simm.s32 $0x3;
	s30 =	simm.s32 $0x2900  }
0x4: {  	s31 =	simm.s32 $0x3100;
	s18 =	simm.s32 $0x11100;
	s19 =	simm.s32 $0x11900  }
0x5: {  	s10 =	simm.s32 $0x12900;
	s11 =	simm.s32 $0x13100;
	s12 =	simm.s32 $0x13900  }
0x6: {  	s13 =	simm.s32 $0x14100;
	s14 =	simm.s32 $0x14900;
	s15 =	simm.s32 $0x15100  }
0x7: {  	s16 =	simm.s32 $0x15900;
	s17 =	simm.s32 $0x16100;
	s0 =	sand.u32 $0x1, s0  }
0x8: {  	s28 =	simm.s32 $0x17900;
	s2 =	sshll.u32 s2, $0x9;
	s3 =	sshll.u32 s0, $0x8  }
0x9: {  	s6 =	sadd.s32 $0x181800, s1;
	s7 =	sadd.s32 $0x181900, s1;
	s3 =	sor.u32 s3, s2  }
0xa: {  	s2 =	simm.s32 $0x0;
	s5 =	sshrl.u32 s3, $0x3;
	s3 =	sshll.u32 s3, $0x7  }
0xb: {  	[smem:$0x7FF] =	sst s2;
	s5 =	sadd.s32 s5, s1;
	s8 =	sadd.s32 s4, s3  }
0xc: {  	_ =	strace $0x8000004A;
	s5 =	sadd.s32 $0xC00, s5;
	[dreg:$0xb] =	wrdreg s8  }
0xd: {  	s0 =	ssub.s32 $0x2, s0;
	s3 =	sadd.s32 $0x1000, s8;
	[dreg:$0x3] =	wrdreg s5  }
0xe: {  	s21 =	sshrl.u32 s0, $0x1;
	s20 =	sadd.s32 $0x2000, s8;
	[dreg:$0x4] =	wrdreg s3  }
0xf: {  	s0 =	ssub.s32 s0, s21;
	s22 =	sadd.s32 $0x3000, s8;
	[dreg:$0x5] =	wrdreg s20  }
0x10: {  	s21 =	simm.s32 $0x2;
	s23 =	sadd.s32 $0x4000, s8;
	[dreg:$0x6] =	wrdreg s22  }
0x11: {  	s4 =	sadd.s32 $0x181600, s1;
	s24 =	sadd.s32 $0x5000, s8;
	[dreg:$0x7] =	wrdreg s23  }
0x12: {  	s25 =	sadd.s32 $0x6000, s8;
	s26 =	sadd.s32 $0x7000, s8;
	[dreg:$0x8] =	wrdreg s24  }
0x13: {  	v2 =	vlaneseq.u32;
	s8 =	smax.u32 s0, $0x1;
	s5 =	sadd.s32 $0x181700, s1;
	[dreg:$0x9] =	wrdreg s25  }
0x14: {  	vm0 =	vmmov $0xffff;
	v1 =	vshrl.u32 v2, $0x3;
	[dreg:$0xa] =	wrdreg s26;
	s20 =	simm.s32 $0x1;
	s26 =	simm.s32 $0x100  }
0x15: {  	v0 =	vand.u32 $0x7, v2;
	v2 =	vor.u32 $0x8, v2;
	v1 =	vmul.u32 $0x8, v1;
	s22 =	simm.s32 $0x10900;
	s24 =	simm.s32 $0x16900;
	s25 =	simm.s32 $0x17100  }
.LBB2_1:
0x16: {  	s23 =	rddreg [dreg:$0x3]  }
0x17: {  	[tilespmem:s2], [sflag:$0x4] =	stream.linear.gather [hbm4b:s23+s2], $0x100, $0x38;
	[tilespmem:$0x18100] =	vst v63  }
0x18: {  	_ =	swait.ge [sflag:s9], $0x100  }
0x19: {  	[sflag:s9] =	ssyncset.done $0x0  }
0x1a: {  	[sflag:s9] =	ssyncadd.s32 $0xFFFFFF00  }
0x1b: {  	v3 =	vld [tilespmem:$0x0];
	_ =	sdelay $0x4  }
0x1c: {  	v4 =	vshll.u32 v3, $0x3  }
0x1d: {  	v3 =	vand.u32 $0x7, v3;
	v4 =	vand.u32 $0xFFFFFFC0, v4  }
0x1e: {  	v3 =	vor.u32 v3, v4  }
0x1f: {  	v4 =	vperm.xlane v3, v0;
	_ =	sdelay $0x1  }
0x20: {  	v4 =	vadd.s32 v1, v4;
	_ =	sdelay $0x4  }
0x21: {  	[tilespmem:s26], [sflag:$0x1] =	stream.indirect_vreg.gather [hbm4b:s4+s2], $0x80, v4, vm0, $0xb8;
	[tilespmem:$0x18100] =	vst v63  }
0x22: {  	s0 =	simm.s32 $0x900;
	v3 =	vperm.xlane v3, v2  }
0x23: {  	[tilespmem:s0], [sflag:$0x1] =	stream.indirect_vreg.gather [hbm4b:s5+s2], $0x80, v4, vm0, $0xb8;
	[tilespmem:$0x18100] =	vst v63  }
0x24: {  	s3 =	simm.s32 $0x1100;
	v3 =	vadd.s32 v1, v3  }
0x25: {  	[tilespmem:s3], [sflag:$0x1] =	stream.indirect_vreg.gather [hbm4b:s6+s2], $0x80, v4, vm0, $0xb8;
	[tilespmem:$0x18100] =	vst v63  }
0x26: {  	s23 =	simm.s32 $0x1900  }
0x27: {  	[tilespmem:s23], [sflag:$0x1] =	stream.indirect_vreg.gather [hbm4b:s7+s2], $0x80, v4, vm0, $0xb8;
	[tilespmem:$0x18100] =	vst v63  }
0x28: {  	s1 =	simm.s32 $0x2100  }
0x29: {  	[tilespmem:s1], [sflag:$0x1] =	stream.indirect_vreg.gather [hbm4b:s4+s2], $0x80, v3, vm0, $0xb8;
	[tilespmem:$0x18100] =	vst v63  }
0x2a: {  	_ = 	snop  }
0x2b: {  	[tilespmem:s30], [sflag:$0x1] =	stream.indirect_vreg.gather [hbm4b:s5+s2], $0x80, v3, vm0, $0xb8;
	[tilespmem:$0x18100] =	vst v63  }
0x2c: {  	_ = 	snop  }
0x2d: {  	[tilespmem:s31], [sflag:$0x1] =	stream.indirect_vreg.gather [hbm4b:s6+s2], $0x80, v3, vm0, $0xb8;
	[tilespmem:$0x18100] =	vst v63  }
0x2e: {  	s3 =	simm.s32 $0x3900  }
0x2f: {  	[tilespmem:s3], [sflag:$0x1] =	stream.indirect_vreg.gather [hbm4b:s7+s2], $0x80, v3, vm0, $0xb8;
	[tilespmem:$0x18100] =	vst v63  }
0x30: {  	v3 =	vld [tilespmem:$0x10];
	_ =	sdelay $0x4  }
0x31: {  	v49 =	vshll.u32 v3, $0x3  }
0x32: {  	v3 =	vand.u32 $0x7, v3;
	v4 =	vand.u32 $0xFFFFFFC0, v49  }
0x33: {  	v3 =	vor.u32 v3, v4  }
0x34: {  	v4 =	vperm.xlane v3, v0;
	_ =	sdelay $0x1  }
0x35: {  	v4 =	vadd.s32 v1, v4;
	_ =	sdelay $0x3  }
0x36: {  	s23 =	simm.s32 $0x4100  }
0x37: {  	[tilespmem:s23], [sflag:$0x1] =	stream.indirect_vreg.gather [hbm4b:s4+s2], $0x80, v4, vm0, $0xb8;
	[tilespmem:$0x18100] =	vst v63  }
0x38: {  	s1 =	simm.s32 $0x4900;
	v3 =	vperm.xlane v3, v2  }
0x39: {  	[tilespmem:s1], [sflag:$0x1] =	stream.indirect_vreg.gather [hbm4b:s5+s2], $0x80, v4, vm0, $0xb8;
	[tilespmem:$0x18100] =	vst v63  }
0x3a: {  	s3 =	simm.s32 $0x5100;
	v3 =	vadd.s32 v1, v3  }
0x3b: {  	[tilespmem:s3], [sflag:$0x1] =	stream.indirect_vreg.gather [hbm4b:s6+s2], $0x80, v4, vm0, $0xb8;
	[tilespmem:$0x18100] =	vst v63  }
0x3c: {  	s23 =	simm.s32 $0x5900  }
0x3d: {  	[tilespmem:s23], [sflag:$0x1] =	stream.indirect_vreg.gather [hbm4b:s7+s2], $0x80, v4, vm0, $0xb8;
	[tilespmem:$0x18100] =	vst v63  }
0x3e: {  	s1 =	simm.s32 $0x6100  }
0x3f: {  	[tilespmem:s1], [sflag:$0x1] =	stream.indirect_vreg.gather [hbm4b:s4+s2], $0x80, v3, vm0, $0xb8;
	[tilespmem:$0x18100] =	vst v63  }
0x40: {  	s3 =	simm.s32 $0x6900  }
0x41: {  	[tilespmem:s3], [sflag:$0x1] =	stream.indirect_vreg.gather [hbm4b:s5+s2], $0x80, v3, vm0, $0xb8;
	[tilespmem:$0x18100] =	vst v63  }
0x42: {  	s23 =	simm.s32 $0x7100  }
0x43: {  	[tilespmem:s23], [sflag:$0x1] =	stream.indirect_vreg.gather [hbm4b:s6+s2], $0x80, v3, vm0, $0xb8;
	[tilespmem:$0x18100] =	vst v63  }
0x44: {  	s1 =	simm.s32 $0x7900  }
0x45: {  	[tilespmem:s1], [sflag:$0x1] =	stream.indirect_vreg.gather [hbm4b:s7+s2], $0x80, v3, vm0, $0xb8;
	[tilespmem:$0x18100] =	vst v63  }
0x46: {  	v3 =	vld [tilespmem:$0x20];
	_ =	sdelay $0x4  }
0x47: {  	v50 =	vshll.u32 v3, $0x3  }
0x48: {  	v3 =	vand.u32 $0x7, v3;
	v4 =	vand.u32 $0xFFFFFFC0, v50  }
0x49: {  	v3 =	vor.u32 v3, v4  }
0x4a: {  	v4 =	vperm.xlane v3, v0;
	_ =	sdelay $0x1  }
0x4b: {  	v4 =	vadd.s32 v1, v4;
	_ =	sdelay $0x3  }
0x4c: {  	s0 =	simm.s32 $0x8100  }
0x4d: {  	[tilespmem:s0], [sflag:$0x2] =	stream.indirect_vreg.gather [hbm4b:s4+s2], $0x80, v4, vm0, $0xb8;
	[tilespmem:$0x18100] =	vst v63  }
0x4e: {  	s1 =	simm.s32 $0x8900;
	v3 =	vperm.xlane v3, v2  }
0x4f: {  	[tilespmem:s1], [sflag:$0x2] =	stream.indirect_vreg.gather [hbm4b:s5+s2], $0x80, v4, vm0, $0xb8;
	[tilespmem:$0x18100] =	vst v63  }
0x50: {  	s3 =	simm.s32 $0x9100;
	v3 =	vadd.s32 v1, v3  }
0x51: {  	[tilespmem:s3], [sflag:$0x2] =	stream.indirect_vreg.gather [hbm4b:s6+s2], $0x80, v4, vm0, $0xb8;
	[tilespmem:$0x18100] =	vst v63  }
0x52: {  	s23 =	simm.s32 $0x9900  }
0x53: {  	[tilespmem:s23], [sflag:$0x2] =	stream.indirect_vreg.gather [hbm4b:s7+s2], $0x80, v4, vm0, $0xb8;
	[tilespmem:$0x18100] =	vst v63  }
0x54: {  	s3 =	simm.s32 $0xA100  }
0x55: {  	[tilespmem:s3], [sflag:$0x2] =	stream.indirect_vreg.gather [hbm4b:s4+s2], $0x80, v3, vm0, $0xb8;
	[tilespmem:$0x18100] =	vst v63  }
0x56: {  	s23 =	simm.s32 $0xA900  }
0x57: {  	[tilespmem:s23], [sflag:$0x2] =	stream.indirect_vreg.gather [hbm4b:s5+s2], $0x80, v3, vm0, $0xb8;
	[tilespmem:$0x18100] =	vst v63  }
0x58: {  	s3 =	simm.s32 $0xB100  }
0x59: {  	[tilespmem:s3], [sflag:$0x2] =	stream.indirect_vreg.gather [hbm4b:s6+s2], $0x80, v3, vm0, $0xb8;
	[tilespmem:$0x18100] =	vst v63  }
0x5a: {  	s23 =	simm.s32 $0xB900  }
0x5b: {  	[tilespmem:s23], [sflag:$0x2] =	stream.indirect_vreg.gather [hbm4b:s7+s2], $0x80, v3, vm0, $0xb8;
	[tilespmem:$0x18100] =	vst v63  }
0x5c: {  	v3 =	vld [tilespmem:$0x30];
	_ =	sdelay $0x4  }
0x5d: {  	v51 =	vshll.u32 v3, $0x3  }
0x5e: {  	v3 =	vand.u32 $0x7, v3;
	v4 =	vand.u32 $0xFFFFFFC0, v51  }
0x5f: {  	v3 =	vor.u32 v3, v4  }
0x60: {  	v4 =	vperm.xlane v3, v0;
	_ =	sdelay $0x1  }
0x61: {  	v4 =	vadd.s32 v1, v4;
	_ =	sdelay $0x3  }
0x62: {  	s3 =	simm.s32 $0xC100  }
0x63: {  	[tilespmem:s3], [sflag:$0x2] =	stream.indirect_vreg.gather [hbm4b:s4+s2], $0x80, v4, vm0, $0xb8;
	[tilespmem:$0x18100] =	vst v63  }
0x64: {  	s23 =	simm.s32 $0xC900;
	v3 =	vperm.xlane v3, v2  }
0x65: {  	[tilespmem:s23], [sflag:$0x2] =	stream.indirect_vreg.gather [hbm4b:s5+s2], $0x80, v4, vm0, $0xb8;
	[tilespmem:$0x18100] =	vst v63  }
0x66: {  	v3 =	vadd.s32 v1, v3;
	s3 =	simm.s32 $0xD100  }
0x67: {  	[tilespmem:s3], [sflag:$0x2] =	stream.indirect_vreg.gather [hbm4b:s6+s2], $0x80, v4, vm0, $0xb8;
	[tilespmem:$0x18100] =	vst v63  }
0x68: {  	s23 =	simm.s32 $0xD900  }
0x69: {  	[tilespmem:s23], [sflag:$0x2] =	stream.indirect_vreg.gather [hbm4b:s7+s2], $0x80, v4, vm0, $0xb8;
	[tilespmem:$0x18100] =	vst v63  }
0x6a: {  	s3 =	simm.s32 $0xE100  }
0x6b: {  	[tilespmem:s3], [sflag:$0x2] =	stream.indirect_vreg.gather [hbm4b:s4+s2], $0x80, v3, vm0, $0xb8;
	[tilespmem:$0x18100] =	vst v63  }
0x6c: {  	s23 =	simm.s32 $0xE900  }
0x6d: {  	[tilespmem:s23], [sflag:$0x2] =	stream.indirect_vreg.gather [hbm4b:s5+s2], $0x80, v3, vm0, $0xb8;
	[tilespmem:$0x18100] =	vst v63  }
0x6e: {  	s3 =	simm.s32 $0xF100  }
0x6f: {  	[tilespmem:s3], [sflag:$0x2] =	stream.indirect_vreg.gather [hbm4b:s6+s2], $0x80, v3, vm0, $0xb8;
	[tilespmem:$0x18100] =	vst v63  }
0x70: {  	s23 =	simm.s32 $0xF900  }
0x71: {  	[tilespmem:s23], [sflag:$0x2] =	stream.indirect_vreg.gather [hbm4b:s7+s2], $0x80, v3, vm0, $0xb8;
	[tilespmem:$0x18100] =	vst v63  }
0x72: {  	v3 =	vld [tilespmem:$0x40];
	_ =	sdelay $0x4  }
0x73: {  	v52 =	vshll.u32 v3, $0x3  }
0x74: {  	v3 =	vand.u32 $0x7, v3;
	v4 =	vand.u32 $0xFFFFFFC0, v52  }
0x75: {  	v3 =	vor.u32 v3, v4  }
0x76: {  	v4 =	vperm.xlane v3, v0;
	_ =	sdelay $0x1  }
0x77: {  	v4 =	vadd.s32 v1, v4;
	_ =	sdelay $0x3  }
0x78: {  	s1 =	simm.s32 $0x10100  }
0x79: {  	[tilespmem:s1], [sflag:$0x3] =	stream.indirect_vreg.gather [hbm4b:s4+s2], $0x80, v4, vm0, $0xb8;
	[tilespmem:$0x18100] =	vst v63  }
0x7a: {  	v3 =	vperm.xlane v3, v2  }
0x7b: {  	[tilespmem:s22], [sflag:$0x3] =	stream.indirect_vreg.gather [hbm4b:s5+s2], $0x80, v4, vm0, $0xb8;
	[tilespmem:$0x18100] =	vst v63  }
0x7c: {  	v3 =	vadd.s32 v1, v3  }
0x7d: {  	[tilespmem:s18], [sflag:$0x3] =	stream.indirect_vreg.gather [hbm4b:s6+s2], $0x80, v4, vm0, $0xb8;
	[tilespmem:$0x18100] =	vst v63  }
0x7e: {  	_ = 	snop  }
0x7f: {  	[tilespmem:s19], [sflag:$0x3] =	stream.indirect_vreg.gather [hbm4b:s7+s2], $0x80, v4, vm0, $0xb8;
	[tilespmem:$0x18100] =	vst v63  }
0x80: {  	s3 =	simm.s32 $0x12100  }
0x81: {  	[tilespmem:s3], [sflag:$0x3] =	stream.indirect_vreg.gather [hbm4b:s4+s2], $0x80, v3, vm0, $0xb8;
	[tilespmem:$0x18100] =	vst v63  }
0x82: {  	_ = 	snop  }
0x83: {  	[tilespmem:s10], [sflag:$0x3] =	stream.indirect_vreg.gather [hbm4b:s5+s2], $0x80, v3, vm0, $0xb8;
	[tilespmem:$0x18100] =	vst v63  }
0x84: {  	_ = 	snop  }
0x85: {  	[tilespmem:s11], [sflag:$0x3] =	stream.indirect_vreg.gather [hbm4b:s6+s2], $0x80, v3, vm0, $0xb8;
	[tilespmem:$0x18100] =	vst v63  }
0x86: {  	_ = 	snop  }
0x87: {  	[tilespmem:s12], [sflag:$0x3] =	stream.indirect_vreg.gather [hbm4b:s7+s2], $0x80, v3, vm0, $0xb8;
	[tilespmem:$0x18100] =	vst v63  }
0x88: {  	v3 =	vld [tilespmem:$0x50];
	_ =	sdelay $0x4  }
0x89: {  	v53 =	vshll.u32 v3, $0x3  }
0x8a: {  	v3 =	vand.u32 $0x7, v3;
	v4 =	vand.u32 $0xFFFFFFC0, v53  }
0x8b: {  	v3 =	vor.u32 v3, v4  }
0x8c: {  	v4 =	vperm.xlane v3, v0;
	_ =	sdelay $0x1  }
0x8d: {  	v4 =	vadd.s32 v1, v4;
	_ =	sdelay $0x4  }
0x8e: {  	[tilespmem:s13], [sflag:$0x3] =	stream.indirect_vreg.gather [hbm4b:s4+s2], $0x80, v4, vm0, $0xb8;
	[tilespmem:$0x18100] =	vst v63  }
0x8f: {  	v3 =	vperm.xlane v3, v2  }
0x90: {  	[tilespmem:s14], [sflag:$0x3] =	stream.indirect_vreg.gather [hbm4b:s5+s2], $0x80, v4, vm0, $0xb8;
	[tilespmem:$0x18100] =	vst v63  }
0x91: {  	v3 =	vadd.s32 v1, v3  }
0x92: {  	[tilespmem:s15], [sflag:$0x3] =	stream.indirect_vreg.gather [hbm4b:s6+s2], $0x80, v4, vm0, $0xb8;
	[tilespmem:$0x18100] =	vst v63  }
0x93: {  	_ = 	snop  }
0x94: {  	[tilespmem:s16], [sflag:$0x3] =	stream.indirect_vreg.gather [hbm4b:s7+s2], $0x80, v4, vm0, $0xb8;
	[tilespmem:$0x18100] =	vst v63  }
0x95: {  	_ = 	snop  }
0x96: {  	[tilespmem:s17], [sflag:$0x3] =	stream.indirect_vreg.gather [hbm4b:s4+s2], $0x80, v3, vm0, $0xb8;
	[tilespmem:$0x18100] =	vst v63  }
0x97: {  	_ = 	snop  }
0x98: {  	[tilespmem:s24], [sflag:$0x3] =	stream.indirect_vreg.gather [hbm4b:s5+s2], $0x80, v3, vm0, $0xb8;
	[tilespmem:$0x18100] =	vst v63  }
0x99: {  	_ = 	snop  }
0x9a: {  	[tilespmem:s25], [sflag:$0x3] =	stream.indirect_vreg.gather [hbm4b:s6+s2], $0x80, v3, vm0, $0xb8;
	[tilespmem:$0x18100] =	vst v63  }
0x9b: {  	_ = 	snop  }
0x9c: {  	[tilespmem:s28], [sflag:$0x3] =	stream.indirect_vreg.gather [hbm4b:s7+s2], $0x80, v3, vm0, $0xb8;
	[tilespmem:$0x18100] =	vst v63  }
0x9d: {  	_ =	swait.ge [sflag:s20], $0x8000  }
0x9e: {  	[sflag:s20] =	ssyncset.done $0x0  }
0x9f: {  	s23 =	rddreg [dreg:$0xb];
	[sflag:s20] =	ssyncadd.s32 $0xFFFF8000  }
0xa0: {  	[hbm4b:s23+s2] =	stream.linear.scatter [tilespmem:s26], [sflag:$0x4], $0x8000, $0x38;
	[tilespmem:$0x18100] =	vst v63  }
0xa1: {  	_ =	swait.ge [sflag:s9], $0x8000  }
0xa2: {  	[sflag:s9] =	ssyncset.done $0x0  }
0xa3: {  	[sflag:s9] =	ssyncadd.s32 $0xFFFF8000  }
0xa4: {  	v3 =	vld [tilespmem:$0x60];
	_ =	sdelay $0x4  }
0xa5: {  	v54 =	vshll.u32 v3, $0x3  }
0xa6: {  	v3 =	vand.u32 $0x7, v3;
	v4 =	vand.u32 $0xFFFFFFC0, v54  }
0xa7: {  	v3 =	vor.u32 v3, v4  }
0xa8: {  	v4 =	vperm.xlane v3, v0;
	_ =	sdelay $0x1  }
0xa9: {  	v4 =	vadd.s32 v1, v4;
	_ =	sdelay $0x4  }
0xaa: {  	[tilespmem:s26], [sflag:$0x1] =	stream.indirect_vreg.gather [hbm4b:s4+s2], $0x80, v4, vm0, $0xb8;
	[tilespmem:$0x18100] =	vst v63  }
0xab: {  	s23 =	simm.s32 $0x900;
	v3 =	vperm.xlane v3, v2  }
0xac: {  	[tilespmem:s23], [sflag:$0x1] =	stream.indirect_vreg.gather [hbm4b:s5+s2], $0x80, v4, vm0, $0xb8;
	[tilespmem:$0x18100] =	vst v63  }
0xad: {  	v3 =	vadd.s32 v1, v3;
	s23 =	simm.s32 $0x1100  }
0xae: {  	[tilespmem:s23], [sflag:$0x1] =	stream.indirect_vreg.gather [hbm4b:s6+s2], $0x80, v4, vm0, $0xb8;
	[tilespmem:$0x18100] =	vst v63  }
0xaf: {  	s23 =	simm.s32 $0x1900  }
0xb0: {  	[tilespmem:s23], [sflag:$0x1] =	stream.indirect_vreg.gather [hbm4b:s7+s2], $0x80, v4, vm0, $0xb8;
	[tilespmem:$0x18100] =	vst v63  }
0xb1: {  	s23 =	simm.s32 $0x2100  }
0xb2: {  	[tilespmem:s23], [sflag:$0x1] =	stream.indirect_vreg.gather [hbm4b:s4+s2], $0x80, v3, vm0, $0xb8;
	[tilespmem:$0x18100] =	vst v63  }
0xb3: {  	_ = 	snop  }
0xb4: {  	[tilespmem:s30], [sflag:$0x1] =	stream.indirect_vreg.gather [hbm4b:s5+s2], $0x80, v3, vm0, $0xb8;
	[tilespmem:$0x18100] =	vst v63  }
0xb5: {  	_ = 	snop  }
0xb6: {  	[tilespmem:s31], [sflag:$0x1] =	stream.indirect_vreg.gather [hbm4b:s6+s2], $0x80, v3, vm0, $0xb8;
	[tilespmem:$0x18100] =	vst v63  }
0xb7: {  	s23 =	simm.s32 $0x3900  }
0xb8: {  	[tilespmem:s23], [sflag:$0x1] =	stream.indirect_vreg.gather [hbm4b:s7+s2], $0x80, v3, vm0, $0xb8;
	[tilespmem:$0x18100] =	vst v63  }
0xb9: {  	v3 =	vld [tilespmem:$0x70];
	_ =	sdelay $0x4  }
0xba: {  	v55 =	vshll.u32 v3, $0x3  }
0xbb: {  	v3 =	vand.u32 $0x7, v3;
	v4 =	vand.u32 $0xFFFFFFC0, v55  }
0xbc: {  	v3 =	vor.u32 v3, v4  }
0xbd: {  	v4 =	vperm.xlane v3, v0;
	_ =	sdelay $0x1  }
0xbe: {  	v4 =	vadd.s32 v1, v4;
	_ =	sdelay $0x3  }
0xbf: {  	s23 =	simm.s32 $0x4100  }
0xc0: {  	[tilespmem:s23], [sflag:$0x1] =	stream.indirect_vreg.gather [hbm4b:s4+s2], $0x80, v4, vm0, $0xb8;
	[tilespmem:$0x18100] =	vst v63  }
0xc1: {  	v3 =	vperm.xlane v3, v2;
	s23 =	simm.s32 $0x4900  }
0xc2: {  	[tilespmem:s23], [sflag:$0x1] =	stream.indirect_vreg.gather [hbm4b:s5+s2], $0x80, v4, vm0, $0xb8;
	[tilespmem:$0x18100] =	vst v63  }
0xc3: {  	v3 =	vadd.s32 v1, v3;
	s23 =	simm.s32 $0x5100  }
0xc4: {  	[tilespmem:s23], [sflag:$0x1] =	stream.indirect_vreg.gather [hbm4b:s6+s2], $0x80, v4, vm0, $0xb8;
	[tilespmem:$0x18100] =	vst v63  }
0xc5: {  	s23 =	simm.s32 $0x5900  }
0xc6: {  	[tilespmem:s23], [sflag:$0x1] =	stream.indirect_vreg.gather [hbm4b:s7+s2], $0x80, v4, vm0, $0xb8;
	[tilespmem:$0x18100] =	vst v63  }
0xc7: {  	s23 =	simm.s32 $0x6100  }
0xc8: {  	[tilespmem:s23], [sflag:$0x1] =	stream.indirect_vreg.gather [hbm4b:s4+s2], $0x80, v3, vm0, $0xb8;
	[tilespmem:$0x18100] =	vst v63  }
0xc9: {  	s23 =	simm.s32 $0x6900  }
0xca: {  	[tilespmem:s23], [sflag:$0x1] =	stream.indirect_vreg.gather [hbm4b:s5+s2], $0x80, v3, vm0, $0xb8;
	[tilespmem:$0x18100] =	vst v63  }
0xcb: {  	s23 =	simm.s32 $0x7100  }
0xcc: {  	[tilespmem:s23], [sflag:$0x1] =	stream.indirect_vreg.gather [hbm4b:s6+s2], $0x80, v3, vm0, $0xb8;
	[tilespmem:$0x18100] =	vst v63  }
0xcd: {  	s23 =	simm.s32 $0x7900  }
0xce: {  	[tilespmem:s23], [sflag:$0x1] =	stream.indirect_vreg.gather [hbm4b:s7+s2], $0x80, v3, vm0, $0xb8;
	[tilespmem:$0x18100] =	vst v63  }
0xcf: {  	_ =	swait.ge [sflag:s21], $0x8000  }
0xd0: {  	[sflag:s21] =	ssyncset.done $0x0  }
0xd1: {  	s23 =	rddreg [dreg:$0x4];
	[sflag:s21] =	ssyncadd.s32 $0xFFFF8000  }
0xd2: {  	[hbm4b:s23+s2] =	stream.linear.scatter [tilespmem:s0], [sflag:$0x4], $0x8000, $0x38;
	[tilespmem:$0x18100] =	vst v63  }
0xd3: {  	_ =	swait.ge [sflag:s9], $0x8000  }
0xd4: {  	[sflag:s9] =	ssyncset.done $0x0  }
0xd5: {  	[sflag:s9] =	ssyncadd.s32 $0xFFFF8000  }
0xd6: {  	v3 =	vld [tilespmem:$0x80];
	_ =	sdelay $0x4  }
0xd7: {  	v56 =	vshll.u32 v3, $0x3  }
0xd8: {  	v3 =	vand.u32 $0x7, v3;
	v4 =	vand.u32 $0xFFFFFFC0, v56  }
0xd9: {  	v3 =	vor.u32 v3, v4  }
0xda: {  	v4 =	vperm.xlane v3, v0;
	_ =	sdelay $0x1  }
0xdb: {  	v4 =	vadd.s32 v1, v4;
	_ =	sdelay $0x4  }
0xdc: {  	[tilespmem:s0], [sflag:$0x2] =	stream.indirect_vreg.gather [hbm4b:s4+s2], $0x80, v4, vm0, $0xb8;
	[tilespmem:$0x18100] =	vst v63  }
0xdd: {  	s23 =	simm.s32 $0x8900;
	v3 =	vperm.xlane v3, v2  }
0xde: {  	[tilespmem:s23], [sflag:$0x2] =	stream.indirect_vreg.gather [hbm4b:s5+s2], $0x80, v4, vm0, $0xb8;
	[tilespmem:$0x18100] =	vst v63  }
0xdf: {  	v3 =	vadd.s32 v1, v3;
	s23 =	simm.s32 $0x9100  }
0xe0: {  	[tilespmem:s23], [sflag:$0x2] =	stream.indirect_vreg.gather [hbm4b:s6+s2], $0x80, v4, vm0, $0xb8;
	[tilespmem:$0x18100] =	vst v63  }
0xe1: {  	s23 =	simm.s32 $0x9900  }
0xe2: {  	[tilespmem:s23], [sflag:$0x2] =	stream.indirect_vreg.gather [hbm4b:s7+s2], $0x80, v4, vm0, $0xb8;
	[tilespmem:$0x18100] =	vst v63  }
0xe3: {  	s23 =	simm.s32 $0xA100  }
0xe4: {  	[tilespmem:s23], [sflag:$0x2] =	stream.indirect_vreg.gather [hbm4b:s4+s2], $0x80, v3, vm0, $0xb8;
	[tilespmem:$0x18100] =	vst v63  }
0xe5: {  	s23 =	simm.s32 $0xA900  }
0xe6: {  	[tilespmem:s23], [sflag:$0x2] =	stream.indirect_vreg.gather [hbm4b:s5+s2], $0x80, v3, vm0, $0xb8;
	[tilespmem:$0x18100] =	vst v63  }
0xe7: {  	s23 =	simm.s32 $0xB100  }
0xe8: {  	[tilespmem:s23], [sflag:$0x2] =	stream.indirect_vreg.gather [hbm4b:s6+s2], $0x80, v3, vm0, $0xb8;
	[tilespmem:$0x18100] =	vst v63  }
0xe9: {  	s23 =	simm.s32 $0xB900  }
0xea: {  	[tilespmem:s23], [sflag:$0x2] =	stream.indirect_vreg.gather [hbm4b:s7+s2], $0x80, v3, vm0, $0xb8;
	[tilespmem:$0x18100] =	vst v63  }
0xeb: {  	v3 =	vld [tilespmem:$0x90];
	_ =	sdelay $0x4  }
0xec: {  	v57 =	vshll.u32 v3, $0x3  }
0xed: {  	v3 =	vand.u32 $0x7, v3;
	v4 =	vand.u32 $0xFFFFFFC0, v57  }
0xee: {  	v3 =	vor.u32 v3, v4  }
0xef: {  	v4 =	vperm.xlane v3, v0;
	_ =	sdelay $0x1  }
0xf0: {  	v4 =	vadd.s32 v1, v4;
	_ =	sdelay $0x3  }
0xf1: {  	s23 =	simm.s32 $0xC100  }
0xf2: {  	[tilespmem:s23], [sflag:$0x2] =	stream.indirect_vreg.gather [hbm4b:s4+s2], $0x80, v4, vm0, $0xb8;
	[tilespmem:$0x18100] =	vst v63  }
0xf3: {  	v3 =	vperm.xlane v3, v2;
	s23 =	simm.s32 $0xC900  }
0xf4: {  	[tilespmem:s23], [sflag:$0x2] =	stream.indirect_vreg.gather [hbm4b:s5+s2], $0x80, v4, vm0, $0xb8;
	[tilespmem:$0x18100] =	vst v63  }
0xf5: {  	v3 =	vadd.s32 v1, v3;
	s23 =	simm.s32 $0xD100  }
0xf6: {  	[tilespmem:s23], [sflag:$0x2] =	stream.indirect_vreg.gather [hbm4b:s6+s2], $0x80, v4, vm0, $0xb8;
	[tilespmem:$0x18100] =	vst v63  }
0xf7: {  	s23 =	simm.s32 $0xD900  }
0xf8: {  	[tilespmem:s23], [sflag:$0x2] =	stream.indirect_vreg.gather [hbm4b:s7+s2], $0x80, v4, vm0, $0xb8;
	[tilespmem:$0x18100] =	vst v63  }
0xf9: {  	s23 =	simm.s32 $0xE100  }
0xfa: {  	[tilespmem:s23], [sflag:$0x2] =	stream.indirect_vreg.gather [hbm4b:s4+s2], $0x80, v3, vm0, $0xb8;
	[tilespmem:$0x18100] =	vst v63  }
0xfb: {  	s23 =	simm.s32 $0xE900  }
0xfc: {  	[tilespmem:s23], [sflag:$0x2] =	stream.indirect_vreg.gather [hbm4b:s5+s2], $0x80, v3, vm0, $0xb8;
	[tilespmem:$0x18100] =	vst v63  }
0xfd: {  	s23 =	simm.s32 $0xF100  }
0xfe: {  	[tilespmem:s23], [sflag:$0x2] =	stream.indirect_vreg.gather [hbm4b:s6+s2], $0x80, v3, vm0, $0xb8;
	[tilespmem:$0x18100] =	vst v63  }
0xff: {  	s23 =	simm.s32 $0xF900  }
0x100: {  	[tilespmem:s23], [sflag:$0x2] =	stream.indirect_vreg.gather [hbm4b:s7+s2], $0x80, v3, vm0, $0xb8;
	[tilespmem:$0x18100] =	vst v63  }
0x101: {  	_ =	swait.ge [sflag:s29], $0x8000  }
0x102: {  	[sflag:s29] =	ssyncset.done $0x0  }
0x103: {  	s23 =	rddreg [dreg:$0x5];
	[sflag:s29] =	ssyncadd.s32 $0xFFFF8000  }
0x104: {  	[hbm4b:s23+s2] =	stream.linear.scatter [tilespmem:s1], [sflag:$0x4], $0x8000, $0x38;
	[tilespmem:$0x18100] =	vst v63  }
0x105: {  	_ =	swait.ge [sflag:s9], $0x8000  }
0x106: {  	[sflag:s9] =	ssyncset.done $0x0  }
0x107: {  	[sflag:s9] =	ssyncadd.s32 $0xFFFF8000  }
0x108: {  	v3 =	vld [tilespmem:$0xA0];
	_ =	sdelay $0x4  }
0x109: {  	v58 =	vshll.u32 v3, $0x3  }
0x10a: {  	v3 =	vand.u32 $0x7, v3;
	v4 =	vand.u32 $0xFFFFFFC0, v58  }
0x10b: {  	v3 =	vor.u32 v3, v4  }
0x10c: {  	v4 =	vperm.xlane v3, v0;
	_ =	sdelay $0x1  }
0x10d: {  	v4 =	vadd.s32 v1, v4;
	_ =	sdelay $0x4  }
0x10e: {  	[tilespmem:s1], [sflag:$0x3] =	stream.indirect_vreg.gather [hbm4b:s4+s2], $0x80, v4, vm0, $0xb8;
	[tilespmem:$0x18100] =	vst v63  }
0x10f: {  	v3 =	vperm.xlane v3, v2  }
0x110: {  	[tilespmem:s22], [sflag:$0x3] =	stream.indirect_vreg.gather [hbm4b:s5+s2], $0x80, v4, vm0, $0xb8;
	[tilespmem:$0x18100] =	vst v63  }
0x111: {  	v3 =	vadd.s32 v1, v3  }
0x112: {  	[tilespmem:s18], [sflag:$0x3] =	stream.indirect_vreg.gather [hbm4b:s6+s2], $0x80, v4, vm0, $0xb8;
	[tilespmem:$0x18100] =	vst v63  }
0x113: {  	_ = 	snop  }
0x114: {  	[tilespmem:s19], [sflag:$0x3] =	stream.indirect_vreg.gather [hbm4b:s7+s2], $0x80, v4, vm0, $0xb8;
	[tilespmem:$0x18100] =	vst v63  }
0x115: {  	_ = 	snop  }
0x116: {  	[tilespmem:s3], [sflag:$0x3] =	stream.indirect_vreg.gather [hbm4b:s4+s2], $0x80, v3, vm0, $0xb8;
	[tilespmem:$0x18100] =	vst v63  }
0x117: {  	_ = 	snop  }
0x118: {  	[tilespmem:s10], [sflag:$0x3] =	stream.indirect_vreg.gather [hbm4b:s5+s2], $0x80, v3, vm0, $0xb8;
	[tilespmem:$0x18100] =	vst v63  }
0x119: {  	_ = 	snop  }
0x11a: {  	[tilespmem:s11], [sflag:$0x3] =	stream.indirect_vreg.gather [hbm4b:s6+s2], $0x80, v3, vm0, $0xb8;
	[tilespmem:$0x18100] =	vst v63  }
0x11b: {  	_ = 	snop  }
0x11c: {  	[tilespmem:s12], [sflag:$0x3] =	stream.indirect_vreg.gather [hbm4b:s7+s2], $0x80, v3, vm0, $0xb8;
	[tilespmem:$0x18100] =	vst v63  }
0x11d: {  	v3 =	vld [tilespmem:$0xB0];
	_ =	sdelay $0x4  }
0x11e: {  	v59 =	vshll.u32 v3, $0x3  }
0x11f: {  	v3 =	vand.u32 $0x7, v3;
	v4 =	vand.u32 $0xFFFFFFC0, v59  }
0x120: {  	v3 =	vor.u32 v3, v4  }
0x121: {  	v4 =	vperm.xlane v3, v0;
	_ =	sdelay $0x1  }
0x122: {  	v4 =	vadd.s32 v1, v4;
	_ =	sdelay $0x4  }
0x123: {  	[tilespmem:s13], [sflag:$0x3] =	stream.indirect_vreg.gather [hbm4b:s4+s2], $0x80, v4, vm0, $0xb8;
	[tilespmem:$0x18100] =	vst v63  }
0x124: {  	v3 =	vperm.xlane v3, v2  }
0x125: {  	[tilespmem:s14], [sflag:$0x3] =	stream.indirect_vreg.gather [hbm4b:s5+s2], $0x80, v4, vm0, $0xb8;
	[tilespmem:$0x18100] =	vst v63  }
0x126: {  	v3 =	vadd.s32 v1, v3  }
0x127: {  	[tilespmem:s15], [sflag:$0x3] =	stream.indirect_vreg.gather [hbm4b:s6+s2], $0x80, v4, vm0, $0xb8;
	[tilespmem:$0x18100] =	vst v63  }
0x128: {  	_ = 	snop  }
0x129: {  	[tilespmem:s16], [sflag:$0x3] =	stream.indirect_vreg.gather [hbm4b:s7+s2], $0x80, v4, vm0, $0xb8;
	[tilespmem:$0x18100] =	vst v63  }
0x12a: {  	_ = 	snop  }
0x12b: {  	[tilespmem:s17], [sflag:$0x3] =	stream.indirect_vreg.gather [hbm4b:s4+s2], $0x80, v3, vm0, $0xb8;
	[tilespmem:$0x18100] =	vst v63  }
0x12c: {  	_ = 	snop  }
0x12d: {  	[tilespmem:s24], [sflag:$0x3] =	stream.indirect_vreg.gather [hbm4b:s5+s2], $0x80, v3, vm0, $0xb8;
	[tilespmem:$0x18100] =	vst v63  }
0x12e: {  	_ = 	snop  }
0x12f: {  	[tilespmem:s25], [sflag:$0x3] =	stream.indirect_vreg.gather [hbm4b:s6+s2], $0x80, v3, vm0, $0xb8;
	[tilespmem:$0x18100] =	vst v63  }
0x130: {  	_ = 	snop  }
0x131: {  	[tilespmem:s28], [sflag:$0x3] =	stream.indirect_vreg.gather [hbm4b:s7+s2], $0x80, v3, vm0, $0xb8;
	[tilespmem:$0x18100] =	vst v63  }
0x132: {  	_ =	swait.ge [sflag:s20], $0x8000  }
0x133: {  	[sflag:s20] =	ssyncset.done $0x0  }
0x134: {  	s3 =	rddreg [dreg:$0x6];
	[sflag:s20] =	ssyncadd.s32 $0xFFFF8000  }
0x135: {  	[hbm4b:s3+s2] =	stream.linear.scatter [tilespmem:s26], [sflag:$0x4], $0x8000, $0x38;
	[tilespmem:$0x18100] =	vst v63  }
0x136: {  	_ =	swait.ge [sflag:s9], $0x8000  }
0x137: {  	[sflag:s9] =	ssyncset.done $0x0  }
0x138: {  	[sflag:s9] =	ssyncadd.s32 $0xFFFF8000  }
0x139: {  	v3 =	vld [tilespmem:$0xC0];
	_ =	sdelay $0x4  }
0x13a: {  	v60 =	vshll.u32 v3, $0x3  }
0x13b: {  	v3 =	vand.u32 $0x7, v3;
	v4 =	vand.u32 $0xFFFFFFC0, v60  }
0x13c: {  	v3 =	vor.u32 v3, v4  }
0x13d: {  	v4 =	vperm.xlane v3, v0;
	_ =	sdelay $0x1  }
0x13e: {  	v4 =	vadd.s32 v1, v4;
	_ =	sdelay $0x4  }
0x13f: {  	[tilespmem:s26], [sflag:$0x1] =	stream.indirect_vreg.gather [hbm4b:s4+s2], $0x80, v4, vm0, $0xb8;
	[tilespmem:$0x18100] =	vst v63  }
0x140: {  	s23 =	simm.s32 $0x900;
	v3 =	vperm.xlane v3, v2  }
0x141: {  	[tilespmem:s23], [sflag:$0x1] =	stream.indirect_vreg.gather [hbm4b:s5+s2], $0x80, v4, vm0, $0xb8;
	[tilespmem:$0x18100] =	vst v63  }
0x142: {  	v3 =	vadd.s32 v1, v3;
	s23 =	simm.s32 $0x1100  }
0x143: {  	[tilespmem:s23], [sflag:$0x1] =	stream.indirect_vreg.gather [hbm4b:s6+s2], $0x80, v4, vm0, $0xb8;
	[tilespmem:$0x18100] =	vst v63  }
0x144: {  	s23 =	simm.s32 $0x1900  }
0x145: {  	[tilespmem:s23], [sflag:$0x1] =	stream.indirect_vreg.gather [hbm4b:s7+s2], $0x80, v4, vm0, $0xb8;
	[tilespmem:$0x18100] =	vst v63  }
0x146: {  	s23 =	simm.s32 $0x2100  }
0x147: {  	[tilespmem:s23], [sflag:$0x1] =	stream.indirect_vreg.gather [hbm4b:s4+s2], $0x80, v3, vm0, $0xb8;
	[tilespmem:$0x18100] =	vst v63  }
0x148: {  	_ = 	snop  }
0x149: {  	[tilespmem:s30], [sflag:$0x1] =	stream.indirect_vreg.gather [hbm4b:s5+s2], $0x80, v3, vm0, $0xb8;
	[tilespmem:$0x18100] =	vst v63  }
0x14a: {  	_ = 	snop  }
0x14b: {  	[tilespmem:s31], [sflag:$0x1] =	stream.indirect_vreg.gather [hbm4b:s6+s2], $0x80, v3, vm0, $0xb8;
	[tilespmem:$0x18100] =	vst v63  }
0x14c: {  	s23 =	simm.s32 $0x3900  }
0x14d: {  	[tilespmem:s23], [sflag:$0x1] =	stream.indirect_vreg.gather [hbm4b:s7+s2], $0x80, v3, vm0, $0xb8;
	[tilespmem:$0x18100] =	vst v63  }
0x14e: {  	v3 =	vld [tilespmem:$0xD0];
	_ =	sdelay $0x4  }
0x14f: {  	v61 =	vshll.u32 v3, $0x3  }
0x150: {  	v3 =	vand.u32 $0x7, v3;
	v4 =	vand.u32 $0xFFFFFFC0, v61  }
0x151: {  	v3 =	vor.u32 v3, v4  }
0x152: {  	v4 =	vperm.xlane v3, v0;
	_ =	sdelay $0x1  }
0x153: {  	v4 =	vadd.s32 v1, v4;
	_ =	sdelay $0x3  }
0x154: {  	s23 =	simm.s32 $0x4100  }
0x155: {  	[tilespmem:s23], [sflag:$0x1] =	stream.indirect_vreg.gather [hbm4b:s4+s2], $0x80, v4, vm0, $0xb8;
	[tilespmem:$0x18100] =	vst v63  }
0x156: {  	v3 =	vperm.xlane v3, v2;
	s23 =	simm.s32 $0x4900  }
0x157: {  	[tilespmem:s23], [sflag:$0x1] =	stream.indirect_vreg.gather [hbm4b:s5+s2], $0x80, v4, vm0, $0xb8;
	[tilespmem:$0x18100] =	vst v63  }
0x158: {  	v3 =	vadd.s32 v1, v3;
	s23 =	simm.s32 $0x5100  }
0x159: {  	[tilespmem:s23], [sflag:$0x1] =	stream.indirect_vreg.gather [hbm4b:s6+s2], $0x80, v4, vm0, $0xb8;
	[tilespmem:$0x18100] =	vst v63  }
0x15a: {  	s23 =	simm.s32 $0x5900  }
0x15b: {  	[tilespmem:s23], [sflag:$0x1] =	stream.indirect_vreg.gather [hbm4b:s7+s2], $0x80, v4, vm0, $0xb8;
	[tilespmem:$0x18100] =	vst v63  }
0x15c: {  	s23 =	simm.s32 $0x6100  }
0x15d: {  	[tilespmem:s23], [sflag:$0x1] =	stream.indirect_vreg.gather [hbm4b:s4+s2], $0x80, v3, vm0, $0xb8;
	[tilespmem:$0x18100] =	vst v63  }
0x15e: {  	s23 =	simm.s32 $0x6900  }
0x15f: {  	[tilespmem:s23], [sflag:$0x1] =	stream.indirect_vreg.gather [hbm4b:s5+s2], $0x80, v3, vm0, $0xb8;
	[tilespmem:$0x18100] =	vst v63  }
0x160: {  	s23 =	simm.s32 $0x7100  }
0x161: {  	[tilespmem:s23], [sflag:$0x1] =	stream.indirect_vreg.gather [hbm4b:s6+s2], $0x80, v3, vm0, $0xb8;
	[tilespmem:$0x18100] =	vst v63  }
0x162: {  	s23 =	simm.s32 $0x7900  }
0x163: {  	[tilespmem:s23], [sflag:$0x1] =	stream.indirect_vreg.gather [hbm4b:s7+s2], $0x80, v3, vm0, $0xb8;
	[tilespmem:$0x18100] =	vst v63  }
0x164: {  	_ =	swait.ge [sflag:s21], $0x8000  }
0x165: {  	[sflag:s21] =	ssyncset.done $0x0  }
0x166: {  	s3 =	rddreg [dreg:$0x7];
	[sflag:s21] =	ssyncadd.s32 $0xFFFF8000  }
0x167: {  	[hbm4b:s3+s2] =	stream.linear.scatter [tilespmem:s0], [sflag:$0x4], $0x8000, $0x38;
	[tilespmem:$0x18100] =	vst v63  }
0x168: {  	_ =	swait.ge [sflag:s9], $0x8000  }
0x169: {  	[sflag:s9] =	ssyncset.done $0x0  }
0x16a: {  	[sflag:s9] =	ssyncadd.s32 $0xFFFF8000  }
0x16b: {  	v3 =	vld [tilespmem:$0xE0];
	_ =	sdelay $0x4  }
0x16c: {  	v62 =	vshll.u32 v3, $0x3  }
0x16d: {  	v3 =	vand.u32 $0x7, v3;
	v4 =	vand.u32 $0xFFFFFFC0, v62  }
0x16e: {  	v3 =	vor.u32 v3, v4  }
0x16f: {  	v4 =	vperm.xlane v3, v0;
	_ =	sdelay $0x1  }
0x170: {  	v4 =	vadd.s32 v1, v4;
	_ =	sdelay $0x4  }
0x171: {  	[tilespmem:s0], [sflag:$0x2] =	stream.indirect_vreg.gather [hbm4b:s4+s2], $0x80, v4, vm0, $0xb8;
	[tilespmem:$0x18100] =	vst v63  }
0x172: {  	s23 =	simm.s32 $0x8900;
	v3 =	vperm.xlane v3, v2  }
0x173: {  	[tilespmem:s23], [sflag:$0x2] =	stream.indirect_vreg.gather [hbm4b:s5+s2], $0x80, v4, vm0, $0xb8;
	[tilespmem:$0x18100] =	vst v63  }
0x174: {  	v3 =	vadd.s32 v1, v3;
	s23 =	simm.s32 $0x9100  }
0x175: {  	[tilespmem:s23], [sflag:$0x2] =	stream.indirect_vreg.gather [hbm4b:s6+s2], $0x80, v4, vm0, $0xb8;
	[tilespmem:$0x18100] =	vst v63  }
0x176: {  	s23 =	simm.s32 $0x9900  }
0x177: {  	[tilespmem:s23], [sflag:$0x2] =	stream.indirect_vreg.gather [hbm4b:s7+s2], $0x80, v4, vm0, $0xb8;
	[tilespmem:$0x18100] =	vst v63  }
0x178: {  	s23 =	simm.s32 $0xA100  }
0x179: {  	[tilespmem:s23], [sflag:$0x2] =	stream.indirect_vreg.gather [hbm4b:s4+s2], $0x80, v3, vm0, $0xb8;
	[tilespmem:$0x18100] =	vst v63  }
0x17a: {  	s23 =	simm.s32 $0xA900  }
0x17b: {  	[tilespmem:s23], [sflag:$0x2] =	stream.indirect_vreg.gather [hbm4b:s5+s2], $0x80, v3, vm0, $0xb8;
	[tilespmem:$0x18100] =	vst v63  }
0x17c: {  	s23 =	simm.s32 $0xB100  }
0x17d: {  	[tilespmem:s23], [sflag:$0x2] =	stream.indirect_vreg.gather [hbm4b:s6+s2], $0x80, v3, vm0, $0xb8;
	[tilespmem:$0x18100] =	vst v63  }
0x17e: {  	s23 =	simm.s32 $0xB900  }
0x17f: {  	[tilespmem:s23], [sflag:$0x2] =	stream.indirect_vreg.gather [hbm4b:s7+s2], $0x80, v3, vm0, $0xb8;
	[tilespmem:$0x18100] =	vst v63  }
0x180: {  	v3 =	vld [tilespmem:$0xF0];
	_ =	sdelay $0x4  }
0x181: {  	v63 =	vshll.u32 v3, $0x3  }
0x182: {  	v3 =	vand.u32 $0x7, v3;
	v4 =	vand.u32 $0xFFFFFFC0, v63  }
0x183: {  	v3 =	vor.u32 v3, v4  }
0x184: {  	v4 =	vperm.xlane v3, v0;
	_ =	sdelay $0x1  }
0x185: {  	v4 =	vadd.s32 v1, v4;
	_ =	sdelay $0x3  }
0x186: {  	s23 =	simm.s32 $0xC100  }
0x187: {  	[tilespmem:s23], [sflag:$0x2] =	stream.indirect_vreg.gather [hbm4b:s4+s2], $0x80, v4, vm0, $0xb8;
	[tilespmem:$0x18100] =	vst v63  }
0x188: {  	v3 =	vperm.xlane v3, v2;
	s23 =	simm.s32 $0xC900  }
0x189: {  	[tilespmem:s23], [sflag:$0x2] =	stream.indirect_vreg.gather [hbm4b:s5+s2], $0x80, v4, vm0, $0xb8;
	[tilespmem:$0x18100] =	vst v63  }
0x18a: {  	v3 =	vadd.s32 v1, v3;
	s23 =	simm.s32 $0xD100  }
0x18b: {  	[tilespmem:s23], [sflag:$0x2] =	stream.indirect_vreg.gather [hbm4b:s6+s2], $0x80, v4, vm0, $0xb8;
	[tilespmem:$0x18100] =	vst v63  }
0x18c: {  	s23 =	simm.s32 $0xD900  }
0x18d: {  	[tilespmem:s23], [sflag:$0x2] =	stream.indirect_vreg.gather [hbm4b:s7+s2], $0x80, v4, vm0, $0xb8;
	[tilespmem:$0x18100] =	vst v63  }
0x18e: {  	s23 =	simm.s32 $0xE100  }
0x18f: {  	[tilespmem:s23], [sflag:$0x2] =	stream.indirect_vreg.gather [hbm4b:s4+s2], $0x80, v3, vm0, $0xb8;
	[tilespmem:$0x18100] =	vst v63  }
0x190: {  	s23 =	simm.s32 $0xE900  }
0x191: {  	[tilespmem:s23], [sflag:$0x2] =	stream.indirect_vreg.gather [hbm4b:s5+s2], $0x80, v3, vm0, $0xb8;
	[tilespmem:$0x18100] =	vst v63  }
0x192: {  	s23 =	simm.s32 $0xF100  }
0x193: {  	[tilespmem:s23], [sflag:$0x2] =	stream.indirect_vreg.gather [hbm4b:s6+s2], $0x80, v3, vm0, $0xb8;
	[tilespmem:$0x18100] =	vst v63  }
0x194: {  	s23 =	simm.s32 $0xF900  }
0x195: {  	[tilespmem:s23], [sflag:$0x2] =	stream.indirect_vreg.gather [hbm4b:s7+s2], $0x80, v3, vm0, $0xb8;
	[tilespmem:$0x18100] =	vst v63  }
0x196: {  	_ =	swait.ge [sflag:s29], $0x8000  }
0x197: {  	[sflag:s29] =	ssyncset.done $0x0  }
0x198: {  	s3 =	rddreg [dreg:$0x8];
	[sflag:s29] =	ssyncadd.s32 $0xFFFF8000  }
0x199: {  	[hbm4b:s3+s2] =	stream.linear.scatter [tilespmem:s1], [sflag:$0x4], $0x8000, $0x38;
	[tilespmem:$0x18100] =	vst v63  }
0x19a: {  	_ =	swait.ge [sflag:s9], $0x8000  }
0x19b: {  	[sflag:s9] =	ssyncset.done $0x0  }
0x19c: {  	[sflag:s9] =	ssyncadd.s32 $0xFFFF8000  }
0x19d: {  	_ =	swait.ge [sflag:s20], $0x8000  }
0x19e: {  	[sflag:s20] =	ssyncset.done $0x0  }
0x19f: {  	s1 =	rddreg [dreg:$0x9];
	[sflag:s20] =	ssyncadd.s32 $0xFFFF8000  }
0x1a0: {  	[hbm4b:s1+s2] =	stream.linear.scatter [tilespmem:s26], [sflag:$0x4], $0x8000, $0x38;
	[tilespmem:$0x18100] =	vst v63  }
0x1a1: {  	_ =	swait.ge [sflag:s9], $0x8000  }
0x1a2: {  	[sflag:s9] =	ssyncset.done $0x0  }
0x1a3: {  	[sflag:s9] =	ssyncadd.s32 $0xFFFF8000  }
0x1a4: {  	_ =	swait.ge [sflag:s21], $0x8000  }
0x1a5: {  	p0 =	sne.s32 s8, $0x1;
	[sflag:s21] =	ssyncset.done $0x0  }
.Ltmp0:
0x1a6: {  	s3 =	rddreg [dreg:$0xa];
	[sflag:s21] =	ssyncadd.s32 $0xFFFF8000;
	(pc) =	sbr.rel @p0 .LBB2_1-.Ltmp0, $4  }
0x1a7: {  	[hbm4b:s3+s2] =	stream.linear.scatter [tilespmem:s0], [sflag:$0x4], $0x8000, $0x38;
	[tilespmem:$0x18100] =	vst v63  }
0x1a8: {  	_ =	swait.ge [sflag:s9], $0x8000  }
0x1a9: {  	[sflag:s9] =	ssyncset.done $0x0  }
0x1aa: {  	s8 =	sadd.s32 $0xFFFFFFFF, s8;
	[sflag:s9] =	ssyncadd.s32 $0xFFFF8000  }
0x1ab: {  	_ =	sfence.sel $0x180000  }
0x1ac: {  	[bflag:$0x0] =	sbarrier.arrive $0xFFFF  }
0x1ad: {  	_ =	strace $0x9000004A  }
0x1ae: {  	s0 =	stileid.u32;
	[bflag:$0x2] =	sbarrier.arrive $0xFFFF  }
0x1af: {  	p0 =	sne.s32 s0, $0x0;
	s0 =	rddreg [dreg:$0x2]  }
0x1b0: {  	s0 =	sadd.s32 @!p0 $0x100000, s0  }
0x1b1: {  	[sflag:s0] =	ssyncadd.tile.s32 @!p0 $0x1;
	_ =	shalt  }
.Lfunc_end2:
_tile_overlayer_lowered:
.L_overlay_start_2:
0x1b2: {  	(tag) =	ssettag $0x2  }
0x1b3: {  	s0 =	rddreg [dreg:$0x0];
	s2 =	stileid.u32  }
0x1b4: {  	s1 =	rddreg [dreg:$0x1];
	p0 =	sne.s32 s2, $0x0  }
0x1b5: {  	s3 =	rddreg [dreg:$0x2];
	[bflag:$0x3] =	sbarrier.arrive $0xFFFF;
	s2 =	simm.s32 @!p0 $0x1C04  }
0x1b6: {  	[timem:s3], [sflag:s2] =	dma.local @!p0 [hbm:s0], s1  }
0x1b7: {  	s0 =	simm.s32 @!p0 $0x4  }
0x1b8: {  	_ =	swait.ge @!p0 [sflag:s0], s1  }
0x1b9: {  	s1 =	ssub.s32 @!p0 $0x0, s1;
	[sflag:s0] =	ssyncset.done @!p0 $0x0  }
0x1ba: {  	[sflag:s0] =	ssyncadd.s32 @!p0 s1  }
0x1bb: {  	[bflag:$0x3] =	sbarrier.arrive $0xFFFF  }
0x1bc: {  	_ =	shalt  }

</sc_bundles>
